<compile_context>
chip_gen: v7x
topology: tpu7x:2x2x1
jax: 0.10.2.dev20260603
libtpu: 0.0.44.dev20260713+nightly
codegen_flags: <defaults>
</compile_context>

<pallas_src>
import functools

import jax
import jax.numpy as jnp
from jax import lax
from jax.experimental import pallas as pl
from jax.experimental.pallas import tpu as pltpu
from jax.experimental.pallas import tpu_sc as plsc

N = 160000
D = 128
S = 80000

NC = 2
NS = 16
NW = NC * NS
NPW = N // NW
CHUNK = 200
NCHUNK = NPW // CHUNK
CAP = 128
EXT = 16
SP = S + 16
G = 128
NG = NPW // G
GT = NPW - NG * G

_mesh = plsc.VectorSubcoreMesh(core_axis_name="c", subcore_axis_name="s")


def _wid():
    return lax.axis_index("s") * NC + lax.axis_index("c")


@functools.partial(
    pl.kernel,
    out_type=(jax.ShapeDtypeStruct((SP, D), jnp.float32),
              jax.ShapeDtypeStruct((2 * NW, D), jnp.float32),
              jax.ShapeDtypeStruct((2 * NW, 16), jnp.float32)),
    mesh=_mesh,
    scratch_types=[
        pltpu.VMEM((CHUNK, D), jnp.float32),
        pltpu.VMEM((CHUNK + 16,), jnp.int32),
        pltpu.VMEM((CAP, D), jnp.float32),
        pltpu.VMEM((CAP,), jnp.int32),
        pltpu.VMEM((16,), jnp.int32),
        pltpu.VMEM((2, D), jnp.float32),
        pltpu.VMEM((2, 16), jnp.float32),
        pltpu.SemaphoreType.DMA,
    ],
)
def _seg_scan_k(x_hbm, ids_hbm, means_hbm, side_hbm, meta_hbm,
                xbuf, idbuf, runbuf, ridbuf, firstbuf, sidebuf,
                metabuf, sem):
    wid = _wid()
    base = wid * NPW

    pltpu.sync_copy(ids_hbm.at[pl.ds(pl.multiple_of(base, 8), 16)], firstbuf)
    first_id = firstbuf[...][0]

    lane_iota = lax.iota(jnp.int32, 16)

    def scatter_flush():
        pltpu.async_copy(runbuf, means_hbm.at[ridbuf], sem).wait()

    def store_state(slot, rid, cnt, acc, pend):
        pend = jnp.where(lane_iota == jnp.bitwise_and(slot, 15), rid, pend)
        inv = (jnp.ones((16,), jnp.float32)
               / jnp.full((16,), jnp.maximum(cnt, jnp.float32(1.0)),
                          jnp.float32))
        for j in range(8):
            runbuf[slot, pl.ds(16 * j, 16)] = acc[j] * inv
        blk16 = pl.multiple_of(jnp.right_shift(slot, 4) * 16, 16)
        ridbuf[pl.ds(blk16, 16)] = pend
        return pend

    def row_step(rid, xs, st):
        (cur_id, cnt, own, slot, pend, fact, fcnt) = st[:7]
        acc = st[7:15]
        facc = st[15:]
        same = rid == cur_id
        do_flush = jnp.logical_and(jnp.logical_not(same), own)
        slot = slot + jnp.where(do_flush, 1, 0)

        @pl.when(slot == CAP)
        def _():
            scatter_flush()

        slot = jnp.where(slot == CAP, 0, slot)
        nacc = tuple(jnp.where(same, a + x, x) for a, x in zip(acc, xs))
        ncnt = jnp.where(same, cnt + jnp.float32(1.0), jnp.float32(1.0))
        nown = jnp.logical_or(own, jnp.logical_not(same))
        pend = store_state(slot, rid, ncnt, nacc, pend)
        nfact = jnp.logical_and(fact, rid == first_id)
        nfacc = tuple(f + jnp.where(nfact, x, jnp.float32(0.0))
                      for f, x in zip(facc, xs))
        nfcnt = fcnt + jnp.where(nfact, jnp.float32(1.0), jnp.float32(0.0))
        return (rid, ncnt, nown, slot, pend, nfact, nfcnt) + nacc + nfacc

    def chunk_body(ch, st):
        off = pl.multiple_of(base + ch * CHUNK, 8)
        pltpu.sync_copy(x_hbm.at[pl.ds(off, CHUNK), :], xbuf)
        pltpu.sync_copy(ids_hbm.at[pl.ds(off, CHUNK)], idbuf.at[pl.ds(0, CHUNK)])

        def row_body(r, st):
            rid = idbuf[pl.ds(r, 16)][0]
            xs = tuple(xbuf[r, pl.ds(16 * j, 16)] for j in range(8))
            return row_step(rid, xs, st)

        return lax.fori_loop(0, CHUNK, row_body, st)

    zero8 = tuple(jnp.zeros((16,), jnp.float32) for _ in range(8))
    st0 = ((jnp.int32(-1), jnp.float32(0.0), jnp.bool_(False), jnp.int32(0),
            jnp.zeros((16,), jnp.int32), jnp.bool_(True), jnp.float32(0.0))
           + zero8 + zero8)
    st = lax.fori_loop(0, NCHUNK, chunk_body, st0)
    (cur_id, cnt, own, slot) = st[0], st[1], st[2], st[3]
    acc = st[7:15]
    fcnt = st[6]
    facc = st[15:]

    for j in range(8):
        sidebuf[0, pl.ds(16 * j, 16)] = facc[j]
        sidebuf[1, pl.ds(16 * j, 16)] = acc[j]
    fidf = jnp.float32(first_id)
    cidf = jnp.float32(cur_id)
    ownf = jnp.where(own, jnp.float32(1.0), jnp.float32(0.0))
    meta0 = jnp.where(lane_iota == 0, fcnt,
                      jnp.where(lane_iota == 1, fidf,
                                jnp.where(lane_iota == 2, jnp.float32(1.0),
                                          jnp.float32(0.0))))
    meta1 = jnp.where(lane_iota == 0, cnt,
                      jnp.where(lane_iota == 1, cidf,
                                jnp.where(lane_iota == 2, ownf,
                                          jnp.float32(0.0))))
    metabuf[0, pl.ds(0, 16)] = meta0
    metabuf[1, pl.ds(0, 16)] = meta1
    pltpu.sync_copy(sidebuf, side_hbm.at[pl.ds(2 * wid, 2), :])
    pltpu.sync_copy(metabuf, meta_hbm.at[pl.ds(2 * wid, 2), :])

    for kb in range(CAP // 16):
        idxv = lane_iota + kb * 16
        old = ridbuf[pl.ds(kb * 16, 16)]
        ridbuf[pl.ds(kb * 16, 16)] = jnp.where(idxv >= slot, jnp.int32(S), old)
    scatter_flush()


@functools.partial(
    pl.kernel,
    out_type=(jax.ShapeDtypeStruct((2 * NW, D), jnp.float32),
              jax.ShapeDtypeStruct((1, 2 * NW), jnp.float32)),
    mesh=_mesh,
    scratch_types=[
        pltpu.VMEM((2 * NW, D), jnp.float32),
        pltpu.VMEM((2 * NW, 16), jnp.float32),
        pltpu.VMEM((2 * NW, D), jnp.float32),
        pltpu.VMEM((1, 2 * NW), jnp.float32),
    ],
)
def _merge_k(side_hbm, meta_hbm, bmean_hbm, bid_hbm, sbuf, mbuf, obuf, oidbuf):
    pltpu.sync_copy(side_hbm, sbuf)
    pltpu.sync_copy(meta_hbm, mbuf)
    lane_iota = lax.iota(jnp.int32, 16)

    def zero_row(e, _):
        for j in range(8):
            obuf[e, pl.ds(16 * j, 16)] = jnp.zeros((16,), jnp.float32)
        return 0

    lax.fori_loop(0, 2 * NW, zero_row, 0)

    def store_state(slot, idf, cnt, acc, pend):
        pend = jnp.where(lane_iota == jnp.bitwise_and(slot, 15), idf, pend)
        inv = (jnp.ones((16,), jnp.float32)
               / jnp.full((16,), jnp.maximum(cnt, jnp.float32(1.0)),
                          jnp.float32))
        for j in range(8):
            obuf[slot, pl.ds(16 * j, 16)] = acc[j] * inv
        blk16 = pl.multiple_of(jnp.right_shift(slot, 4) * 16, 16)
        oidbuf[0, pl.ds(blk16, 16)] = pend
        return pend

    def ent_step(e, st):
        (cur_id, cnt, own, slot, pend) = st[:5]
        acc = st[5:]
        mrow = mbuf[e, pl.ds(0, 16)]
        ecnt, eid, evalid = mrow[0], mrow[1], mrow[2]
        valid = evalid > jnp.float32(0.5)
        xs = tuple(sbuf[e, pl.ds(16 * j, 16)] for j in range(8))
        same = jnp.logical_or(eid == cur_id, jnp.logical_not(valid))
        do_flush = jnp.logical_and(jnp.logical_not(same), own)
        slot = slot + jnp.where(do_flush, 1, 0)
        gate = jnp.logical_and(valid, jnp.bool_(True))
        add = jnp.where(gate, jnp.float32(1.0), jnp.float32(0.0))
        nacc = tuple(jnp.where(same, a + x * add, x)
                     for a, x in zip(acc, xs))
        ncnt = jnp.where(same, cnt + ecnt * add, ecnt)
        nid = jnp.where(valid, eid, cur_id)
        nown = jnp.logical_or(own, jnp.logical_not(same))
        pend = store_state(slot, nid, ncnt, nacc, pend)
        return (nid, ncnt, nown, slot, pend) + nacc

    zero8 = tuple(jnp.zeros((16,), jnp.float32) for _ in range(8))
    st0 = ((jnp.float32(-1.0), jnp.float32(0.0), jnp.bool_(False),
            jnp.int32(0), jnp.zeros((16,), jnp.float32)) + zero8)
    st = lax.fori_loop(0, 2 * NW, ent_step, st0)
    own, slot, pend = st[2], st[3], st[4]
    slot_eff = slot + jnp.where(own, 1, 0)

    for kb in range((2 * NW) // 16):
        idxv = lane_iota + kb * 16
        old = oidbuf[0, pl.ds(kb * 16, 16)]
        oidbuf[0, pl.ds(kb * 16, 16)] = jnp.where(idxv >= slot_eff,
                                                  jnp.float32(-1.0), old)
    pltpu.sync_copy(obuf, bmean_hbm)
    pltpu.sync_copy(oidbuf, bid_hbm)


def _proj_body(x_ref, w1_ref, w2_ref, b1_ref, b2_ref, o_ref):
    hi = jax.lax.Precision.HIGHEST
    w = jnp.dot(w1_ref[...], w2_ref[...], precision=hi,
                preferred_element_type=jnp.float32)
    b = jnp.dot(b1_ref[...], w2_ref[...], precision=hi,
                preferred_element_type=jnp.float32) + b2_ref[...]
    o_ref[...] = jnp.dot(x_ref[...], w, precision=hi,
                         preferred_element_type=jnp.float32) + b


def _proj(x, w1, w2, b1, b2, blk):
    rows = x.shape[0]
    grid = rows // blk
    return pl.pallas_call(
        _proj_body,
        grid=(grid,),
        in_specs=[
            pl.BlockSpec((blk, D), lambda i: (i, 0)),
            pl.BlockSpec((D, D), lambda i: (0, 0)),
            pl.BlockSpec((D, D), lambda i: (0, 0)),
            pl.BlockSpec((1, D), lambda i: (0, 0)),
            pl.BlockSpec((1, D), lambda i: (0, 0)),
        ],
        out_specs=pl.BlockSpec((blk, D), lambda i: (i, 0)),
        out_shape=jax.ShapeDtypeStruct((rows, D), jnp.float32),
    )(x, w1, w2, b1.reshape(1, D), b2.reshape(1, D))


def _proj_patch_body(x_ref, bm_ref, bi_ref, w1_ref, w2_ref, b1_ref, b2_ref,
                     o_ref):
    hi = jax.lax.Precision.HIGHEST
    i = pl.program_id(0)
    blk = x_ref.shape[0]
    w = jnp.dot(w1_ref[...], w2_ref[...], precision=hi,
                preferred_element_type=jnp.float32)
    b = jnp.dot(b1_ref[...], w2_ref[...], precision=hi,
                preferred_element_type=jnp.float32) + b2_ref[...]
    rowid = (jax.lax.broadcasted_iota(jnp.int32, (blk, 2 * NW), 0)
             + blk * i).astype(jnp.float32)
    eq = (rowid == bi_ref[...]).astype(jnp.float32)
    corr = jnp.dot(eq, bm_ref[...], precision=hi,
                   preferred_element_type=jnp.float32)
    hasb = jnp.sum(eq, axis=1, keepdims=True)
    means = jnp.where(hasb > 0, corr, x_ref[...])
    o_ref[...] = jnp.dot(means, w, precision=hi,
                         preferred_element_type=jnp.float32) + b


def _proj_patch(x, bm, bi, w1, w2, b1, b2, blk):
    rows = x.shape[0]
    grid = rows // blk
    return pl.pallas_call(
        _proj_patch_body,
        grid=(grid,),
        in_specs=[
            pl.BlockSpec((blk, D), lambda i: (i, 0)),
            pl.BlockSpec((2 * NW, D), lambda i: (0, 0)),
            pl.BlockSpec((1, 2 * NW), lambda i: (0, 0)),
            pl.BlockSpec((D, D), lambda i: (0, 0)),
            pl.BlockSpec((D, D), lambda i: (0, 0)),
            pl.BlockSpec((1, D), lambda i: (0, 0)),
            pl.BlockSpec((1, D), lambda i: (0, 0)),
        ],
        out_specs=pl.BlockSpec((blk, D), lambda i: (i, 0)),
        out_shape=jax.ShapeDtypeStruct((rows, D), jnp.float32),
    )(x, bm, bi, w1, w2, b1.reshape(1, D), b2.reshape(1, D))


@functools.partial(
    pl.kernel,
    out_type=jax.ShapeDtypeStruct((N, D), jnp.float32),
    mesh=_mesh,
    scratch_types=[
        pltpu.VMEM((G,), jnp.int32),
        pltpu.VMEM((G, D), jnp.float32),
        pltpu.VMEM((G, D), jnp.float32),
        pltpu.SemaphoreType.DMA,
        pltpu.SemaphoreType.DMA,
    ],
)
def _gather_add_k(part_hbm, pd_hbm, ids_hbm, out_hbm, idbuf, pbuf, gbuf, sem,
                  sem2):
    wid = _wid()
    base = wid * NPW

    def do_chunk(pos, g):
        pos = pl.multiple_of(pos, 8)
        cp_p = pltpu.async_copy(part_hbm.at[pl.ds(pos, g), :],
                                pbuf.at[pl.ds(0, g), :], sem2)
        pltpu.sync_copy(ids_hbm.at[pl.ds(pos, g)], idbuf.at[pl.ds(0, g)])
        cp_g = pltpu.async_copy(pd_hbm.at[idbuf.at[pl.ds(0, g)]],
                                gbuf.at[pl.ds(0, g), :], sem)
        cp_p.wait()
        cp_g.wait()

        def row_body(r, _):
            for j in range(8):
                sl = pl.ds(16 * j, 16)
                pbuf[r, sl] = pbuf[r, sl] + gbuf[r, sl]
            return 0

        lax.fori_loop(0, g, row_body, 0)
        pltpu.sync_copy(pbuf.at[pl.ds(0, g), :], out_hbm.at[pl.ds(pos, g), :])

    def chunk_body(ch, _):
        do_chunk(base + ch * G, G)
        return 0

    lax.fori_loop(0, NG, chunk_body, 0)
    do_chunk(base + NG * G, GT)


def kernel(input_feat, segment_ids, W_in, b_in, W_down, b_down, W_skip, b_skip):
    ids32 = segment_ids.astype(jnp.int32)
    means, sides, metas = _seg_scan_k(input_feat, ids32)
    bmeans, bids = _merge_k(sides, metas)
    partial = _proj(input_feat, W_in, W_skip, b_in, b_skip, 2000)
    pd = _proj_patch(means[:S], bmeans, bids,
                     W_in, W_down, b_in, b_down, 2000)
    return _gather_add_k(partial, pd, ids32)

# --- scband reference (transcript-rebuilt; emitter-appended) ---
"""Pipeline reference for scband-hourglass-module-12627203851176 (READ-ONLY COPY).

The authoritative reference and input builder live on the scoring server;
editing this copy changes nothing except your own understanding.
"""

import jax, jax.numpy as jnp
import numpy as np

N = 160000
D = 128
S = 80000  # reduced_N (subbuck_size=2)

def setup_inputs(seed: int = 0) -> dict:
    key = jax.random.key(seed)
    ks = jax.random.split(key, 8)
    input_feat = jax.random.normal(ks[0], (N, D), dtype=jnp.float32)
    segment_ids = jnp.sort(jax.random.randint(ks[1], (N,), 0, S, dtype=jnp.int64))
    scale = 1.0 / np.sqrt(D)
    W_in = jax.random.normal(ks[2], (D, D), dtype=jnp.float32) * scale
    b_in = jnp.zeros((D,), dtype=jnp.float32)
    W_down = jax.random.normal(ks[3], (D, D), dtype=jnp.float32) * scale
    b_down = jnp.zeros((D,), dtype=jnp.float32)
    W_skip = jax.random.normal(ks[4], (D, D), dtype=jnp.float32) * scale
    b_skip = jnp.zeros((D,), dtype=jnp.float32)
    return {"input_feat": input_feat, "segment_ids": segment_ids,
            "W_in": W_in, "b_in": b_in,
            "W_down": W_down, "b_down": b_down,
            "W_skip": W_skip, "b_skip": b_skip}

def reference(input_feat, segment_ids, W_in, b_in, W_down, b_down, W_skip, b_skip):
    # PoolingWrapper: input projection
    projected = input_feat @ W_in + b_in
    # InbucketPoolingLayer with reduction_op='mean': segment mean over subbuckets
    sums = jax.ops.segment_sum(projected, segment_ids, num_segments=S)
    counts = jax.ops.segment_sum(jnp.ones((projected.shape[0], 1), projected.dtype),
                                 segment_ids, num_segments=S)
    reduced_feat = sums / jnp.maximum(counts, 1.0)
    # submodule = None -> identity over reduced features
    down = reduced_feat
    # AdditiveUnpoolingWrapper: project downsampled and skip (residual) features
    proj_down = down @ W_down + b_down
    proj_skip = projected @ W_skip + b_skip
    # AdditiveUnpoolLayer: unpool reduced features back to full resolution via gather and add
    output = proj_skip + jnp.take(proj_down, segment_ids, axis=0)
    return output

if __name__ == "__main__":
    import jax
    _d = setup_inputs()
    print(jax.jit(kernel)(*tuple(_d.values())))

</pallas_src>

<mosaic_0001>
#map = affine_map<(d0, d1) -> (0, 0)>
#map1 = affine_map<(d0, d1) -> (0)>
module attributes {stable_mosaic.version = 14 : i64} {
  func.func @_gather_add_k(%arg0: i32, %arg1: i32, %arg2: memref<160000x128xf32, #tpu.memory_space<hbm>>, %arg3: memref<80000x128xf32, #tpu.memory_space<hbm>>, %arg4: memref<160000xi32, #tpu.memory_space<hbm>>, %arg5: memref<160000x128xf32, #tpu.memory_space<hbm>>, %arg6: memref<128xi32, #tpu.memory_space<vmem>>, %arg7: memref<128x128xf32, #tpu.memory_space<vmem>>, %arg8: memref<128x128xf32, #tpu.memory_space<vmem>>, %arg9: memref<!tpu.dma_semaphore, #tpu.memory_space<semaphore_mem>>, %arg10: memref<!tpu.dma_semaphore, #tpu.memory_space<semaphore_mem>>) attributes {dimension_semantics = [#tpu.dimension_semantics<core_parallel>, #tpu.dimension_semantics<subcore_parallel>], iteration_bounds = array<i64: 2, 16>, scalar_prefetch = 0 : i64, scratch_operands = 5 : i64, tpu.core_type = #tpu.core_type<sc_vector_subcore>, window_params = [{transform_indices = #map}, {transform_indices = #map}, {transform_indices = #map1}, {transform_indices = #map}]} {
    %mul3A = arith.constant 2 : i32
    %mul3A_0 = arith.muli %arg1, %mul3A : i32
    %add3A = arith.addi %mul3A_0, %arg0 : i32
    %mul3A_1 = arith.constant 5000 : i32
    %mul3A_2 = arith.muli %add3A, %mul3A_1 : i32
    %scan3A = arith.constant 0 : i32
    %scan3A_3 = arith.constant 0 : i32
    %scan3A_4 = arith.constant 39 : i32
    %scan3A_5 = arith.addi %scan3A_3, %scan3A_4 : i32
    %scan3A_6 = arith.constant 1 : i32
    %scan3A_7 = scf.for %scan3A_52 = %scan3A_3 to %scan3A_5 step %scan3A_6 iter_args(%scan3A_53 = %scan3A) -> (i32)  : i32 {
      %mul3A_54 = arith.constant 128 : i32
      %mul3A_55 = arith.muli %scan3A_52, %mul3A_54 : i32
      %add3A_56 = arith.addi %mul3A_2, %mul3A_55 : i32
      %multiple_of3A_57 = tpu.assume_multiple %add3A_56, 8 : i32
      %dma_start3A_58 = arith.constant 0 : i32
      %dma_start3A_59 = arith.constant 0 : i32
      %dma_start3A_60 = tpu.memref_slice %arg7[%dma_start3A_58, %dma_start3A_59] : memref<128x128xf32, #tpu.memory_space<vmem>> -> memref<128x128xf32, #tpu.memory_space<vmem>>
      %dma_start3A_61 = arith.constant 0 : i32
      %dma_start3A_62 = tpu.memref_slice %arg2[%multiple_of3A_57, %dma_start3A_61] : memref<160000x128xf32, #tpu.memory_space<hbm>> -> memref<128x128xf32, #tpu.memory_space<hbm>>
      %dma_start3A_63 = arith.constant 0 : i32
      %dma_start3A_64 = arith.constant 0 : i32
      %dma_start3A_65 = tpu.memref_slice %arg7[%dma_start3A_63, %dma_start3A_64] : memref<128x128xf32, #tpu.memory_space<vmem>> -> memref<128x128xf32, #tpu.memory_space<vmem>>
      %dma_start3A_66 = arith.constant 0 : i32
      %dma_start3A_67 = tpu.memref_slice %arg2[%multiple_of3A_57, %dma_start3A_66] : memref<160000x128xf32, #tpu.memory_space<hbm>> -> memref<128x128xf32, #tpu.memory_space<hbm>>
      tpu.enqueue_dma source(%dma_start3A_67 : memref<128x128xf32, #tpu.memory_space<hbm>>) target(%dma_start3A_65 : memref<128x128xf32, #tpu.memory_space<vmem>>) target_semaphore(%arg10 : memref<!tpu.dma_semaphore, #tpu.memory_space<semaphore_mem>>)
      "tpu.region"() ({
        %run_scoped3A = tpu.sem_alloc : memref<!tpu.dma_semaphore, #tpu.memory_space<semaphore_mem>>
        %dma_start3A_102 = arith.constant 0 : i32
        %dma_start3A_103 = tpu.memref_slice %arg6[%dma_start3A_102] : memref<128xi32, #tpu.memory_space<vmem>> -> memref<128xi32, #tpu.memory_space<vmem>>
        %dma_start3A_104 = tpu.memref_slice %arg4[%multiple_of3A_57] : memref<160000xi32, #tpu.memory_space<hbm>> -> memref<128xi32, #tpu.memory_space<hbm>>
        %dma_start3A_105 = arith.constant 0 : i32
        %dma_start3A_106 = tpu.memref_slice %arg6[%dma_start3A_105] : memref<128xi32, #tpu.memory_space<vmem>> -> memref<128xi32, #tpu.memory_space<vmem>>
        %dma_start3A_107 = tpu.memref_slice %arg4[%multiple_of3A_57] : memref<160000xi32, #tpu.memory_space<hbm>> -> memref<128xi32, #tpu.memory_space<hbm>>
        tpu.enqueue_dma source(%dma_start3A_107 : memref<128xi32, #tpu.memory_space<hbm>>) target(%dma_start3A_106 : memref<128xi32, #tpu.memory_space<vmem>>) target_semaphore(%run_scoped3A : memref<!tpu.dma_semaphore, #tpu.memory_space<semaphore_mem>>)
        %dma_wait3A_108 = arith.constant 0 : i32
        %dma_wait3A_109 = tpu.memref_slice %arg6[%dma_wait3A_108] : memref<128xi32, #tpu.memory_space<vmem>> -> memref<128xi32, #tpu.memory_space<vmem>>
        %dma_wait3A_110 = tpu.memref_slice %arg4[%multiple_of3A_57] : memref<160000xi32, #tpu.memory_space<hbm>> -> memref<128xi32, #tpu.memory_space<hbm>>
        %dma_wait3A_111 = arith.constant 0 : i32
        %dma_wait3A_112 = tpu.memref_slice %arg6[%dma_wait3A_111] : memref<128xi32, #tpu.memory_space<vmem>> -> memref<128xi32, #tpu.memory_space<vmem>>
        %dma_wait3A_113 = tpu.memref_slice %arg4[%multiple_of3A_57] : memref<160000xi32, #tpu.memory_space<hbm>> -> memref<128xi32, #tpu.memory_space<hbm>>
        tpu.wait_dma2 semaphore(%run_scoped3A : memref<!tpu.dma_semaphore, #tpu.memory_space<semaphore_mem>>) src(%dma_wait3A_113 : memref<128xi32, #tpu.memory_space<hbm>>) dst(%dma_wait3A_112 : memref<128xi32, #tpu.memory_space<vmem>>)
        tpu.yield
      }) : () -> ()
      %dma_start3A_68 = arith.constant 0 : i32
      %dma_start3A_69 = arith.constant 0 : i32
      %dma_start3A_70 = tpu.memref_slice %arg8[%dma_start3A_68, %dma_start3A_69] : memref<128x128xf32, #tpu.memory_space<vmem>> -> memref<128x128xf32, #tpu.memory_space<vmem>>
      %dma_start3A_71 = arith.constant 0 : i32
      %dma_start3A_72 = tpu.memref_slice %arg6[%dma_start3A_71] : memref<128xi32, #tpu.memory_space<vmem>> -> memref<128xi32, #tpu.memory_space<vmem>>
      %dma_start3A_73 = arith.constant 0 : i32
      %dma_start3A_74 = arith.constant 0 : i32
      %dma_start3A_75 = tpu.memref_slice %arg3[%dma_start3A_73, %dma_start3A_74] : memref<80000x128xf32, #tpu.memory_space<hbm>> -> memref<80000x128xf32, #tpu.memory_space<hbm>>
      tpu.enqueue_indirect_dma source(%dma_start3A_75 : memref<80000x128xf32, #tpu.memory_space<hbm>>) target(%dma_start3A_70 : memref<128x128xf32, #tpu.memory_space<vmem>>) offsets(%dma_start3A_72 : memref<128xi32, #tpu.memory_space<vmem>>) semaphore(%arg9 : memref<!tpu.dma_semaphore, #tpu.memory_space<semaphore_mem>>)
      %dma_wait3A_76 = arith.constant 0 : i32
      %dma_wait3A_77 = arith.constant 0 : i32
      %dma_wait3A_78 = tpu.memref_slice %arg7[%dma_wait3A_76, %dma_wait3A_77] : memref<128x128xf32, #tpu.memory_space<vmem>> -> memref<128x128xf32, #tpu.memory_space<vmem>>
      %dma_wait3A_79 = arith.constant 0 : i32
      %dma_wait3A_80 = tpu.memref_slice %arg2[%multiple_of3A_57, %dma_wait3A_79] : memref<160000x128xf32, #tpu.memory_space<hbm>> -> memref<128x128xf32, #tpu.memory_space<hbm>>
      %dma_wait3A_81 = arith.constant 0 : i32
      %dma_wait3A_82 = arith.constant 0 : i32
      %dma_wait3A_83 = tpu.memref_slice %arg7[%dma_wait3A_81, %dma_wait3A_82] : memref<128x128xf32, #tpu.memory_space<vmem>> -> memref<128x128xf32, #tpu.memory_space<vmem>>
      %dma_wait3A_84 = arith.constant 0 : i32
      %dma_wait3A_85 = tpu.memref_slice %arg2[%multiple_of3A_57, %dma_wait3A_84] : memref<160000x128xf32, #tpu.memory_space<hbm>> -> memref<128x128xf32, #tpu.memory_space<hbm>>
      tpu.wait_dma2 semaphore(%arg10 : memref<!tpu.dma_semaphore, #tpu.memory_space<semaphore_mem>>) src(%dma_wait3A_85 : memref<128x128xf32, #tpu.memory_space<hbm>>) dst(%dma_wait3A_83 : memref<128x128xf32, #tpu.memory_space<vmem>>)
      %dma_wait3A_86 = arith.constant 0 : i32
      %dma_wait3A_87 = arith.constant 0 : i32
      %dma_wait3A_88 = tpu.memref_slice %arg8[%dma_wait3A_86, %dma_wait3A_87] : memref<128x128xf32, #tpu.memory_space<vmem>> -> memref<128x128xf32, #tpu.memory_space<vmem>>
      %dma_wait3A_89 = arith.constant 0 : i32
      %dma_wait3A_90 = tpu.memref_slice %arg6[%dma_wait3A_89] : memref<128xi32, #tpu.memory_space<vmem>> -> memref<128xi32, #tpu.memory_space<vmem>>
      %dma_wait3A_91 = arith.constant 0 : i32
      %dma_wait3A_92 = arith.constant 0 : i32
      %dma_wait3A_93 = tpu.memref_slice %arg3[%dma_wait3A_91, %dma_wait3A_92] : memref<80000x128xf32, #tpu.memory_space<hbm>> -> memref<80000x128xf32, #tpu.memory_space<hbm>>
      tpu.wait_indirect_dma semaphore(%arg9 : memref<!tpu.dma_semaphore, #tpu.memory_space<semaphore_mem>>) src(%dma_wait3A_93 : memref<80000x128xf32, #tpu.memory_space<hbm>>) dst(%dma_wait3A_88 : memref<128x128xf32, #tpu.memory_space<vmem>>)
      %scan3A_94 = arith.constant 0 : i32
      %scan3A_95 = arith.constant 0 : i32
      %scan3A_96 = arith.constant 128 : i32
      %scan3A_97 = arith.addi %scan3A_95, %scan3A_96 : i32
      %scan3A_98 = arith.constant 1 : i32
      %scan3A_99 = scf.for %scan3A_102 = %scan3A_95 to %scan3A_97 step %scan3A_98 iter_args(%scan3A_103 = %scan3A_94) -> (i32)  : i32 {
        %get3A = arith.index_cast %scan3A_102 : i32 to index
        %get3A_104 = arith.constant 0 : index
        %get3A_105 = tpu.vector_load %arg7[%get3A, %get3A_104] {strides = array<i32>} : memref<128x128xf32, #tpu.memory_space<vmem>>, vector<1x16xf32>,
        %get3A_106 = vector.shape_cast %get3A_105 : vector<1x16xf32> to vector<16xf32>
        %get3A_107 = arith.index_cast %scan3A_102 : i32 to index
        %get3A_108 = arith.constant 0 : index
        %get3A_109 = tpu.vector_load %arg8[%get3A_107, %get3A_108] {strides = array<i32>} : memref<128x128xf32, #tpu.memory_space<vmem>>, vector<1x16xf32>,
        %get3A_110 = vector.shape_cast %get3A_109 : vector<1x16xf32> to vector<16xf32>
        %add3A_111 = arith.addf %get3A_106, %get3A_110 : vector<16xf32>
        %swap3A = arith.index_cast %scan3A_102 : i32 to index
        %swap3A_112 = arith.constant 0 : index
        %swap3A_113 = tpu.vector_load %arg7[%swap3A, %swap3A_112] {strides = array<i32>} : memref<128x128xf32, #tpu.memory_space<vmem>>, vector<1x16xf32>,
        %swap3A_114 = vector.shape_cast %swap3A_113 : vector<1x16xf32> to vector<16xf32>
        %swap3A_115 = vector.shape_cast %add3A_111 : vector<16xf32> to vector<1x16xf32>
        tpu.vector_store %arg7[%swap3A, %swap3A_112], %swap3A_115 {strides = array<i32>} : memref<128x128xf32, #tpu.memory_space<vmem>>, vector<1x16xf32>,
        %get3A_116 = arith.index_cast %scan3A_102 : i32 to index
        %get3A_117 = arith.constant 16 : index
        %get3A_118 = tpu.vector_load %arg7[%get3A_116, %get3A_117] {strides = array<i32>} : memref<128x128xf32, #tpu.memory_space<vmem>>, vector<1x16xf32>,
        %get3A_119 = vector.shape_cast %get3A_118 : vector<1x16xf32> to vector<16xf32>
        %get3A_120 = arith.index_cast %scan3A_102 : i32 to index
        %get3A_121 = arith.constant 16 : index
        %get3A_122 = tpu.vector_load %arg8[%get3A_120, %get3A_121] {strides = array<i32>} : memref<128x128xf32, #tpu.memory_space<vmem>>, vector<1x16xf32>,
        %get3A_123 = vector.shape_cast %get3A_122 : vector<1x16xf32> to vector<16xf32>
        %add3A_124 = arith.addf %get3A_119, %get3A_123 : vector<16xf32>
        %swap3A_125 = arith.index_cast %scan3A_102 : i32 to index
        %swap3A_126 = arith.constant 16 : index
        %swap3A_127 = tpu.vector_load %arg7[%swap3A_125, %swap3A_126] {strides = array<i32>} : memref<128x128xf32, #tpu.memory_space<vmem>>, vector<1x16xf32>,
        %swap3A_128 = vector.shape_cast %swap3A_127 : vector<1x16xf32> to vector<16xf32>
        %swap3A_129 = vector.shape_cast %add3A_124 : vector<16xf32> to vector<1x16xf32>
        tpu.vector_store %arg7[%swap3A_125, %swap3A_126], %swap3A_129 {strides = array<i32>} : memref<128x128xf32, #tpu.memory_space<vmem>>, vector<1x16xf32>,
        %get3A_130 = arith.index_cast %scan3A_102 : i32 to index
        %get3A_131 = arith.constant 32 : index
        %get3A_132 = tpu.vector_load %arg7[%get3A_130, %get3A_131] {strides = array<i32>} : memref<128x128xf32, #tpu.memory_space<vmem>>, vector<1x16xf32>,
        %get3A_133 = vector.shape_cast %get3A_132 : vector<1x16xf32> to vector<16xf32>
        %get3A_134 = arith.index_cast %scan3A_102 : i32 to index
        %get3A_135 = arith.constant 32 : index
        %get3A_136 = tpu.vector_load %arg8[%get3A_134, %get3A_135] {strides = array<i32>} : memref<128x128xf32, #tpu.memory_space<vmem>>, vector<1x16xf32>,
        %get3A_137 = vector.shape_cast %get3A_136 : vector<1x16xf32> to vector<16xf32>
        %add3A_138 = arith.addf %get3A_133, %get3A_137 : vector<16xf32>
        %swap3A_139 = arith.index_cast %scan3A_102 : i32 to index
        %swap3A_140 = arith.constant 32 : index
        %swap3A_141 = tpu.vector_load %arg7[%swap3A_139, %swap3A_140] {strides = array<i32>} : memref<128x128xf32, #tpu.memory_space<vmem>>, vector<1x16xf32>,
        %swap3A_142 = vector.shape_cast %swap3A_141 : vector<1x16xf32> to vector<16xf32>
        %swap3A_143 = vector.shape_cast %add3A_138 : vector<16xf32> to vector<1x16xf32>
        tpu.vector_store %arg7[%swap3A_139, %swap3A_140], %swap3A_143 {strides = array<i32>} : memref<128x128xf32, #tpu.memory_space<vmem>>, vector<1x16xf32>,
        %get3A_144 = arith.index_cast %scan3A_102 : i32 to index
        %get3A_145 = arith.constant 48 : index
        %get3A_146 = tpu.vector_load %arg7[%get3A_144, %get3A_145] {strides = array<i32>} : memref<128x128xf32, #tpu.memory_space<vmem>>, vector<1x16xf32>,
        %get3A_147 = vector.shape_cast %get3A_146 : vector<1x16xf32> to vector<16xf32>
        %get3A_148 = arith.index_cast %scan3A_102 : i32 to index
        %get3A_149 = arith.constant 48 : index
        %get3A_150 = tpu.vector_load %arg8[%get3A_148, %get3A_149] {strides = array<i32>} : memref<128x128xf32, #tpu.memory_space<vmem>>, vector<1x16xf32>,
        %get3A_151 = vector.shape_cast %get3A_150 : vector<1x16xf32> to vector<16xf32>
        %add3A_152 = arith.addf %get3A_147, %get3A_151 : vector<16xf32>
        %swap3A_153 = arith.index_cast %scan3A_102 : i32 to index
        %swap3A_154 = arith.constant 48 : index
        %swap3A_155 = tpu.vector_load %arg7[%swap3A_153, %swap3A_154] {strides = array<i32>} : memref<128x128xf32, #tpu.memory_space<vmem>>, vector<1x16xf32>,
        %swap3A_156 = vector.shape_cast %swap3A_155 : vector<1x16xf32> to vector<16xf32>
        %swap3A_157 = vector.shape_cast %add3A_152 : vector<16xf32> to vector<1x16xf32>
        tpu.vector_store %arg7[%swap3A_153, %swap3A_154], %swap3A_157 {strides = array<i32>} : memref<128x128xf32, #tpu.memory_space<vmem>>, vector<1x16xf32>,
        %get3A_158 = arith.index_cast %scan3A_102 : i32 to index
        %get3A_159 = arith.constant 64 : index
        %get3A_160 = tpu.vector_load %arg7[%get3A_158, %get3A_159] {strides = array<i32>} : memref<128x128xf32, #tpu.memory_space<vmem>>, vector<1x16xf32>,
        %get3A_161 = vector.shape_cast %get3A_160 : vector<1x16xf32> to vector<16xf32>
        %get3A_162 = arith.index_cast %scan3A_102 : i32 to index
        %get3A_163 = arith.constant 64 : index
        %get3A_164 = tpu.vector_load %arg8[%get3A_162, %get3A_163] {strides = array<i32>} : memref<128x128xf32, #tpu.memory_space<vmem>>, vector<1x16xf32>,
        %get3A_165 = vector.shape_cast %get3A_164 : vector<1x16xf32> to vector<16xf32>
        %add3A_166 = arith.addf %get3A_161, %get3A_165 : vector<16xf32>
        %swap3A_167 = arith.index_cast %scan3A_102 : i32 to index
        %swap3A_168 = arith.constant 64 : index
        %swap3A_169 = tpu.vector_load %arg7[%swap3A_167, %swap3A_168] {strides = array<i32>} : memref<128x128xf32, #tpu.memory_space<vmem>>, vector<1x16xf32>,
        %swap3A_170 = vector.shape_cast %swap3A_169 : vector<1x16xf32> to vector<16xf32>
        %swap3A_171 = vector.shape_cast %add3A_166 : vector<16xf32> to vector<1x16xf32>
        tpu.vector_store %arg7[%swap3A_167, %swap3A_168], %swap3A_171 {strides = array<i32>} : memref<128x128xf32, #tpu.memory_space<vmem>>, vector<1x16xf32>,
        %get3A_172 = arith.index_cast %scan3A_102 : i32 to index
        %get3A_173 = arith.constant 80 : index
        %get3A_174 = tpu.vector_load %arg7[%get3A_172, %get3A_173] {strides = array<i32>} : memref<128x128xf32, #tpu.memory_space<vmem>>, vector<1x16xf32>,
        %get3A_175 = vector.shape_cast %get3A_174 : vector<1x16xf32> to vector<16xf32>
        %get3A_176 = arith.index_cast %scan3A_102 : i32 to index
        %get3A_177 = arith.constant 80 : index
        %get3A_178 = tpu.vector_load %arg8[%get3A_176, %get3A_177] {strides = array<i32>} : memref<128x128xf32, #tpu.memory_space<vmem>>, vector<1x16xf32>,
        %get3A_179 = vector.shape_cast %get3A_178 : vector<1x16xf32> to vector<16xf32>
        %add3A_180 = arith.addf %get3A_175, %get3A_179 : vector<16xf32>
        %swap3A_181 = arith.index_cast %scan3A_102 : i32 to index
        %swap3A_182 = arith.constant 80 : index
        %swap3A_183 = tpu.vector_load %arg7[%swap3A_181, %swap3A_182] {strides = array<i32>} : memref<128x128xf32, #tpu.memory_space<vmem>>, vector<1x16xf32>,
        %swap3A_184 = vector.shape_cast %swap3A_183 : vector<1x16xf32> to vector<16xf32>
        %swap3A_185 = vector.shape_cast %add3A_180 : vector<16xf32> to vector<1x16xf32>
        tpu.vector_store %arg7[%swap3A_181, %swap3A_182], %swap3A_185 {strides = array<i32>} : memref<128x128xf32, #tpu.memory_space<vmem>>, vector<1x16xf32>,
        %get3A_186 = arith.index_cast %scan3A_102 : i32 to index
        %get3A_187 = arith.constant 96 : index
        %get3A_188 = tpu.vector_load %arg7[%get3A_186, %get3A_187] {strides = array<i32>} : memref<128x128xf32, #tpu.memory_space<vmem>>, vector<1x16xf32>,
        %get3A_189 = vector.shape_cast %get3A_188 : vector<1x16xf32> to vector<16xf32>
        %get3A_190 = arith.index_cast %scan3A_102 : i32 to index
        %get3A_191 = arith.constant 96 : index
        %get3A_192 = tpu.vector_load %arg8[%get3A_190, %get3A_191] {strides = array<i32>} : memref<128x128xf32, #tpu.memory_space<vmem>>, vector<1x16xf32>,
        %get3A_193 = vector.shape_cast %get3A_192 : vector<1x16xf32> to vector<16xf32>
        %add3A_194 = arith.addf %get3A_189, %get3A_193 : vector<16xf32>
        %swap3A_195 = arith.index_cast %scan3A_102 : i32 to index
        %swap3A_196 = arith.constant 96 : index
        %swap3A_197 = tpu.vector_load %arg7[%swap3A_195, %swap3A_196] {strides = array<i32>} : memref<128x128xf32, #tpu.memory_space<vmem>>, vector<1x16xf32>,
        %swap3A_198 = vector.shape_cast %swap3A_197 : vector<1x16xf32> to vector<16xf32>
        %swap3A_199 = vector.shape_cast %add3A_194 : vector<16xf32> to vector<1x16xf32>
        tpu.vector_store %arg7[%swap3A_195, %swap3A_196], %swap3A_199 {strides = array<i32>} : memref<128x128xf32, #tpu.memory_space<vmem>>, vector<1x16xf32>,
        %get3A_200 = arith.index_cast %scan3A_102 : i32 to index
        %get3A_201 = arith.constant 112 : index
        %get3A_202 = tpu.vector_load %arg7[%get3A_200, %get3A_201] {strides = array<i32>} : memref<128x128xf32, #tpu.memory_space<vmem>>, vector<1x16xf32>,
        %get3A_203 = vector.shape_cast %get3A_202 : vector<1x16xf32> to vector<16xf32>
        %get3A_204 = arith.index_cast %scan3A_102 : i32 to index
        %get3A_205 = arith.constant 112 : index
        %get3A_206 = tpu.vector_load %arg8[%get3A_204, %get3A_205] {strides = array<i32>} : memref<128x128xf32, #tpu.memory_space<vmem>>, vector<1x16xf32>,
        %get3A_207 = vector.shape_cast %get3A_206 : vector<1x16xf32> to vector<16xf32>
        %add3A_208 = arith.addf %get3A_203, %get3A_207 : vector<16xf32>
        %swap3A_209 = arith.index_cast %scan3A_102 : i32 to index
        %swap3A_210 = arith.constant 112 : index
        %swap3A_211 = tpu.vector_load %arg7[%swap3A_209, %swap3A_210] {strides = array<i32>} : memref<128x128xf32, #tpu.memory_space<vmem>>, vector<1x16xf32>,
        %swap3A_212 = vector.shape_cast %swap3A_211 : vector<1x16xf32> to vector<16xf32>
        %swap3A_213 = vector.shape_cast %add3A_208 : vector<16xf32> to vector<1x16xf32>
        tpu.vector_store %arg7[%swap3A_209, %swap3A_210], %swap3A_213 {strides = array<i32>} : memref<128x128xf32, #tpu.memory_space<vmem>>, vector<1x16xf32>,
        %scan3A_214 = arith.constant 0 : i32
        scf.yield %scan3A_214 : i32
      }
      %scan3A_100 = arith.constant 128 : i32
      "tpu.region"() ({
        %run_scoped3A = tpu.sem_alloc : memref<!tpu.dma_semaphore, #tpu.memory_space<semaphore_mem>>
        %dma_start3A_102 = arith.constant 0 : i32
        %dma_start3A_103 = arith.constant 0 : i32
        %dma_start3A_104 = tpu.memref_slice %arg7[%dma_start3A_102, %dma_start3A_103] : memref<128x128xf32, #tpu.memory_space<vmem>> -> memref<128x128xf32, #tpu.memory_space<vmem>>
        %dma_start3A_105 = arith.constant 0 : i32
        %dma_start3A_106 = tpu.memref_slice %arg5[%multiple_of3A_57, %dma_start3A_105] : memref<160000x128xf32, #tpu.memory_space<hbm>> -> memref<128x128xf32, #tpu.memory_space<hbm>>
        %dma_start3A_107 = arith.constant 0 : i32
        %dma_start3A_108 = tpu.memref_slice %arg5[%multiple_of3A_57, %dma_start3A_107] : memref<160000x128xf32, #tpu.memory_space<hbm>> -> memref<128x128xf32, #tpu.memory_space<hbm>>
        %dma_start3A_109 = arith.constant 0 : i32
        %dma_start3A_110 = arith.constant 0 : i32
        %dma_start3A_111 = tpu.memref_slice %arg7[%dma_start3A_109, %dma_start3A_110] : memref<128x128xf32, #tpu.memory_space<vmem>> -> memref<128x128xf32, #tpu.memory_space<vmem>>
        tpu.enqueue_dma source(%dma_start3A_111 : memref<128x128xf32, #tpu.memory_space<vmem>>) target(%dma_start3A_108 : memref<128x128xf32, #tpu.memory_space<hbm>>) target_semaphore(%run_scoped3A : memref<!tpu.dma_semaphore, #tpu.memory_space<semaphore_mem>>)
        %dma_wait3A_112 = arith.constant 0 : i32
        %dma_wait3A_113 = arith.constant 0 : i32
        %dma_wait3A_114 = tpu.memref_slice %arg7[%dma_wait3A_112, %dma_wait3A_113] : memref<128x128xf32, #tpu.memory_space<vmem>> -> memref<128x128xf32, #tpu.memory_space<vmem>>
        %dma_wait3A_115 = arith.constant 0 : i32
        %dma_wait3A_116 = tpu.memref_slice %arg5[%multiple_of3A_57, %dma_wait3A_115] : memref<160000x128xf32, #tpu.memory_space<hbm>> -> memref<128x128xf32, #tpu.memory_space<hbm>>
        %dma_wait3A_117 = arith.constant 0 : i32
        %dma_wait3A_118 = tpu.memref_slice %arg5[%multiple_of3A_57, %dma_wait3A_117] : memref<160000x128xf32, #tpu.memory_space<hbm>> -> memref<128x128xf32, #tpu.memory_space<hbm>>
        %dma_wait3A_119 = arith.constant 0 : i32
        %dma_wait3A_120 = arith.constant 0 : i32
        %dma_wait3A_121 = tpu.memref_slice %arg7[%dma_wait3A_119, %dma_wait3A_120] : memref<128x128xf32, #tpu.memory_space<vmem>> -> memref<128x128xf32, #tpu.memory_space<vmem>>
        tpu.wait_dma2 semaphore(%run_scoped3A : memref<!tpu.dma_semaphore, #tpu.memory_space<semaphore_mem>>) src(%dma_wait3A_121 : memref<128x128xf32, #tpu.memory_space<vmem>>) dst(%dma_wait3A_118 : memref<128x128xf32, #tpu.memory_space<hbm>>)
        tpu.yield
      }) : () -> ()
      %scan3A_101 = arith.constant 0 : i32
      scf.yield %scan3A_101 : i32
    }
    %scan3A_8 = arith.constant 39 : i32
    %add3A_9 = arith.constant 4992 : i32
    %add3A_10 = arith.addi %mul3A_2, %add3A_9 : i32
    %multiple_of3A = tpu.assume_multiple %add3A_10, 8 : i32
    %dma_start3A = arith.constant 0 : i32
    %dma_start3A_11 = arith.constant 0 : i32
    %dma_start3A_12 = tpu.memref_slice %arg7[%dma_start3A, %dma_start3A_11] : memref<128x128xf32, #tpu.memory_space<vmem>> -> memref<8x128xf32, #tpu.memory_space<vmem>>
    %dma_start3A_13 = arith.constant 0 : i32
    %dma_start3A_14 = tpu.memref_slice %arg2[%multiple_of3A, %dma_start3A_13] : memref<160000x128xf32, #tpu.memory_space<hbm>> -> memref<8x128xf32, #tpu.memory_space<hbm>>
    %dma_start3A_15 = arith.constant 0 : i32
    %dma_start3A_16 = arith.constant 0 : i32
    %dma_start3A_17 = tpu.memref_slice %arg7[%dma_start3A_15, %dma_start3A_16] : memref<128x128xf32, #tpu.memory_space<vmem>> -> memref<8x128xf32, #tpu.memory_space<vmem>>
    %dma_start3A_18 = arith.constant 0 : i32
    %dma_start3A_19 = tpu.memref_slice %arg2[%multiple_of3A, %dma_start3A_18] : memref<160000x128xf32, #tpu.memory_space<hbm>> -> memref<8x128xf32, #tpu.memory_space<hbm>>
    tpu.enqueue_dma source(%dma_start3A_19 : memref<8x128xf32, #tpu.memory_space<hbm>>) target(%dma_start3A_17 : memref<8x128xf32, #tpu.memory_space<vmem>>) target_semaphore(%arg10 : memref<!tpu.dma_semaphore, #tpu.memory_space<semaphore_mem>>)
    "tpu.region"() ({
      %run_scoped3A = tpu.sem_alloc : memref<!tpu.dma_semaphore, #tpu.memory_space<semaphore_mem>>
      %dma_start3A_52 = arith.constant 0 : i32
      %dma_start3A_53 = tpu.memref_slice %arg6[%dma_start3A_52] : memref<128xi32, #tpu.memory_space<vmem>> -> memref<8xi32, #tpu.memory_space<vmem>>
      %dma_start3A_54 = tpu.memref_slice %arg4[%multiple_of3A] : memref<160000xi32, #tpu.memory_space<hbm>> -> memref<8xi32, #tpu.memory_space<hbm>>
      %dma_start3A_55 = arith.constant 0 : i32
      %dma_start3A_56 = tpu.memref_slice %arg6[%dma_start3A_55] : memref<128xi32, #tpu.memory_space<vmem>> -> memref<8xi32, #tpu.memory_space<vmem>>
      %dma_start3A_57 = tpu.memref_slice %arg4[%multiple_of3A] : memref<160000xi32, #tpu.memory_space<hbm>> -> memref<8xi32, #tpu.memory_space<hbm>>
      tpu.enqueue_dma source(%dma_start3A_57 : memref<8xi32, #tpu.memory_space<hbm>>) target(%dma_start3A_56 : memref<8xi32, #tpu.memory_space<vmem>>) target_semaphore(%run_scoped3A : memref<!tpu.dma_semaphore, #tpu.memory_space<semaphore_mem>>)
      %dma_wait3A_58 = arith.constant 0 : i32
      %dma_wait3A_59 = tpu.memref_slice %arg6[%dma_wait3A_58] : memref<128xi32, #tpu.memory_space<vmem>> -> memref<8xi32, #tpu.memory_space<vmem>>
      %dma_wait3A_60 = tpu.memref_slice %arg4[%multiple_of3A] : memref<160000xi32, #tpu.memory_space<hbm>> -> memref<8xi32, #tpu.memory_space<hbm>>
      %dma_wait3A_61 = arith.constant 0 : i32
      %dma_wait3A_62 = tpu.memref_slice %arg6[%dma_wait3A_61] : memref<128xi32, #tpu.memory_space<vmem>> -> memref<8xi32, #tpu.memory_space<vmem>>
      %dma_wait3A_63 = tpu.memref_slice %arg4[%multiple_of3A] : memref<160000xi32, #tpu.memory_space<hbm>> -> memref<8xi32, #tpu.memory_space<hbm>>
      tpu.wait_dma2 semaphore(%run_scoped3A : memref<!tpu.dma_semaphore, #tpu.memory_space<semaphore_mem>>) src(%dma_wait3A_63 : memref<8xi32, #tpu.memory_space<hbm>>) dst(%dma_wait3A_62 : memref<8xi32, #tpu.memory_space<vmem>>)
      tpu.yield
    }) : () -> ()
    %dma_start3A_20 = arith.constant 0 : i32
    %dma_start3A_21 = arith.constant 0 : i32
    %dma_start3A_22 = tpu.memref_slice %arg8[%dma_start3A_20, %dma_start3A_21] : memref<128x128xf32, #tpu.memory_space<vmem>> -> memref<8x128xf32, #tpu.memory_space<vmem>>
    %dma_start3A_23 = arith.constant 0 : i32
    %dma_start3A_24 = tpu.memref_slice %arg6[%dma_start3A_23] : memref<128xi32, #tpu.memory_space<vmem>> -> memref<8xi32, #tpu.memory_space<vmem>>
    %dma_start3A_25 = arith.constant 0 : i32
    %dma_start3A_26 = arith.constant 0 : i32
    %dma_start3A_27 = tpu.memref_slice %arg3[%dma_start3A_25, %dma_start3A_26] : memref<80000x128xf32, #tpu.memory_space<hbm>> -> memref<80000x128xf32, #tpu.memory_space<hbm>>
    tpu.enqueue_indirect_dma source(%dma_start3A_27 : memref<80000x128xf32, #tpu.memory_space<hbm>>) target(%dma_start3A_22 : memref<8x128xf32, #tpu.memory_space<vmem>>) offsets(%dma_start3A_24 : memref<8xi32, #tpu.memory_space<vmem>>) semaphore(%arg9 : memref<!tpu.dma_semaphore, #tpu.memory_space<semaphore_mem>>)
    %dma_wait3A = arith.constant 0 : i32
    %dma_wait3A_28 = arith.constant 0 : i32
    %dma_wait3A_29 = tpu.memref_slice %arg7[%dma_wait3A, %dma_wait3A_28] : memref<128x128xf32, #tpu.memory_space<vmem>> -> memref<8x128xf32, #tpu.memory_space<vmem>>
    %dma_wait3A_30 = arith.constant 0 : i32
    %dma_wait3A_31 = tpu.memref_slice %arg2[%multiple_of3A, %dma_wait3A_30] : memref<160000x128xf32, #tpu.memory_space<hbm>> -> memref<8x128xf32, #tpu.memory_space<hbm>>
    %dma_wait3A_32 = arith.constant 0 : i32
    %dma_wait3A_33 = arith.constant 0 : i32
    %dma_wait3A_34 = tpu.memref_slice %arg7[%dma_wait3A_32, %dma_wait3A_33] : memref<128x128xf32, #tpu.memory_space<vmem>> -> memref<8x128xf32, #tpu.memory_space<vmem>>
    %dma_wait3A_35 = arith.constant 0 : i32
    %dma_wait3A_36 = tpu.memref_slice %arg2[%multiple_of3A, %dma_wait3A_35] : memref<160000x128xf32, #tpu.memory_space<hbm>> -> memref<8x128xf32, #tpu.memory_space<hbm>>
    tpu.wait_dma2 semaphore(%arg10 : memref<!tpu.dma_semaphore, #tpu.memory_space<semaphore_mem>>) src(%dma_wait3A_36 : memref<8x128xf32, #tpu.memory_space<hbm>>) dst(%dma_wait3A_34 : memref<8x128xf32, #tpu.memory_space<vmem>>)
    %dma_wait3A_37 = arith.constant 0 : i32
    %dma_wait3A_38 = arith.constant 0 : i32
    %dma_wait3A_39 = tpu.memref_slice %arg8[%dma_wait3A_37, %dma_wait3A_38] : memref<128x128xf32, #tpu.memory_space<vmem>> -> memref<8x128xf32, #tpu.memory_space<vmem>>
    %dma_wait3A_40 = arith.constant 0 : i32
    %dma_wait3A_41 = tpu.memref_slice %arg6[%dma_wait3A_40] : memref<128xi32, #tpu.memory_space<vmem>> -> memref<8xi32, #tpu.memory_space<vmem>>
    %dma_wait3A_42 = arith.constant 0 : i32
    %dma_wait3A_43 = arith.constant 0 : i32
    %dma_wait3A_44 = tpu.memref_slice %arg3[%dma_wait3A_42, %dma_wait3A_43] : memref<80000x128xf32, #tpu.memory_space<hbm>> -> memref<80000x128xf32, #tpu.memory_space<hbm>>
    tpu.wait_indirect_dma semaphore(%arg9 : memref<!tpu.dma_semaphore, #tpu.memory_space<semaphore_mem>>) src(%dma_wait3A_44 : memref<80000x128xf32, #tpu.memory_space<hbm>>) dst(%dma_wait3A_39 : memref<8x128xf32, #tpu.memory_space<vmem>>)
    %scan3A_45 = arith.constant 0 : i32
    %scan3A_46 = arith.constant 0 : i32
    %scan3A_47 = arith.constant 8 : i32
    %scan3A_48 = arith.addi %scan3A_46, %scan3A_47 : i32
    %scan3A_49 = arith.constant 1 : i32
    %scan3A_50 = scf.for %scan3A_52 = %scan3A_46 to %scan3A_48 step %scan3A_49 iter_args(%scan3A_53 = %scan3A_45) -> (i32)  : i32 {
      %get3A = arith.index_cast %scan3A_52 : i32 to index
      %get3A_54 = arith.constant 0 : index
      %get3A_55 = tpu.vector_load %arg7[%get3A, %get3A_54] {strides = array<i32>} : memref<128x128xf32, #tpu.memory_space<vmem>>, vector<1x16xf32>,
      %get3A_56 = vector.shape_cast %get3A_55 : vector<1x16xf32> to vector<16xf32>
      %get3A_57 = arith.index_cast %scan3A_52 : i32 to index
      %get3A_58 = arith.constant 0 : index
      %get3A_59 = tpu.vector_load %arg8[%get3A_57, %get3A_58] {strides = array<i32>} : memref<128x128xf32, #tpu.memory_space<vmem>>, vector<1x16xf32>,
      %get3A_60 = vector.shape_cast %get3A_59 : vector<1x16xf32> to vector<16xf32>
      %add3A_61 = arith.addf %get3A_56, %get3A_60 : vector<16xf32>
      %swap3A = arith.index_cast %scan3A_52 : i32 to index
      %swap3A_62 = arith.constant 0 : index
      %swap3A_63 = tpu.vector_load %arg7[%swap3A, %swap3A_62] {strides = array<i32>} : memref<128x128xf32, #tpu.memory_space<vmem>>, vector<1x16xf32>,
      %swap3A_64 = vector.shape_cast %swap3A_63 : vector<1x16xf32> to vector<16xf32>
      %swap3A_65 = vector.shape_cast %add3A_61 : vector<16xf32> to vector<1x16xf32>
      tpu.vector_store %arg7[%swap3A, %swap3A_62], %swap3A_65 {strides = array<i32>} : memref<128x128xf32, #tpu.memory_space<vmem>>, vector<1x16xf32>,
      %get3A_66 = arith.index_cast %scan3A_52 : i32 to index
      %get3A_67 = arith.constant 16 : index
      %get3A_68 = tpu.vector_load %arg7[%get3A_66, %get3A_67] {strides = array<i32>} : memref<128x128xf32, #tpu.memory_space<vmem>>, vector<1x16xf32>,
      %get3A_69 = vector.shape_cast %get3A_68 : vector<1x16xf32> to vector<16xf32>
      %get3A_70 = arith.index_cast %scan3A_52 : i32 to index
      %get3A_71 = arith.constant 16 : index
      %get3A_72 = tpu.vector_load %arg8[%get3A_70, %get3A_71] {strides = array<i32>} : memref<128x128xf32, #tpu.memory_space<vmem>>, vector<1x16xf32>,
      %get3A_73 = vector.shape_cast %get3A_72 : vector<1x16xf32> to vector<16xf32>
      %add3A_74 = arith.addf %get3A_69, %get3A_73 : vector<16xf32>
      %swap3A_75 = arith.index_cast %scan3A_52 : i32 to index
      %swap3A_76 = arith.constant 16 : index
      %swap3A_77 = tpu.vector_load %arg7[%swap3A_75, %swap3A_76] {strides = array<i32>} : memref<128x128xf32, #tpu.memory_space<vmem>>, vector<1x16xf32>,
      %swap3A_78 = vector.shape_cast %swap3A_77 : vector<1x16xf32> to vector<16xf32>
      %swap3A_79 = vector.shape_cast %add3A_74 : vector<16xf32> to vector<1x16xf32>
      tpu.vector_store %arg7[%swap3A_75, %swap3A_76], %swap3A_79 {strides = array<i32>} : memref<128x128xf32, #tpu.memory_space<vmem>>, vector<1x16xf32>,
      %get3A_80 = arith.index_cast %scan3A_52 : i32 to index
      %get3A_81 = arith.constant 32 : index
      %get3A_82 = tpu.vector_load %arg7[%get3A_80, %get3A_81] {strides = array<i32>} : memref<128x128xf32, #tpu.memory_space<vmem>>, vector<1x16xf32>,
      %get3A_83 = vector.shape_cast %get3A_82 : vector<1x16xf32> to vector<16xf32>
      %get3A_84 = arith.index_cast %scan3A_52 : i32 to index
      %get3A_85 = arith.constant 32 : index
      %get3A_86 = tpu.vector_load %arg8[%get3A_84, %get3A_85] {strides = array<i32>} : memref<128x128xf32, #tpu.memory_space<vmem>>, vector<1x16xf32>,
      %get3A_87 = vector.shape_cast %get3A_86 : vector<1x16xf32> to vector<16xf32>
      %add3A_88 = arith.addf %get3A_83, %get3A_87 : vector<16xf32>
      %swap3A_89 = arith.index_cast %scan3A_52 : i32 to index
      %swap3A_90 = arith.constant 32 : index
      %swap3A_91 = tpu.vector_load %arg7[%swap3A_89, %swap3A_90] {strides = array<i32>} : memref<128x128xf32, #tpu.memory_space<vmem>>, vector<1x16xf32>,
      %swap3A_92 = vector.shape_cast %swap3A_91 : vector<1x16xf32> to vector<16xf32>
      %swap3A_93 = vector.shape_cast %add3A_88 : vector<16xf32> to vector<1x16xf32>
      tpu.vector_store %arg7[%swap3A_89, %swap3A_90], %swap3A_93 {strides = array<i32>} : memref<128x128xf32, #tpu.memory_space<vmem>>, vector<1x16xf32>,
      %get3A_94 = arith.index_cast %scan3A_52 : i32 to index
      %get3A_95 = arith.constant 48 : index
      %get3A_96 = tpu.vector_load %arg7[%get3A_94, %get3A_95] {strides = array<i32>} : memref<128x128xf32, #tpu.memory_space<vmem>>, vector<1x16xf32>,
      %get3A_97 = vector.shape_cast %get3A_96 : vector<1x16xf32> to vector<16xf32>
      %get3A_98 = arith.index_cast %scan3A_52 : i32 to index
      %get3A_99 = arith.constant 48 : index
      %get3A_100 = tpu.vector_load %arg8[%get3A_98, %get3A_99] {strides = array<i32>} : memref<128x128xf32, #tpu.memory_space<vmem>>, vector<1x16xf32>,
      %get3A_101 = vector.shape_cast %get3A_100 : vector<1x16xf32> to vector<16xf32>
      %add3A_102 = arith.addf %get3A_97, %get3A_101 : vector<16xf32>
      %swap3A_103 = arith.index_cast %scan3A_52 : i32 to index
      %swap3A_104 = arith.constant 48 : index
      %swap3A_105 = tpu.vector_load %arg7[%swap3A_103, %swap3A_104] {strides = array<i32>} : memref<128x128xf32, #tpu.memory_space<vmem>>, vector<1x16xf32>,
      %swap3A_106 = vector.shape_cast %swap3A_105 : vector<1x16xf32> to vector<16xf32>
      %swap3A_107 = vector.shape_cast %add3A_102 : vector<16xf32> to vector<1x16xf32>
      tpu.vector_store %arg7[%swap3A_103, %swap3A_104], %swap3A_107 {strides = array<i32>} : memref<128x128xf32, #tpu.memory_space<vmem>>, vector<1x16xf32>,
      %get3A_108 = arith.index_cast %scan3A_52 : i32 to index
      %get3A_109 = arith.constant 64 : index
      %get3A_110 = tpu.vector_load %arg7[%get3A_108, %get3A_109] {strides = array<i32>} : memref<128x128xf32, #tpu.memory_space<vmem>>, vector<1x16xf32>,
      %get3A_111 = vector.shape_cast %get3A_110 : vector<1x16xf32> to vector<16xf32>
      %get3A_112 = arith.index_cast %scan3A_52 : i32 to index
      %get3A_113 = arith.constant 64 : index
      %get3A_114 = tpu.vector_load %arg8[%get3A_112, %get3A_113] {strides = array<i32>} : memref<128x128xf32, #tpu.memory_space<vmem>>, vector<1x16xf32>,
      %get3A_115 = vector.shape_cast %get3A_114 : vector<1x16xf32> to vector<16xf32>
      %add3A_116 = arith.addf %get3A_111, %get3A_115 : vector<16xf32>
      %swap3A_117 = arith.index_cast %scan3A_52 : i32 to index
      %swap3A_118 = arith.constant 64 : index
      %swap3A_119 = tpu.vector_load %arg7[%swap3A_117, %swap3A_118] {strides = array<i32>} : memref<128x128xf32, #tpu.memory_space<vmem>>, vector<1x16xf32>,
      %swap3A_120 = vector.shape_cast %swap3A_119 : vector<1x16xf32> to vector<16xf32>
      %swap3A_121 = vector.shape_cast %add3A_116 : vector<16xf32> to vector<1x16xf32>
      tpu.vector_store %arg7[%swap3A_117, %swap3A_118], %swap3A_121 {strides = array<i32>} : memref<128x128xf32, #tpu.memory_space<vmem>>, vector<1x16xf32>,
      %get3A_122 = arith.index_cast %scan3A_52 : i32 to index
      %get3A_123 = arith.constant 80 : index
      %get3A_124 = tpu.vector_load %arg7[%get3A_122, %get3A_123] {strides = array<i32>} : memref<128x128xf32, #tpu.memory_space<vmem>>, vector<1x16xf32>,
      %get3A_125 = vector.shape_cast %get3A_124 : vector<1x16xf32> to vector<16xf32>
      %get3A_126 = arith.index_cast %scan3A_52 : i32 to index
      %get3A_127 = arith.constant 80 : index
      %get3A_128 = tpu.vector_load %arg8[%get3A_126, %get3A_127] {strides = array<i32>} : memref<128x128xf32, #tpu.memory_space<vmem>>, vector<1x16xf32>,
      %get3A_129 = vector.shape_cast %get3A_128 : vector<1x16xf32> to vector<16xf32>
      %add3A_130 = arith.addf %get3A_125, %get3A_129 : vector<16xf32>
      %swap3A_131 = arith.index_cast %scan3A_52 : i32 to index
      %swap3A_132 = arith.constant 80 : index
      %swap3A_133 = tpu.vector_load %arg7[%swap3A_131, %swap3A_132] {strides = array<i32>} : memref<128x128xf32, #tpu.memory_space<vmem>>, vector<1x16xf32>,
      %swap3A_134 = vector.shape_cast %swap3A_133 : vector<1x16xf32> to vector<16xf32>
      %swap3A_135 = vector.shape_cast %add3A_130 : vector<16xf32> to vector<1x16xf32>
      tpu.vector_store %arg7[%swap3A_131, %swap3A_132], %swap3A_135 {strides = array<i32>} : memref<128x128xf32, #tpu.memory_space<vmem>>, vector<1x16xf32>,
      %get3A_136 = arith.index_cast %scan3A_52 : i32 to index
      %get3A_137 = arith.constant 96 : index
      %get3A_138 = tpu.vector_load %arg7[%get3A_136, %get3A_137] {strides = array<i32>} : memref<128x128xf32, #tpu.memory_space<vmem>>, vector<1x16xf32>,
      %get3A_139 = vector.shape_cast %get3A_138 : vector<1x16xf32> to vector<16xf32>
      %get3A_140 = arith.index_cast %scan3A_52 : i32 to index
      %get3A_141 = arith.constant 96 : index
      %get3A_142 = tpu.vector_load %arg8[%get3A_140, %get3A_141] {strides = array<i32>} : memref<128x128xf32, #tpu.memory_space<vmem>>, vector<1x16xf32>,
      %get3A_143 = vector.shape_cast %get3A_142 : vector<1x16xf32> to vector<16xf32>
      %add3A_144 = arith.addf %get3A_139, %get3A_143 : vector<16xf32>
      %swap3A_145 = arith.index_cast %scan3A_52 : i32 to index
      %swap3A_146 = arith.constant 96 : index
      %swap3A_147 = tpu.vector_load %arg7[%swap3A_145, %swap3A_146] {strides = array<i32>} : memref<128x128xf32, #tpu.memory_space<vmem>>, vector<1x16xf32>,
      %swap3A_148 = vector.shape_cast %swap3A_147 : vector<1x16xf32> to vector<16xf32>
      %swap3A_149 = vector.shape_cast %add3A_144 : vector<16xf32> to vector<1x16xf32>
      tpu.vector_store %arg7[%swap3A_145, %swap3A_146], %swap3A_149 {strides = array<i32>} : memref<128x128xf32, #tpu.memory_space<vmem>>, vector<1x16xf32>,
      %get3A_150 = arith.index_cast %scan3A_52 : i32 to index
      %get3A_151 = arith.constant 112 : index
      %get3A_152 = tpu.vector_load %arg7[%get3A_150, %get3A_151] {strides = array<i32>} : memref<128x128xf32, #tpu.memory_space<vmem>>, vector<1x16xf32>,
      %get3A_153 = vector.shape_cast %get3A_152 : vector<1x16xf32> to vector<16xf32>
      %get3A_154 = arith.index_cast %scan3A_52 : i32 to index
      %get3A_155 = arith.constant 112 : index
      %get3A_156 = tpu.vector_load %arg8[%get3A_154, %get3A_155] {strides = array<i32>} : memref<128x128xf32, #tpu.memory_space<vmem>>, vector<1x16xf32>,
      %get3A_157 = vector.shape_cast %get3A_156 : vector<1x16xf32> to vector<16xf32>
      %add3A_158 = arith.addf %get3A_153, %get3A_157 : vector<16xf32>
      %swap3A_159 = arith.index_cast %scan3A_52 : i32 to index
      %swap3A_160 = arith.constant 112 : index
      %swap3A_161 = tpu.vector_load %arg7[%swap3A_159, %swap3A_160] {strides = array<i32>} : memref<128x128xf32, #tpu.memory_space<vmem>>, vector<1x16xf32>,
      %swap3A_162 = vector.shape_cast %swap3A_161 : vector<1x16xf32> to vector<16xf32>
      %swap3A_163 = vector.shape_cast %add3A_158 : vector<16xf32> to vector<1x16xf32>
      tpu.vector_store %arg7[%swap3A_159, %swap3A_160], %swap3A_163 {strides = array<i32>} : memref<128x128xf32, #tpu.memory_space<vmem>>, vector<1x16xf32>,
      %scan3A_164 = arith.constant 0 : i32
      scf.yield %scan3A_164 : i32
    }
    %scan3A_51 = arith.constant 8 : i32
    "tpu.region"() ({
      %run_scoped3A = tpu.sem_alloc : memref<!tpu.dma_semaphore, #tpu.memory_space<semaphore_mem>>
      %dma_start3A_52 = arith.constant 0 : i32
      %dma_start3A_53 = arith.constant 0 : i32
      %dma_start3A_54 = tpu.memref_slice %arg7[%dma_start3A_52, %dma_start3A_53] : memref<128x128xf32, #tpu.memory_space<vmem>> -> memref<8x128xf32, #tpu.memory_space<vmem>>
      %dma_start3A_55 = arith.constant 0 : i32
      %dma_start3A_56 = tpu.memref_slice %arg5[%multiple_of3A, %dma_start3A_55] : memref<160000x128xf32, #tpu.memory_space<hbm>> -> memref<8x128xf32, #tpu.memory_space<hbm>>
      %dma_start3A_57 = arith.constant 0 : i32
      %dma_start3A_58 = tpu.memref_slice %arg5[%multiple_of3A, %dma_start3A_57] : memref<160000x128xf32, #tpu.memory_space<hbm>> -> memref<8x128xf32, #tpu.memory_space<hbm>>
      %dma_start3A_59 = arith.constant 0 : i32
      %dma_start3A_60 = arith.constant 0 : i32
      %dma_start3A_61 = tpu.memref_slice %arg7[%dma_start3A_59, %dma_start3A_60] : memref<128x128xf32, #tpu.memory_space<vmem>> -> memref<8x128xf32, #tpu.memory_space<vmem>>
      tpu.enqueue_dma source(%dma_start3A_61 : memref<8x128xf32, #tpu.memory_space<vmem>>) target(%dma_start3A_58 : memref<8x128xf32, #tpu.memory_space<hbm>>) target_semaphore(%run_scoped3A : memref<!tpu.dma_semaphore, #tpu.memory_space<semaphore_mem>>)
      %dma_wait3A_62 = arith.constant 0 : i32
      %dma_wait3A_63 = arith.constant 0 : i32
      %dma_wait3A_64 = tpu.memref_slice %arg7[%dma_wait3A_62, %dma_wait3A_63] : memref<128x128xf32, #tpu.memory_space<vmem>> -> memref<8x128xf32, #tpu.memory_space<vmem>>
      %dma_wait3A_65 = arith.constant 0 : i32
      %dma_wait3A_66 = tpu.memref_slice %arg5[%multiple_of3A, %dma_wait3A_65] : memref<160000x128xf32, #tpu.memory_space<hbm>> -> memref<8x128xf32, #tpu.memory_space<hbm>>
      %dma_wait3A_67 = arith.constant 0 : i32
      %dma_wait3A_68 = tpu.memref_slice %arg5[%multiple_of3A, %dma_wait3A_67] : memref<160000x128xf32, #tpu.memory_space<hbm>> -> memref<8x128xf32, #tpu.memory_space<hbm>>
      %dma_wait3A_69 = arith.constant 0 : i32
      %dma_wait3A_70 = arith.constant 0 : i32
      %dma_wait3A_71 = tpu.memref_slice %arg7[%dma_wait3A_69, %dma_wait3A_70] : memref<128x128xf32, #tpu.memory_space<vmem>> -> memref<8x128xf32, #tpu.memory_space<vmem>>
      tpu.wait_dma2 semaphore(%run_scoped3A : memref<!tpu.dma_semaphore, #tpu.memory_space<semaphore_mem>>) src(%dma_wait3A_71 : memref<8x128xf32, #tpu.memory_space<vmem>>) dst(%dma_wait3A_68 : memref<8x128xf32, #tpu.memory_space<hbm>>)
      tpu.yield
    }) : () -> ()
    return
  }
}

#map = affine_map<(d0, d1) -> (0, 0)>
module attributes {stable_mosaic.version = 14 : i64} {
  func.func @_merge_k(%arg0: i32, %arg1: i32, %arg2: memref<64x128xf32, #tpu.memory_space<hbm>>, %arg3: memref<64x16xf32, #tpu.memory_space<hbm>>, %arg4: memref<64x128xf32, #tpu.memory_space<hbm>>, %arg5: memref<1x64xf32, #tpu.memory_space<hbm>>, %arg6: memref<64x128xf32, #tpu.memory_space<vmem>>, %arg7: memref<64x16xf32, #tpu.memory_space<vmem>>, %arg8: memref<64x128xf32, #tpu.memory_space<vmem>>, %arg9: memref<1x64xf32, #tpu.memory_space<vmem>>) attributes {dimension_semantics = [#tpu.dimension_semantics<core_parallel>, #tpu.dimension_semantics<subcore_parallel>], iteration_bounds = array<i64: 2, 16>, scalar_prefetch = 0 : i64, scratch_operands = 4 : i64, tpu.core_type = #tpu.core_type<sc_vector_subcore>, window_params = [{transform_indices = #map}, {transform_indices = #map}, {transform_indices = #map}, {transform_indices = #map}]} {
    "tpu.region"() ({
      %run_scoped3A = tpu.sem_alloc : memref<!tpu.dma_semaphore, #tpu.memory_space<semaphore_mem>>
      tpu.enqueue_dma source(%arg2 : memref<64x128xf32, #tpu.memory_space<hbm>>) target(%arg6 : memref<64x128xf32, #tpu.memory_space<vmem>>) target_semaphore(%run_scoped3A : memref<!tpu.dma_semaphore, #tpu.memory_space<semaphore_mem>>)
      tpu.wait_dma2 semaphore(%run_scoped3A : memref<!tpu.dma_semaphore, #tpu.memory_space<semaphore_mem>>) src(%arg2 : memref<64x128xf32, #tpu.memory_space<hbm>>) dst(%arg6 : memref<64x128xf32, #tpu.memory_space<vmem>>)
      tpu.yield
    }) : () -> ()
    "tpu.region"() ({
      %run_scoped3A = tpu.sem_alloc : memref<!tpu.dma_semaphore, #tpu.memory_space<semaphore_mem>>
      tpu.enqueue_dma source(%arg3 : memref<64x16xf32, #tpu.memory_space<hbm>>) target(%arg7 : memref<64x16xf32, #tpu.memory_space<vmem>>) target_semaphore(%run_scoped3A : memref<!tpu.dma_semaphore, #tpu.memory_space<semaphore_mem>>)
      tpu.wait_dma2 semaphore(%run_scoped3A : memref<!tpu.dma_semaphore, #tpu.memory_space<semaphore_mem>>) src(%arg3 : memref<64x16xf32, #tpu.memory_space<hbm>>) dst(%arg7 : memref<64x16xf32, #tpu.memory_space<vmem>>)
      tpu.yield
    }) : () -> ()
    %iota3A = tpu.iota {dimensions = array<i32: 0>} : vector<16xi32>
    %scan3A = arith.constant 0 : i32
    %scan3A_0 = arith.constant 0 : i32
    %scan3A_1 = arith.constant 64 : i32
    %scan3A_2 = arith.addi %scan3A_0, %scan3A_1 : i32
    %scan3A_3 = arith.constant 1 : i32
    %scan3A_4 = scf.for %scan3A_107 = %scan3A_0 to %scan3A_2 step %scan3A_3 iter_args(%scan3A_108 = %scan3A) -> (i32)  : i32 {
      %broadcast_in_dim3A_109 = arith.constant 0.000000e+00 : f32
      %broadcast_in_dim3A_110 = vector.broadcast %broadcast_in_dim3A_109 : f32 to vector<16xf32>
      %swap3A_111 = arith.index_cast %scan3A_107 : i32 to index
      %swap3A_112 = arith.constant 0 : index
      %swap3A_113 = tpu.vector_load %arg8[%swap3A_111, %swap3A_112] {strides = array<i32>} : memref<64x128xf32, #tpu.memory_space<vmem>>, vector<1x16xf32>,
      %swap3A_114 = vector.shape_cast %swap3A_113 : vector<1x16xf32> to vector<16xf32>
      %swap3A_115 = vector.shape_cast %broadcast_in_dim3A_110 : vector<16xf32> to vector<1x16xf32>
      tpu.vector_store %arg8[%swap3A_111, %swap3A_112], %swap3A_115 {strides = array<i32>} : memref<64x128xf32, #tpu.memory_space<vmem>>, vector<1x16xf32>,
      %broadcast_in_dim3A_116 = arith.constant 0.000000e+00 : f32
      %broadcast_in_dim3A_117 = vector.broadcast %broadcast_in_dim3A_116 : f32 to vector<16xf32>
      %swap3A_118 = arith.index_cast %scan3A_107 : i32 to index
      %swap3A_119 = arith.constant 16 : index
      %swap3A_120 = tpu.vector_load %arg8[%swap3A_118, %swap3A_119] {strides = array<i32>} : memref<64x128xf32, #tpu.memory_space<vmem>>, vector<1x16xf32>,
      %swap3A_121 = vector.shape_cast %swap3A_120 : vector<1x16xf32> to vector<16xf32>
      %swap3A_122 = vector.shape_cast %broadcast_in_dim3A_117 : vector<16xf32> to vector<1x16xf32>
      tpu.vector_store %arg8[%swap3A_118, %swap3A_119], %swap3A_122 {strides = array<i32>} : memref<64x128xf32, #tpu.memory_space<vmem>>, vector<1x16xf32>,
      %broadcast_in_dim3A_123 = arith.constant 0.000000e+00 : f32
      %broadcast_in_dim3A_124 = vector.broadcast %broadcast_in_dim3A_123 : f32 to vector<16xf32>
      %swap3A_125 = arith.index_cast %scan3A_107 : i32 to index
      %swap3A_126 = arith.constant 32 : index
      %swap3A_127 = tpu.vector_load %arg8[%swap3A_125, %swap3A_126] {strides = array<i32>} : memref<64x128xf32, #tpu.memory_space<vmem>>, vector<1x16xf32>,
      %swap3A_128 = vector.shape_cast %swap3A_127 : vector<1x16xf32> to vector<16xf32>
      %swap3A_129 = vector.shape_cast %broadcast_in_dim3A_124 : vector<16xf32> to vector<1x16xf32>
      tpu.vector_store %arg8[%swap3A_125, %swap3A_126], %swap3A_129 {strides = array<i32>} : memref<64x128xf32, #tpu.memory_space<vmem>>, vector<1x16xf32>,
      %broadcast_in_dim3A_130 = arith.constant 0.000000e+00 : f32
      %broadcast_in_dim3A_131 = vector.broadcast %broadcast_in_dim3A_130 : f32 to vector<16xf32>
      %swap3A_132 = arith.index_cast %scan3A_107 : i32 to index
      %swap3A_133 = arith.constant 48 : index
      %swap3A_134 = tpu.vector_load %arg8[%swap3A_132, %swap3A_133] {strides = array<i32>} : memref<64x128xf32, #tpu.memory_space<vmem>>, vector<1x16xf32>,
      %swap3A_135 = vector.shape_cast %swap3A_134 : vector<1x16xf32> to vector<16xf32>
      %swap3A_136 = vector.shape_cast %broadcast_in_dim3A_131 : vector<16xf32> to vector<1x16xf32>
      tpu.vector_store %arg8[%swap3A_132, %swap3A_133], %swap3A_136 {strides = array<i32>} : memref<64x128xf32, #tpu.memory_space<vmem>>, vector<1x16xf32>,
      %broadcast_in_dim3A_137 = arith.constant 0.000000e+00 : f32
      %broadcast_in_dim3A_138 = vector.broadcast %broadcast_in_dim3A_137 : f32 to vector<16xf32>
      %swap3A_139 = arith.index_cast %scan3A_107 : i32 to index
      %swap3A_140 = arith.constant 64 : index
      %swap3A_141 = tpu.vector_load %arg8[%swap3A_139, %swap3A_140] {strides = array<i32>} : memref<64x128xf32, #tpu.memory_space<vmem>>, vector<1x16xf32>,
      %swap3A_142 = vector.shape_cast %swap3A_141 : vector<1x16xf32> to vector<16xf32>
      %swap3A_143 = vector.shape_cast %broadcast_in_dim3A_138 : vector<16xf32> to vector<1x16xf32>
      tpu.vector_store %arg8[%swap3A_139, %swap3A_140], %swap3A_143 {strides = array<i32>} : memref<64x128xf32, #tpu.memory_space<vmem>>, vector<1x16xf32>,
      %broadcast_in_dim3A_144 = arith.constant 0.000000e+00 : f32
      %broadcast_in_dim3A_145 = vector.broadcast %broadcast_in_dim3A_144 : f32 to vector<16xf32>
      %swap3A_146 = arith.index_cast %scan3A_107 : i32 to index
      %swap3A_147 = arith.constant 80 : index
      %swap3A_148 = tpu.vector_load %arg8[%swap3A_146, %swap3A_147] {strides = array<i32>} : memref<64x128xf32, #tpu.memory_space<vmem>>, vector<1x16xf32>,
      %swap3A_149 = vector.shape_cast %swap3A_148 : vector<1x16xf32> to vector<16xf32>
      %swap3A_150 = vector.shape_cast %broadcast_in_dim3A_145 : vector<16xf32> to vector<1x16xf32>
      tpu.vector_store %arg8[%swap3A_146, %swap3A_147], %swap3A_150 {strides = array<i32>} : memref<64x128xf32, #tpu.memory_space<vmem>>, vector<1x16xf32>,
      %broadcast_in_dim3A_151 = arith.constant 0.000000e+00 : f32
      %broadcast_in_dim3A_152 = vector.broadcast %broadcast_in_dim3A_151 : f32 to vector<16xf32>
      %swap3A_153 = arith.index_cast %scan3A_107 : i32 to index
      %swap3A_154 = arith.constant 96 : index
      %swap3A_155 = tpu.vector_load %arg8[%swap3A_153, %swap3A_154] {strides = array<i32>} : memref<64x128xf32, #tpu.memory_space<vmem>>, vector<1x16xf32>,
      %swap3A_156 = vector.shape_cast %swap3A_155 : vector<1x16xf32> to vector<16xf32>
      %swap3A_157 = vector.shape_cast %broadcast_in_dim3A_152 : vector<16xf32> to vector<1x16xf32>
      tpu.vector_store %arg8[%swap3A_153, %swap3A_154], %swap3A_157 {strides = array<i32>} : memref<64x128xf32, #tpu.memory_space<vmem>>, vector<1x16xf32>,
      %broadcast_in_dim3A_158 = arith.constant 0.000000e+00 : f32
      %broadcast_in_dim3A_159 = vector.broadcast %broadcast_in_dim3A_158 : f32 to vector<16xf32>
      %swap3A_160 = arith.index_cast %scan3A_107 : i32 to index
      %swap3A_161 = arith.constant 112 : index
      %swap3A_162 = tpu.vector_load %arg8[%swap3A_160, %swap3A_161] {strides = array<i32>} : memref<64x128xf32, #tpu.memory_space<vmem>>, vector<1x16xf32>,
      %swap3A_163 = vector.shape_cast %swap3A_162 : vector<1x16xf32> to vector<16xf32>
      %swap3A_164 = vector.shape_cast %broadcast_in_dim3A_159 : vector<16xf32> to vector<1x16xf32>
      tpu.vector_store %arg8[%swap3A_160, %swap3A_161], %swap3A_164 {strides = array<i32>} : memref<64x128xf32, #tpu.memory_space<vmem>>, vector<1x16xf32>,
      %scan3A_165 = arith.constant 0 : i32
      scf.yield %scan3A_165 : i32
    }
    %scan3A_5 = arith.constant 64 : i32
    %broadcast_in_dim3A = arith.constant 0.000000e+00 : f32
    %broadcast_in_dim3A_6 = vector.broadcast %broadcast_in_dim3A : f32 to vector<16xf32>
    %broadcast_in_dim3A_7 = arith.constant 0.000000e+00 : f32
    %broadcast_in_dim3A_8 = vector.broadcast %broadcast_in_dim3A_7 : f32 to vector<16xf32>
    %broadcast_in_dim3A_9 = arith.constant 0.000000e+00 : f32
    %broadcast_in_dim3A_10 = vector.broadcast %broadcast_in_dim3A_9 : f32 to vector<16xf32>
    %broadcast_in_dim3A_11 = arith.constant 0.000000e+00 : f32
    %broadcast_in_dim3A_12 = vector.broadcast %broadcast_in_dim3A_11 : f32 to vector<16xf32>
    %broadcast_in_dim3A_13 = arith.constant 0.000000e+00 : f32
    %broadcast_in_dim3A_14 = vector.broadcast %broadcast_in_dim3A_13 : f32 to vector<16xf32>
    %broadcast_in_dim3A_15 = arith.constant 0.000000e+00 : f32
    %broadcast_in_dim3A_16 = vector.broadcast %broadcast_in_dim3A_15 : f32 to vector<16xf32>
    %broadcast_in_dim3A_17 = arith.constant 0.000000e+00 : f32
    %broadcast_in_dim3A_18 = vector.broadcast %broadcast_in_dim3A_17 : f32 to vector<16xf32>
    %broadcast_in_dim3A_19 = arith.constant 0.000000e+00 : f32
    %broadcast_in_dim3A_20 = vector.broadcast %broadcast_in_dim3A_19 : f32 to vector<16xf32>
    %broadcast_in_dim3A_21 = arith.constant 0.000000e+00 : f32
    %broadcast_in_dim3A_22 = vector.broadcast %broadcast_in_dim3A_21 : f32 to vector<16xf32>
    %scan3A_23 = arith.constant -1.000000e+00 : f32
    %scan3A_24 = arith.constant 0.000000e+00 : f32
    %scan3A_25 = arith.constant false
    %scan3A_26 = arith.constant 0 : i32
    %scan3A_27 = arith.constant 0 : i32
    %scan3A_28 = arith.constant 64 : i32
    %scan3A_29 = arith.addi %scan3A_27, %scan3A_28 : i32
    %scan3A_30 = arith.constant 1 : i32
    %scan3A_31:13 = scf.for %scan3A_107 = %scan3A_27 to %scan3A_29 step %scan3A_30 iter_args(%scan3A_108 = %scan3A_23, %scan3A_109 = %scan3A_24, %scan3A_110 = %scan3A_25, %scan3A_111 = %scan3A_26, %scan3A_112 = %broadcast_in_dim3A_22, %scan3A_113 = %broadcast_in_dim3A_6, %scan3A_114 = %broadcast_in_dim3A_8, %scan3A_115 = %broadcast_in_dim3A_10, %scan3A_116 = %broadcast_in_dim3A_12, %scan3A_117 = %broadcast_in_dim3A_14, %scan3A_118 = %broadcast_in_dim3A_16, %scan3A_119 = %broadcast_in_dim3A_18, %scan3A_120 = %broadcast_in_dim3A_20) -> (f32, f32, i1, i32, vector<16xf32>, vector<16xf32>, vector<16xf32>, vector<16xf32>, vector<16xf32>, vector<16xf32>, vector<16xf32>, vector<16xf32>, vector<16xf32>)  : i32 {
      %get3A_121 = arith.index_cast %scan3A_107 : i32 to index
      %get3A_122 = arith.constant 0 : index
      %get3A_123 = tpu.vector_load %arg7[%get3A_121, %get3A_122] {strides = array<i32>} : memref<64x16xf32, #tpu.memory_space<vmem>>, vector<1x16xf32>,
      %get3A_124 = vector.shape_cast %get3A_123 : vector<1x16xf32> to vector<16xf32>
      %slice3A = vector.extract_strided_slice %get3A_124 {offsets = [0], sizes = [1], strides = [1]} : vector<16xf32> to vector<1xf32>
      %squeeze3A = vector.extract %slice3A[0] : f32 from vector<1xf32>
      %slice3A_125 = vector.extract_strided_slice %get3A_124 {offsets = [1], sizes = [1], strides = [1]} : vector<16xf32> to vector<1xf32>
      %squeeze3A_126 = vector.extract %slice3A_125[0] : f32 from vector<1xf32>
      %slice3A_127 = vector.extract_strided_slice %get3A_124 {offsets = [2], sizes = [1], strides = [1]} : vector<16xf32> to vector<1xf32>
      %squeeze3A_128 = vector.extract %slice3A_127[0] : f32 from vector<1xf32>
      %gt3A = arith.constant 5.000000e-01 : f32
      %gt3A_129 = arith.cmpf ogt, %squeeze3A_128, %gt3A : f32
      %get3A_130 = arith.index_cast %scan3A_107 : i32 to index
      %get3A_131 = arith.constant 0 : index
      %get3A_132 = tpu.vector_load %arg6[%get3A_130, %get3A_131] {strides = array<i32>} : memref<64x128xf32, #tpu.memory_space<vmem>>, vector<1x16xf32>,
      %get3A_133 = vector.shape_cast %get3A_132 : vector<1x16xf32> to vector<16xf32>
      %get3A_134 = arith.index_cast %scan3A_107 : i32 to index
      %get3A_135 = arith.constant 16 : index
      %get3A_136 = tpu.vector_load %arg6[%get3A_134, %get3A_135] {strides = array<i32>} : memref<64x128xf32, #tpu.memory_space<vmem>>, vector<1x16xf32>,
      %get3A_137 = vector.shape_cast %get3A_136 : vector<1x16xf32> to vector<16xf32>
      %get3A_138 = arith.index_cast %scan3A_107 : i32 to index
      %get3A_139 = arith.constant 32 : index
      %get3A_140 = tpu.vector_load %arg6[%get3A_138, %get3A_139] {strides = array<i32>} : memref<64x128xf32, #tpu.memory_space<vmem>>, vector<1x16xf32>,
      %get3A_141 = vector.shape_cast %get3A_140 : vector<1x16xf32> to vector<16xf32>
      %get3A_142 = arith.index_cast %scan3A_107 : i32 to index
      %get3A_143 = arith.constant 48 : index
      %get3A_144 = tpu.vector_load %arg6[%get3A_142, %get3A_143] {strides = array<i32>} : memref<64x128xf32, #tpu.memory_space<vmem>>, vector<1x16xf32>,
      %get3A_145 = vector.shape_cast %get3A_144 : vector<1x16xf32> to vector<16xf32>
      %get3A_146 = arith.index_cast %scan3A_107 : i32 to index
      %get3A_147 = arith.constant 64 : index
      %get3A_148 = tpu.vector_load %arg6[%get3A_146, %get3A_147] {strides = array<i32>} : memref<64x128xf32, #tpu.memory_space<vmem>>, vector<1x16xf32>,
      %get3A_149 = vector.shape_cast %get3A_148 : vector<1x16xf32> to vector<16xf32>
      %get3A_150 = arith.index_cast %scan3A_107 : i32 to index
      %get3A_151 = arith.constant 80 : index
      %get3A_152 = tpu.vector_load %arg6[%get3A_150, %get3A_151] {strides = array<i32>} : memref<64x128xf32, #tpu.memory_space<vmem>>, vector<1x16xf32>,
      %get3A_153 = vector.shape_cast %get3A_152 : vector<1x16xf32> to vector<16xf32>
      %get3A_154 = arith.index_cast %scan3A_107 : i32 to index
      %get3A_155 = arith.constant 96 : index
      %get3A_156 = tpu.vector_load %arg6[%get3A_154, %get3A_155] {strides = array<i32>} : memref<64x128xf32, #tpu.memory_space<vmem>>, vector<1x16xf32>,
      %get3A_157 = vector.shape_cast %get3A_156 : vector<1x16xf32> to vector<16xf32>
      %get3A_158 = arith.index_cast %scan3A_107 : i32 to index
      %get3A_159 = arith.constant 112 : index
      %get3A_160 = tpu.vector_load %arg6[%get3A_158, %get3A_159] {strides = array<i32>} : memref<64x128xf32, #tpu.memory_space<vmem>>, vector<1x16xf32>,
      %get3A_161 = vector.shape_cast %get3A_160 : vector<1x16xf32> to vector<16xf32>
      %eq3A = arith.cmpf oeq, %squeeze3A_126, %scan3A_108 : f32
      %not3A = arith.constant true
      %not3A_162 = arith.xori %gt3A_129, %not3A : i1
      %or3A = arith.ori %eq3A, %not3A_162 : i1
      %not3A_163 = arith.constant true
      %not3A_164 = arith.xori %or3A, %not3A_163 : i1
      %and3A = arith.andi %not3A_164, %scan3A_110 : i1
      %jit3A_165 = arith.constant 1 : i32
      %jit3A_166 = arith.constant 0 : i32
      %select_n3A_167 = arith.select %and3A, %jit3A_165, %jit3A_166 : i32
      %add3A_168 = arith.addi %scan3A_111, %select_n3A_167 : i32
      %and3A_169 = arith.constant true
      %and3A_170 = arith.andi %gt3A_129, %and3A_169 : i1
      %jit3A_171 = arith.constant 1.000000e+00 : f32
      %jit3A_172 = arith.constant 0.000000e+00 : f32
      %select_n3A_173 = arith.select %and3A_170, %jit3A_171, %jit3A_172 : f32
      %mul3A = vector.broadcast %select_n3A_173 : f32 to vector<16xf32>
      %mul3A_174 = arith.mulf %get3A_133, %mul3A : vector<16xf32>
      %add3A_175 = arith.addf %scan3A_113, %mul3A_174 : vector<16xf32>
      %select_n3A_176 = arith.select %or3A, %add3A_175, %get3A_133 : vector<16xf32>
      %mul3A_177 = vector.broadcast %select_n3A_173 : f32 to vector<16xf32>
      %mul3A_178 = arith.mulf %get3A_137, %mul3A_177 : vector<16xf32>
      %add3A_179 = arith.addf %scan3A_114, %mul3A_178 : vector<16xf32>
      %select_n3A_180 = arith.select %or3A, %add3A_179, %get3A_137 : vector<16xf32>
      %mul3A_181 = vector.broadcast %select_n3A_173 : f32 to vector<16xf32>
      %mul3A_182 = arith.mulf %get3A_141, %mul3A_181 : vector<16xf32>
      %add3A_183 = arith.addf %scan3A_115, %mul3A_182 : vector<16xf32>
      %select_n3A_184 = arith.select %or3A, %add3A_183, %get3A_141 : vector<16xf32>
      %mul3A_185 = vector.broadcast %select_n3A_173 : f32 to vector<16xf32>
      %mul3A_186 = arith.mulf %get3A_145, %mul3A_185 : vector<16xf32>
      %add3A_187 = arith.addf %scan3A_116, %mul3A_186 : vector<16xf32>
      %select_n3A_188 = arith.select %or3A, %add3A_187, %get3A_145 : vector<16xf32>
      %mul3A_189 = vector.broadcast %select_n3A_173 : f32 to vector<16xf32>
      %mul3A_190 = arith.mulf %get3A_149, %mul3A_189 : vector<16xf32>
      %add3A_191 = arith.addf %scan3A_117, %mul3A_190 : vector<16xf32>
      %select_n3A_192 = arith.select %or3A, %add3A_191, %get3A_149 : vector<16xf32>
      %mul3A_193 = vector.broadcast %select_n3A_173 : f32 to vector<16xf32>
      %mul3A_194 = arith.mulf %get3A_153, %mul3A_193 : vector<16xf32>
      %add3A_195 = arith.addf %scan3A_118, %mul3A_194 : vector<16xf32>
      %select_n3A_196 = arith.select %or3A, %add3A_195, %get3A_153 : vector<16xf32>
      %mul3A_197 = vector.broadcast %select_n3A_173 : f32 to vector<16xf32>
      %mul3A_198 = arith.mulf %get3A_157, %mul3A_197 : vector<16xf32>
      %add3A_199 = arith.addf %scan3A_119, %mul3A_198 : vector<16xf32>
      %select_n3A_200 = arith.select %or3A, %add3A_199, %get3A_157 : vector<16xf32>
      %mul3A_201 = vector.broadcast %select_n3A_173 : f32 to vector<16xf32>
      %mul3A_202 = arith.mulf %get3A_161, %mul3A_201 : vector<16xf32>
      %add3A_203 = arith.addf %scan3A_120, %mul3A_202 : vector<16xf32>
      %select_n3A_204 = arith.select %or3A, %add3A_203, %get3A_161 : vector<16xf32>
      %mul3A_205 = arith.mulf %squeeze3A, %select_n3A_173 : f32
      %add3A_206 = arith.addf %scan3A_109, %mul3A_205 : f32
      %select_n3A_207 = arith.select %or3A, %add3A_206, %squeeze3A : f32
      %select_n3A_208 = arith.select %gt3A_129, %squeeze3A_126, %scan3A_108 : f32
      %not3A_209 = arith.constant true
      %not3A_210 = arith.xori %or3A, %not3A_209 : i1
      %or3A_211 = arith.ori %scan3A_110, %not3A_210 : i1
      %and3A_212 = arith.constant 15 : i32
      %and3A_213 = arith.andi %add3A_168, %and3A_212 : i32
      %eq3A_214 = vector.broadcast %and3A_213 : i32 to vector<16xi32>
      %eq3A_215 = arith.cmpi eq, %iota3A, %eq3A_214 : vector<16xi32>
      %broadcast_in_dim3A_216 = vector.broadcast %select_n3A_208 : f32 to vector<16xf32>
      %select_n3A_217 = arith.select %eq3A_215, %broadcast_in_dim3A_216, %scan3A_112 : vector<16xi1>, vector<16xf32>
      %broadcast_in_dim3A_218 = arith.constant 1.000000e+00 : f32
      %broadcast_in_dim3A_219 = vector.broadcast %broadcast_in_dim3A_218 : f32 to vector<16xf32>
      %max3A = arith.constant 1.000000e+00 : f32
      %max3A_220 = arith.maximumf %select_n3A_207, %max3A : f32
      %broadcast_in_dim3A_221 = vector.broadcast %max3A_220 : f32 to vector<16xf32>
      %div3A = arith.divf %broadcast_in_dim3A_219, %broadcast_in_dim3A_221 : vector<16xf32>
      %mul3A_222 = arith.mulf %select_n3A_176, %div3A : vector<16xf32>
      %swap3A_223 = arith.index_cast %add3A_168 : i32 to index
      %swap3A_224 = arith.constant 0 : index
      %swap3A_225 = tpu.vector_load %arg8[%swap3A_223, %swap3A_224] {strides = array<i32>} : memref<64x128xf32, #tpu.memory_space<vmem>>, vector<1x16xf32>,
      %swap3A_226 = vector.shape_cast %swap3A_225 : vector<1x16xf32> to vector<16xf32>
      %swap3A_227 = vector.shape_cast %mul3A_222 : vector<16xf32> to vector<1x16xf32>
      tpu.vector_store %arg8[%swap3A_223, %swap3A_224], %swap3A_227 {strides = array<i32>} : memref<64x128xf32, #tpu.memory_space<vmem>>, vector<1x16xf32>,
      %mul3A_228 = arith.mulf %select_n3A_180, %div3A : vector<16xf32>
      %swap3A_229 = arith.index_cast %add3A_168 : i32 to index
      %swap3A_230 = arith.constant 16 : index
      %swap3A_231 = tpu.vector_load %arg8[%swap3A_229, %swap3A_230] {strides = array<i32>} : memref<64x128xf32, #tpu.memory_space<vmem>>, vector<1x16xf32>,
      %swap3A_232 = vector.shape_cast %swap3A_231 : vector<1x16xf32> to vector<16xf32>
      %swap3A_233 = vector.shape_cast %mul3A_228 : vector<16xf32> to vector<1x16xf32>
      tpu.vector_store %arg8[%swap3A_229, %swap3A_230], %swap3A_233 {strides = array<i32>} : memref<64x128xf32, #tpu.memory_space<vmem>>, vector<1x16xf32>,
      %mul3A_234 = arith.mulf %select_n3A_184, %div3A : vector<16xf32>
      %swap3A_235 = arith.index_cast %add3A_168 : i32 to index
      %swap3A_236 = arith.constant 32 : index
      %swap3A_237 = tpu.vector_load %arg8[%swap3A_235, %swap3A_236] {strides = array<i32>} : memref<64x128xf32, #tpu.memory_space<vmem>>, vector<1x16xf32>,
      %swap3A_238 = vector.shape_cast %swap3A_237 : vector<1x16xf32> to vector<16xf32>
      %swap3A_239 = vector.shape_cast %mul3A_234 : vector<16xf32> to vector<1x16xf32>
      tpu.vector_store %arg8[%swap3A_235, %swap3A_236], %swap3A_239 {strides = array<i32>} : memref<64x128xf32, #tpu.memory_space<vmem>>, vector<1x16xf32>,
      %mul3A_240 = arith.mulf %select_n3A_188, %div3A : vector<16xf32>
      %swap3A_241 = arith.index_cast %add3A_168 : i32 to index
      %swap3A_242 = arith.constant 48 : index
      %swap3A_243 = tpu.vector_load %arg8[%swap3A_241, %swap3A_242] {strides = array<i32>} : memref<64x128xf32, #tpu.memory_space<vmem>>, vector<1x16xf32>,
      %swap3A_244 = vector.shape_cast %swap3A_243 : vector<1x16xf32> to vector<16xf32>
      %swap3A_245 = vector.shape_cast %mul3A_240 : vector<16xf32> to vector<1x16xf32>
      tpu.vector_store %arg8[%swap3A_241, %swap3A_242], %swap3A_245 {strides = array<i32>} : memref<64x128xf32, #tpu.memory_space<vmem>>, vector<1x16xf32>,
      %mul3A_246 = arith.mulf %select_n3A_192, %div3A : vector<16xf32>
      %swap3A_247 = arith.index_cast %add3A_168 : i32 to index
      %swap3A_248 = arith.constant 64 : index
      %swap3A_249 = tpu.vector_load %arg8[%swap3A_247, %swap3A_248] {strides = array<i32>} : memref<64x128xf32, #tpu.memory_space<vmem>>, vector<1x16xf32>,
      %swap3A_250 = vector.shape_cast %swap3A_249 : vector<1x16xf32> to vector<16xf32>
      %swap3A_251 = vector.shape_cast %mul3A_246 : vector<16xf32> to vector<1x16xf32>
      tpu.vector_store %arg8[%swap3A_247, %swap3A_248], %swap3A_251 {strides = array<i32>} : memref<64x128xf32, #tpu.memory_space<vmem>>, vector<1x16xf32>,
      %mul3A_252 = arith.mulf %select_n3A_196, %div3A : vector<16xf32>
      %swap3A_253 = arith.index_cast %add3A_168 : i32 to index
      %swap3A_254 = arith.constant 80 : index
      %swap3A_255 = tpu.vector_load %arg8[%swap3A_253, %swap3A_254] {strides = array<i32>} : memref<64x128xf32, #tpu.memory_space<vmem>>, vector<1x16xf32>,
      %swap3A_256 = vector.shape_cast %swap3A_255 : vector<1x16xf32> to vector<16xf32>
      %swap3A_257 = vector.shape_cast %mul3A_252 : vector<16xf32> to vector<1x16xf32>
      tpu.vector_store %arg8[%swap3A_253, %swap3A_254], %swap3A_257 {strides = array<i32>} : memref<64x128xf32, #tpu.memory_space<vmem>>, vector<1x16xf32>,
      %mul3A_258 = arith.mulf %select_n3A_200, %div3A : vector<16xf32>
      %swap3A_259 = arith.index_cast %add3A_168 : i32 to index
      %swap3A_260 = arith.constant 96 : index
      %swap3A_261 = tpu.vector_load %arg8[%swap3A_259, %swap3A_260] {strides = array<i32>} : memref<64x128xf32, #tpu.memory_space<vmem>>, vector<1x16xf32>,
      %swap3A_262 = vector.shape_cast %swap3A_261 : vector<1x16xf32> to vector<16xf32>
      %swap3A_263 = vector.shape_cast %mul3A_258 : vector<16xf32> to vector<1x16xf32>
      tpu.vector_store %arg8[%swap3A_259, %swap3A_260], %swap3A_263 {strides = array<i32>} : memref<64x128xf32, #tpu.memory_space<vmem>>, vector<1x16xf32>,
      %mul3A_264 = arith.mulf %select_n3A_204, %div3A : vector<16xf32>
      %swap3A_265 = arith.index_cast %add3A_168 : i32 to index
      %swap3A_266 = arith.constant 112 : index
      %swap3A_267 = tpu.vector_load %arg8[%swap3A_265, %swap3A_266] {strides = array<i32>} : memref<64x128xf32, #tpu.memory_space<vmem>>, vector<1x16xf32>,
      %swap3A_268 = vector.shape_cast %swap3A_267 : vector<1x16xf32> to vector<16xf32>
      %swap3A_269 = vector.shape_cast %mul3A_264 : vector<16xf32> to vector<1x16xf32>
      tpu.vector_store %arg8[%swap3A_265, %swap3A_266], %swap3A_269 {strides = array<i32>} : memref<64x128xf32, #tpu.memory_space<vmem>>, vector<1x16xf32>,
      %shift_right_arithmetic3A = arith.constant 4 : i32
      %shift_right_arithmetic3A_270 = arith.shrsi %add3A_168, %shift_right_arithmetic3A : i32
      %mul3A_271 = arith.constant 16 : i32
      %mul3A_272 = arith.muli %shift_right_arithmetic3A_270, %mul3A_271 : i32
      %multiple_of3A = tpu.assume_multiple %mul3A_272, 16 : i32
      %swap3A_273 = arith.constant 0 : i32
      %swap3A_274 = arith.index_cast %swap3A_273 : i32 to index
      %swap3A_275 = arith.index_cast %multiple_of3A : i32 to index
      %swap3A_276 = tpu.vector_load %arg9[%swap3A_274, %swap3A_275] {strides = array<i32>} : memref<1x64xf32, #tpu.memory_space<vmem>>, vector<1x16xf32>,
      %swap3A_277 = vector.shape_cast %swap3A_276 : vector<1x16xf32> to vector<16xf32>
      %swap3A_278 = vector.shape_cast %select_n3A_217 : vector<16xf32> to vector<1x16xf32>
      tpu.vector_store %arg9[%swap3A_274, %swap3A_275], %swap3A_278 {strides = array<i32>} : memref<1x64xf32, #tpu.memory_space<vmem>>, vector<1x16xf32>,
      scf.yield %select_n3A_208, %select_n3A_207, %or3A_211, %add3A_168, %select_n3A_217, %select_n3A_176, %select_n3A_180, %select_n3A_184, %select_n3A_188, %select_n3A_192, %select_n3A_196, %select_n3A_200, %select_n3A_204 : f32, f32, i1, i32, vector<16xf32>, vector<16xf32>, vector<16xf32>, vector<16xf32>, vector<16xf32>, vector<16xf32>, vector<16xf32>, vector<16xf32>, vector<16xf32>
    }
    %scan3A_32 = arith.constant 64 : i32
    %jit3A = arith.constant 1 : i32
    %jit3A_33 = arith.constant 0 : i32
    %select_n3A = arith.select %scan3A_31#2, %jit3A, %jit3A_33 : i32
    %add3A = arith.addi %scan3A_31#3, %select_n3A : i32
    %add3A_34 = arith.constant 0 : i32
    %add3A_35 = vector.broadcast %add3A_34 : i32 to vector<16xi32>
    %add3A_36 = arith.addi %iota3A, %add3A_35 : vector<16xi32>
    %get3A = arith.constant 0 : i32
    %get3A_37 = arith.index_cast %get3A : i32 to index
    %get3A_38 = arith.constant 0 : index
    %get3A_39 = tpu.vector_load %arg9[%get3A_37, %get3A_38] {strides = array<i32>} : memref<1x64xf32, #tpu.memory_space<vmem>>, vector<1x16xf32>,
    %get3A_40 = vector.shape_cast %get3A_39 : vector<1x16xf32> to vector<16xf32>
    %ge3A = vector.broadcast %add3A : i32 to vector<16xi32>
    %ge3A_41 = arith.cmpi sge, %add3A_36, %ge3A : vector<16xi32>
    %jit3A_42 = arith.constant -1.000000e+00 : f32
    %broadcast_in_dim3A_43 = vector.broadcast %jit3A_42 : f32 to vector<16xf32>
    %select_n3A_44 = arith.select %ge3A_41, %broadcast_in_dim3A_43, %get3A_40 : vector<16xi1>, vector<16xf32>
    %swap3A = arith.constant 0 : i32
    %swap3A_45 = arith.index_cast %swap3A : i32 to index
    %swap3A_46 = arith.constant 0 : index
    %swap3A_47 = tpu.vector_load %arg9[%swap3A_45, %swap3A_46] {strides = array<i32>} : memref<1x64xf32, #tpu.memory_space<vmem>>, vector<1x16xf32>,
    %swap3A_48 = vector.shape_cast %swap3A_47 : vector<1x16xf32> to vector<16xf32>
    %swap3A_49 = vector.shape_cast %select_n3A_44 : vector<16xf32> to vector<1x16xf32>
    tpu.vector_store %arg9[%swap3A_45, %swap3A_46], %swap3A_49 {strides = array<i32>} : memref<1x64xf32, #tpu.memory_space<vmem>>, vector<1x16xf32>,
    %add3A_50 = arith.constant 16 : i32
    %add3A_51 = vector.broadcast %add3A_50 : i32 to vector<16xi32>
    %add3A_52 = arith.addi %iota3A, %add3A_51 : vector<16xi32>
    %get3A_53 = arith.constant 0 : i32
    %get3A_54 = arith.index_cast %get3A_53 : i32 to index
    %get3A_55 = arith.constant 16 : index
    %get3A_56 = tpu.vector_load %arg9[%get3A_54, %get3A_55] {strides = array<i32>} : memref<1x64xf32, #tpu.memory_space<vmem>>, vector<1x16xf32>,
    %get3A_57 = vector.shape_cast %get3A_56 : vector<1x16xf32> to vector<16xf32>
    %ge3A_58 = vector.broadcast %add3A : i32 to vector<16xi32>
    %ge3A_59 = arith.cmpi sge, %add3A_52, %ge3A_58 : vector<16xi32>
    %jit3A_60 = arith.constant -1.000000e+00 : f32
    %broadcast_in_dim3A_61 = vector.broadcast %jit3A_60 : f32 to vector<16xf32>
    %select_n3A_62 = arith.select %ge3A_59, %broadcast_in_dim3A_61, %get3A_57 : vector<16xi1>, vector<16xf32>
    %swap3A_63 = arith.constant 0 : i32
    %swap3A_64 = arith.index_cast %swap3A_63 : i32 to index
    %swap3A_65 = arith.constant 16 : index
    %swap3A_66 = tpu.vector_load %arg9[%swap3A_64, %swap3A_65] {strides = array<i32>} : memref<1x64xf32, #tpu.memory_space<vmem>>, vector<1x16xf32>,
    %swap3A_67 = vector.shape_cast %swap3A_66 : vector<1x16xf32> to vector<16xf32>
    %swap3A_68 = vector.shape_cast %select_n3A_62 : vector<16xf32> to vector<1x16xf32>
    tpu.vector_store %arg9[%swap3A_64, %swap3A_65], %swap3A_68 {strides = array<i32>} : memref<1x64xf32, #tpu.memory_space<vmem>>, vector<1x16xf32>,
    %add3A_69 = arith.constant 32 : i32
    %add3A_70 = vector.broadcast %add3A_69 : i32 to vector<16xi32>
    %add3A_71 = arith.addi %iota3A, %add3A_70 : vector<16xi32>
    %get3A_72 = arith.constant 0 : i32
    %get3A_73 = arith.index_cast %get3A_72 : i32 to index
    %get3A_74 = arith.constant 32 : index
    %get3A_75 = tpu.vector_load %arg9[%get3A_73, %get3A_74] {strides = array<i32>} : memref<1x64xf32, #tpu.memory_space<vmem>>, vector<1x16xf32>,
    %get3A_76 = vector.shape_cast %get3A_75 : vector<1x16xf32> to vector<16xf32>
    %ge3A_77 = vector.broadcast %add3A : i32 to vector<16xi32>
    %ge3A_78 = arith.cmpi sge, %add3A_71, %ge3A_77 : vector<16xi32>
    %jit3A_79 = arith.constant -1.000000e+00 : f32
    %broadcast_in_dim3A_80 = vector.broadcast %jit3A_79 : f32 to vector<16xf32>
    %select_n3A_81 = arith.select %ge3A_78, %broadcast_in_dim3A_80, %get3A_76 : vector<16xi1>, vector<16xf32>
    %swap3A_82 = arith.constant 0 : i32
    %swap3A_83 = arith.index_cast %swap3A_82 : i32 to index
    %swap3A_84 = arith.constant 32 : index
    %swap3A_85 = tpu.vector_load %arg9[%swap3A_83, %swap3A_84] {strides = array<i32>} : memref<1x64xf32, #tpu.memory_space<vmem>>, vector<1x16xf32>,
    %swap3A_86 = vector.shape_cast %swap3A_85 : vector<1x16xf32> to vector<16xf32>
    %swap3A_87 = vector.shape_cast %select_n3A_81 : vector<16xf32> to vector<1x16xf32>
    tpu.vector_store %arg9[%swap3A_83, %swap3A_84], %swap3A_87 {strides = array<i32>} : memref<1x64xf32, #tpu.memory_space<vmem>>, vector<1x16xf32>,
    %add3A_88 = arith.constant 48 : i32
    %add3A_89 = vector.broadcast %add3A_88 : i32 to vector<16xi32>
    %add3A_90 = arith.addi %iota3A, %add3A_89 : vector<16xi32>
    %get3A_91 = arith.constant 0 : i32
    %get3A_92 = arith.index_cast %get3A_91 : i32 to index
    %get3A_93 = arith.constant 48 : index
    %get3A_94 = tpu.vector_load %arg9[%get3A_92, %get3A_93] {strides = array<i32>} : memref<1x64xf32, #tpu.memory_space<vmem>>, vector<1x16xf32>,
    %get3A_95 = vector.shape_cast %get3A_94 : vector<1x16xf32> to vector<16xf32>
    %ge3A_96 = vector.broadcast %add3A : i32 to vector<16xi32>
    %ge3A_97 = arith.cmpi sge, %add3A_90, %ge3A_96 : vector<16xi32>
    %jit3A_98 = arith.constant -1.000000e+00 : f32
    %broadcast_in_dim3A_99 = vector.broadcast %jit3A_98 : f32 to vector<16xf32>
    %select_n3A_100 = arith.select %ge3A_97, %broadcast_in_dim3A_99, %get3A_95 : vector<16xi1>, vector<16xf32>
    %swap3A_101 = arith.constant 0 : i32
    %swap3A_102 = arith.index_cast %swap3A_101 : i32 to index
    %swap3A_103 = arith.constant 48 : index
    %swap3A_104 = tpu.vector_load %arg9[%swap3A_102, %swap3A_103] {strides = array<i32>} : memref<1x64xf32, #tpu.memory_space<vmem>>, vector<1x16xf32>,
    %swap3A_105 = vector.shape_cast %swap3A_104 : vector<1x16xf32> to vector<16xf32>
    %swap3A_106 = vector.shape_cast %select_n3A_100 : vector<16xf32> to vector<1x16xf32>
    tpu.vector_store %arg9[%swap3A_102, %swap3A_103], %swap3A_106 {strides = array<i32>} : memref<1x64xf32, #tpu.memory_space<vmem>>, vector<1x16xf32>,
    "tpu.region"() ({
      %run_scoped3A = tpu.sem_alloc : memref<!tpu.dma_semaphore, #tpu.memory_space<semaphore_mem>>
      tpu.enqueue_dma source(%arg8 : memref<64x128xf32, #tpu.memory_space<vmem>>) target(%arg4 : memref<64x128xf32, #tpu.memory_space<hbm>>) target_semaphore(%run_scoped3A : memref<!tpu.dma_semaphore, #tpu.memory_space<semaphore_mem>>)
      tpu.wait_dma2 semaphore(%run_scoped3A : memref<!tpu.dma_semaphore, #tpu.memory_space<semaphore_mem>>) src(%arg8 : memref<64x128xf32, #tpu.memory_space<vmem>>) dst(%arg4 : memref<64x128xf32, #tpu.memory_space<hbm>>)
      tpu.yield
    }) : () -> ()
    "tpu.region"() ({
      %run_scoped3A = tpu.sem_alloc : memref<!tpu.dma_semaphore, #tpu.memory_space<semaphore_mem>>
      tpu.enqueue_dma source(%arg9 : memref<1x64xf32, #tpu.memory_space<vmem>>) target(%arg5 : memref<1x64xf32, #tpu.memory_space<hbm>>) target_semaphore(%run_scoped3A : memref<!tpu.dma_semaphore, #tpu.memory_space<semaphore_mem>>)
      tpu.wait_dma2 semaphore(%run_scoped3A : memref<!tpu.dma_semaphore, #tpu.memory_space<semaphore_mem>>) src(%arg9 : memref<1x64xf32, #tpu.memory_space<vmem>>) dst(%arg5 : memref<1x64xf32, #tpu.memory_space<hbm>>)
      tpu.yield
    }) : () -> ()
    return
  }
}

#map = affine_map<(d0, d1) -> (0, 0)>
#map1 = affine_map<(d0, d1) -> (0)>
module attributes {stable_mosaic.version = 14 : i64} {
  func.func @_seg_scan_k(%arg0: i32, %arg1: i32, %arg2: memref<160000x128xf32, #tpu.memory_space<hbm>>, %arg3: memref<160000xi32, #tpu.memory_space<hbm>>, %arg4: memref<80016x128xf32, #tpu.memory_space<hbm>>, %arg5: memref<64x128xf32, #tpu.memory_space<hbm>>, %arg6: memref<64x16xf32, #tpu.memory_space<hbm>>, %arg7: memref<200x128xf32, #tpu.memory_space<vmem>>, %arg8: memref<216xi32, #tpu.memory_space<vmem>>, %arg9: memref<128x128xf32, #tpu.memory_space<vmem>>, %arg10: memref<128xi32, #tpu.memory_space<vmem>>, %arg11: memref<16xi32, #tpu.memory_space<vmem>>, %arg12: memref<2x128xf32, #tpu.memory_space<vmem>>, %arg13: memref<2x16xf32, #tpu.memory_space<vmem>>, %arg14: memref<!tpu.dma_semaphore, #tpu.memory_space<semaphore_mem>>) attributes {dimension_semantics = [#tpu.dimension_semantics<core_parallel>, #tpu.dimension_semantics<subcore_parallel>], iteration_bounds = array<i64: 2, 16>, scalar_prefetch = 0 : i64, scratch_operands = 8 : i64, tpu.core_type = #tpu.core_type<sc_vector_subcore>, window_params = [{transform_indices = #map}, {transform_indices = #map1}, {transform_indices = #map}, {transform_indices = #map}, {transform_indices = #map}]} {
    %mul3A = arith.constant 2 : i32
    %mul3A_0 = arith.muli %arg1, %mul3A : i32
    %add3A = arith.addi %mul3A_0, %arg0 : i32
    %mul3A_1 = arith.constant 5000 : i32
    %mul3A_2 = arith.muli %add3A, %mul3A_1 : i32
    %multiple_of3A = tpu.assume_multiple %mul3A_2, 8 : i32
    "tpu.region"() ({
      %run_scoped3A = tpu.sem_alloc : memref<!tpu.dma_semaphore, #tpu.memory_space<semaphore_mem>>
      %dma_start3A_303 = tpu.memref_slice %arg3[%multiple_of3A] : memref<160000xi32, #tpu.memory_space<hbm>> -> memref<16xi32, #tpu.memory_space<hbm>>
      %dma_start3A_304 = tpu.memref_slice %arg3[%multiple_of3A] : memref<160000xi32, #tpu.memory_space<hbm>> -> memref<16xi32, #tpu.memory_space<hbm>>
      tpu.enqueue_dma source(%dma_start3A_304 : memref<16xi32, #tpu.memory_space<hbm>>) target(%arg11 : memref<16xi32, #tpu.memory_space<vmem>>) target_semaphore(%run_scoped3A : memref<!tpu.dma_semaphore, #tpu.memory_space<semaphore_mem>>)
      %dma_wait3A_305 = tpu.memref_slice %arg3[%multiple_of3A] : memref<160000xi32, #tpu.memory_space<hbm>> -> memref<16xi32, #tpu.memory_space<hbm>>
      %dma_wait3A_306 = tpu.memref_slice %arg3[%multiple_of3A] : memref<160000xi32, #tpu.memory_space<hbm>> -> memref<16xi32, #tpu.memory_space<hbm>>
      tpu.wait_dma2 semaphore(%run_scoped3A : memref<!tpu.dma_semaphore, #tpu.memory_space<semaphore_mem>>) src(%dma_wait3A_306 : memref<16xi32, #tpu.memory_space<hbm>>) dst(%arg11 : memref<16xi32, #tpu.memory_space<vmem>>)
      tpu.yield
    }) : () -> ()
    %get3A = arith.constant 0 : index
    %get3A_3 = tpu.vector_load %arg11[%get3A] {strides = array<i32>} : memref<16xi32, #tpu.memory_space<vmem>>, vector<16xi32>,
    %get3A_4 = vector.shape_cast %get3A_3 : vector<16xi32> to vector<16xi32>
    %slice3A = vector.extract_strided_slice %get3A_4 {offsets = [0], sizes = [1], strides = [1]} : vector<16xi32> to vector<1xi32>
    %squeeze3A = vector.extract %slice3A[0] : i32 from vector<1xi32>
    %iota3A = tpu.iota {dimensions = array<i32: 0>} : vector<16xi32>
    %broadcast_in_dim3A = arith.constant 0.000000e+00 : f32
    %broadcast_in_dim3A_5 = vector.broadcast %broadcast_in_dim3A : f32 to vector<16xf32>
    %broadcast_in_dim3A_6 = arith.constant 0.000000e+00 : f32
    %broadcast_in_dim3A_7 = vector.broadcast %broadcast_in_dim3A_6 : f32 to vector<16xf32>
    %broadcast_in_dim3A_8 = arith.constant 0.000000e+00 : f32
    %broadcast_in_dim3A_9 = vector.broadcast %broadcast_in_dim3A_8 : f32 to vector<16xf32>
    %broadcast_in_dim3A_10 = arith.constant 0.000000e+00 : f32
    %broadcast_in_dim3A_11 = vector.broadcast %broadcast_in_dim3A_10 : f32 to vector<16xf32>
    %broadcast_in_dim3A_12 = arith.constant 0.000000e+00 : f32
    %broadcast_in_dim3A_13 = vector.broadcast %broadcast_in_dim3A_12 : f32 to vector<16xf32>
    %broadcast_in_dim3A_14 = arith.constant 0.000000e+00 : f32
    %broadcast_in_dim3A_15 = vector.broadcast %broadcast_in_dim3A_14 : f32 to vector<16xf32>
    %broadcast_in_dim3A_16 = arith.constant 0.000000e+00 : f32
    %broadcast_in_dim3A_17 = vector.broadcast %broadcast_in_dim3A_16 : f32 to vector<16xf32>
    %broadcast_in_dim3A_18 = arith.constant 0.000000e+00 : f32
    %broadcast_in_dim3A_19 = vector.broadcast %broadcast_in_dim3A_18 : f32 to vector<16xf32>
    %broadcast_in_dim3A_20 = arith.constant 0 : i32
    %broadcast_in_dim3A_21 = vector.broadcast %broadcast_in_dim3A_20 : i32 to vector<16xi32>
    %scan3A = arith.constant -1 : i32
    %scan3A_22 = arith.constant 0.000000e+00 : f32
    %scan3A_23 = arith.constant false
    %scan3A_24 = arith.constant 0 : i32
    %scan3A_25 = arith.constant true
    %scan3A_26 = arith.constant 0.000000e+00 : f32
    %scan3A_27 = arith.constant 0 : i32
    %scan3A_28 = arith.constant 25 : i32
    %scan3A_29 = arith.addi %scan3A_27, %scan3A_28 : i32
    %scan3A_30 = arith.constant 1 : i32
    %scan3A_31:23 = scf.for %scan3A_303 = %scan3A_27 to %scan3A_29 step %scan3A_30 iter_args(%scan3A_304 = %scan3A, %scan3A_305 = %scan3A_22, %scan3A_306 = %scan3A_23, %scan3A_307 = %scan3A_24, %scan3A_308 = %broadcast_in_dim3A_21, %scan3A_309 = %scan3A_25, %scan3A_310 = %scan3A_26, %scan3A_311 = %broadcast_in_dim3A_5, %scan3A_312 = %broadcast_in_dim3A_7, %scan3A_313 = %broadcast_in_dim3A_9, %scan3A_314 = %broadcast_in_dim3A_11, %scan3A_315 = %broadcast_in_dim3A_13, %scan3A_316 = %broadcast_in_dim3A_15, %scan3A_317 = %broadcast_in_dim3A_17, %scan3A_318 = %broadcast_in_dim3A_19, %scan3A_319 = %broadcast_in_dim3A_5, %scan3A_320 = %broadcast_in_dim3A_7, %scan3A_321 = %broadcast_in_dim3A_9, %scan3A_322 = %broadcast_in_dim3A_11, %scan3A_323 = %broadcast_in_dim3A_13, %scan3A_324 = %broadcast_in_dim3A_15, %scan3A_325 = %broadcast_in_dim3A_17, %scan3A_326 = %broadcast_in_dim3A_19) -> (i32, f32, i1, i32, vector<16xi32>, i1, f32, vector<16xf32>, vector<16xf32>, vector<16xf32>, vector<16xf32>, vector<16xf32>, vector<16xf32>, vector<16xf32>, vector<16xf32>, vector<16xf32>, vector<16xf32>, vector<16xf32>, vector<16xf32>, vector<16xf32>, vector<16xf32>, vector<16xf32>, vector<16xf32>)  : i32 {
      %mul3A_327 = arith.constant 200 : i32
      %mul3A_328 = arith.muli %scan3A_303, %mul3A_327 : i32
      %add3A_329 = arith.addi %mul3A_2, %mul3A_328 : i32
      %multiple_of3A_330 = tpu.assume_multiple %add3A_329, 8 : i32
      "tpu.region"() ({
        %run_scoped3A = tpu.sem_alloc : memref<!tpu.dma_semaphore, #tpu.memory_space<semaphore_mem>>
        %dma_start3A_337 = arith.constant 0 : i32
        %dma_start3A_338 = tpu.memref_slice %arg2[%multiple_of3A_330, %dma_start3A_337] : memref<160000x128xf32, #tpu.memory_space<hbm>> -> memref<200x128xf32, #tpu.memory_space<hbm>>
        %dma_start3A_339 = arith.constant 0 : i32
        %dma_start3A_340 = tpu.memref_slice %arg2[%multiple_of3A_330, %dma_start3A_339] : memref<160000x128xf32, #tpu.memory_space<hbm>> -> memref<200x128xf32, #tpu.memory_space<hbm>>
        tpu.enqueue_dma source(%dma_start3A_340 : memref<200x128xf32, #tpu.memory_space<hbm>>) target(%arg7 : memref<200x128xf32, #tpu.memory_space<vmem>>) target_semaphore(%run_scoped3A : memref<!tpu.dma_semaphore, #tpu.memory_space<semaphore_mem>>)
        %dma_wait3A_341 = arith.constant 0 : i32
        %dma_wait3A_342 = tpu.memref_slice %arg2[%multiple_of3A_330, %dma_wait3A_341] : memref<160000x128xf32, #tpu.memory_space<hbm>> -> memref<200x128xf32, #tpu.memory_space<hbm>>
        %dma_wait3A_343 = arith.constant 0 : i32
        %dma_wait3A_344 = tpu.memref_slice %arg2[%multiple_of3A_330, %dma_wait3A_343] : memref<160000x128xf32, #tpu.memory_space<hbm>> -> memref<200x128xf32, #tpu.memory_space<hbm>>
        tpu.wait_dma2 semaphore(%run_scoped3A : memref<!tpu.dma_semaphore, #tpu.memory_space<semaphore_mem>>) src(%dma_wait3A_344 : memref<200x128xf32, #tpu.memory_space<hbm>>) dst(%arg7 : memref<200x128xf32, #tpu.memory_space<vmem>>)
        tpu.yield
      }) : () -> ()
      "tpu.region"() ({
        %run_scoped3A = tpu.sem_alloc : memref<!tpu.dma_semaphore, #tpu.memory_space<semaphore_mem>>
        %dma_start3A_337 = arith.constant 0 : i32
        %dma_start3A_338 = tpu.memref_slice %arg8[%dma_start3A_337] : memref<216xi32, #tpu.memory_space<vmem>> -> memref<200xi32, #tpu.memory_space<vmem>>
        %dma_start3A_339 = tpu.memref_slice %arg3[%multiple_of3A_330] : memref<160000xi32, #tpu.memory_space<hbm>> -> memref<200xi32, #tpu.memory_space<hbm>>
        %dma_start3A_340 = arith.constant 0 : i32
        %dma_start3A_341 = tpu.memref_slice %arg8[%dma_start3A_340] : memref<216xi32, #tpu.memory_space<vmem>> -> memref<200xi32, #tpu.memory_space<vmem>>
        %dma_start3A_342 = tpu.memref_slice %arg3[%multiple_of3A_330] : memref<160000xi32, #tpu.memory_space<hbm>> -> memref<200xi32, #tpu.memory_space<hbm>>
        tpu.enqueue_dma source(%dma_start3A_342 : memref<200xi32, #tpu.memory_space<hbm>>) target(%dma_start3A_341 : memref<200xi32, #tpu.memory_space<vmem>>) target_semaphore(%run_scoped3A : memref<!tpu.dma_semaphore, #tpu.memory_space<semaphore_mem>>)
        %dma_wait3A_343 = arith.constant 0 : i32
        %dma_wait3A_344 = tpu.memref_slice %arg8[%dma_wait3A_343] : memref<216xi32, #tpu.memory_space<vmem>> -> memref<200xi32, #tpu.memory_space<vmem>>
        %dma_wait3A_345 = tpu.memref_slice %arg3[%multiple_of3A_330] : memref<160000xi32, #tpu.memory_space<hbm>> -> memref<200xi32, #tpu.memory_space<hbm>>
        %dma_wait3A_346 = arith.constant 0 : i32
        %dma_wait3A_347 = tpu.memref_slice %arg8[%dma_wait3A_346] : memref<216xi32, #tpu.memory_space<vmem>> -> memref<200xi32, #tpu.memory_space<vmem>>
        %dma_wait3A_348 = tpu.memref_slice %arg3[%multiple_of3A_330] : memref<160000xi32, #tpu.memory_space<hbm>> -> memref<200xi32, #tpu.memory_space<hbm>>
        tpu.wait_dma2 semaphore(%run_scoped3A : memref<!tpu.dma_semaphore, #tpu.memory_space<semaphore_mem>>) src(%dma_wait3A_348 : memref<200xi32, #tpu.memory_space<hbm>>) dst(%dma_wait3A_347 : memref<200xi32, #tpu.memory_space<vmem>>)
        tpu.yield
      }) : () -> ()
      %scan3A_331 = arith.constant 0 : i32
      %scan3A_332 = arith.constant 200 : i32
      %scan3A_333 = arith.addi %scan3A_331, %scan3A_332 : i32
      %scan3A_334 = arith.constant 1 : i32
      %scan3A_335:23 = scf.for %scan3A_337 = %scan3A_331 to %scan3A_333 step %scan3A_334 iter_args(%scan3A_338 = %scan3A_304, %scan3A_339 = %scan3A_305, %scan3A_340 = %scan3A_306, %scan3A_341 = %scan3A_307, %scan3A_342 = %scan3A_308, %scan3A_343 = %scan3A_309, %scan3A_344 = %scan3A_310, %scan3A_345 = %scan3A_311, %scan3A_346 = %scan3A_312, %scan3A_347 = %scan3A_313, %scan3A_348 = %scan3A_314, %scan3A_349 = %scan3A_315, %scan3A_350 = %scan3A_316, %scan3A_351 = %scan3A_317, %scan3A_352 = %scan3A_318, %scan3A_353 = %scan3A_319, %scan3A_354 = %scan3A_320, %scan3A_355 = %scan3A_321, %scan3A_356 = %scan3A_322, %scan3A_357 = %scan3A_323, %scan3A_358 = %scan3A_324, %scan3A_359 = %scan3A_325, %scan3A_360 = %scan3A_326) -> (i32, f32, i1, i32, vector<16xi32>, i1, f32, vector<16xf32>, vector<16xf32>, vector<16xf32>, vector<16xf32>, vector<16xf32>, vector<16xf32>, vector<16xf32>, vector<16xf32>, vector<16xf32>, vector<16xf32>, vector<16xf32>, vector<16xf32>, vector<16xf32>, vector<16xf32>, vector<16xf32>, vector<16xf32>)  : i32 {
        %get3A_361 = arith.index_cast %scan3A_337 : i32 to index
        %get3A_362 = tpu.vector_load %arg8[%get3A_361] {strides = array<i32>} : memref<216xi32, #tpu.memory_space<vmem>>, vector<16xi32>,
        %get3A_363 = vector.shape_cast %get3A_362 : vector<16xi32> to vector<16xi32>
        %slice3A_364 = vector.extract_strided_slice %get3A_363 {offsets = [0], sizes = [1], strides = [1]} : vector<16xi32> to vector<1xi32>
        %squeeze3A_365 = vector.extract %slice3A_364[0] : i32 from vector<1xi32>
        %get3A_366 = arith.index_cast %scan3A_337 : i32 to index
        %get3A_367 = arith.constant 0 : index
        %get3A_368 = tpu.vector_load %arg7[%get3A_366, %get3A_367] {strides = array<i32>} : memref<200x128xf32, #tpu.memory_space<vmem>>, vector<1x16xf32>,
        %get3A_369 = vector.shape_cast %get3A_368 : vector<1x16xf32> to vector<16xf32>
        %get3A_370 = arith.index_cast %scan3A_337 : i32 to index
        %get3A_371 = arith.constant 16 : index
        %get3A_372 = tpu.vector_load %arg7[%get3A_370, %get3A_371] {strides = array<i32>} : memref<200x128xf32, #tpu.memory_space<vmem>>, vector<1x16xf32>,
        %get3A_373 = vector.shape_cast %get3A_372 : vector<1x16xf32> to vector<16xf32>
        %get3A_374 = arith.index_cast %scan3A_337 : i32 to index
        %get3A_375 = arith.constant 32 : index
        %get3A_376 = tpu.vector_load %arg7[%get3A_374, %get3A_375] {strides = array<i32>} : memref<200x128xf32, #tpu.memory_space<vmem>>, vector<1x16xf32>,
        %get3A_377 = vector.shape_cast %get3A_376 : vector<1x16xf32> to vector<16xf32>
        %get3A_378 = arith.index_cast %scan3A_337 : i32 to index
        %get3A_379 = arith.constant 48 : index
        %get3A_380 = tpu.vector_load %arg7[%get3A_378, %get3A_379] {strides = array<i32>} : memref<200x128xf32, #tpu.memory_space<vmem>>, vector<1x16xf32>,
        %get3A_381 = vector.shape_cast %get3A_380 : vector<1x16xf32> to vector<16xf32>
        %get3A_382 = arith.index_cast %scan3A_337 : i32 to index
        %get3A_383 = arith.constant 64 : index
        %get3A_384 = tpu.vector_load %arg7[%get3A_382, %get3A_383] {strides = array<i32>} : memref<200x128xf32, #tpu.memory_space<vmem>>, vector<1x16xf32>,
        %get3A_385 = vector.shape_cast %get3A_384 : vector<1x16xf32> to vector<16xf32>
        %get3A_386 = arith.index_cast %scan3A_337 : i32 to index
        %get3A_387 = arith.constant 80 : index
        %get3A_388 = tpu.vector_load %arg7[%get3A_386, %get3A_387] {strides = array<i32>} : memref<200x128xf32, #tpu.memory_space<vmem>>, vector<1x16xf32>,
        %get3A_389 = vector.shape_cast %get3A_388 : vector<1x16xf32> to vector<16xf32>
        %get3A_390 = arith.index_cast %scan3A_337 : i32 to index
        %get3A_391 = arith.constant 96 : index
        %get3A_392 = tpu.vector_load %arg7[%get3A_390, %get3A_391] {strides = array<i32>} : memref<200x128xf32, #tpu.memory_space<vmem>>, vector<1x16xf32>,
        %get3A_393 = vector.shape_cast %get3A_392 : vector<1x16xf32> to vector<16xf32>
        %get3A_394 = arith.index_cast %scan3A_337 : i32 to index
        %get3A_395 = arith.constant 112 : index
        %get3A_396 = tpu.vector_load %arg7[%get3A_394, %get3A_395] {strides = array<i32>} : memref<200x128xf32, #tpu.memory_space<vmem>>, vector<1x16xf32>,
        %get3A_397 = vector.shape_cast %get3A_396 : vector<1x16xf32> to vector<16xf32>
        %eq3A_398 = arith.cmpi eq, %squeeze3A_365, %scan3A_338 : i32
        %not3A = arith.constant true
        %not3A_399 = arith.xori %eq3A_398, %not3A : i1
        %and3A = arith.andi %not3A_399, %scan3A_340 : i1
        %jit3A_400 = arith.constant 1 : i32
        %jit3A_401 = arith.constant 0 : i32
        %select_n3A_402 = arith.select %and3A, %jit3A_400, %jit3A_401 : i32
        %add3A_403 = arith.addi %scan3A_341, %select_n3A_402 : i32
        %eq3A_404 = arith.constant 128 : i32
        %eq3A_405 = arith.cmpi eq, %add3A_403, %eq3A_404 : i32
        %convert_element_type3A_406 = arith.extui %eq3A_405 : i1 to i32
        %cond3A = arith.constant 0 : i32
        %cond3A_407 = arith.cmpi ne, %convert_element_type3A_406, %cond3A : i32
        scf.if %cond3A_407 {
          %dma_start3A_538 = arith.constant 0 : i32
          %dma_start3A_539 = arith.constant 0 : i32
          %dma_start3A_540 = tpu.memref_slice %arg4[%dma_start3A_538, %dma_start3A_539] : memref<80016x128xf32, #tpu.memory_space<hbm>> -> memref<80016x128xf32, #tpu.memory_space<hbm>>
          tpu.enqueue_indirect_dma source(%arg9 : memref<128x128xf32, #tpu.memory_space<vmem>>) target(%dma_start3A_540 : memref<80016x128xf32, #tpu.memory_space<hbm>>) offsets(%arg10 : memref<128xi32, #tpu.memory_space<vmem>>) semaphore(%arg14 : memref<!tpu.dma_semaphore, #tpu.memory_space<semaphore_mem>>)
          %dma_wait3A_541 = arith.constant 0 : i32
          %dma_wait3A_542 = arith.constant 0 : i32
          %dma_wait3A_543 = tpu.memref_slice %arg4[%dma_wait3A_541, %dma_wait3A_542] : memref<80016x128xf32, #tpu.memory_space<hbm>> -> memref<80016x128xf32, #tpu.memory_space<hbm>>
          tpu.wait_indirect_dma semaphore(%arg14 : memref<!tpu.dma_semaphore, #tpu.memory_space<semaphore_mem>>) src(%arg9 : memref<128x128xf32, #tpu.memory_space<vmem>>) dst(%dma_wait3A_543 : memref<80016x128xf32, #tpu.memory_space<hbm>>)
        } else {
        }
        %eq3A_408 = arith.constant 128 : i32
        %eq3A_409 = arith.cmpi eq, %add3A_403, %eq3A_408 : i32
        %jit3A_410 = arith.constant 0 : i32
        %select_n3A_411 = arith.select %eq3A_409, %jit3A_410, %add3A_403 : i32
        %add3A_412 = arith.addf %scan3A_345, %get3A_369 : vector<16xf32>
        %select_n3A_413 = arith.select %eq3A_398, %add3A_412, %get3A_369 : vector<16xf32>
        %add3A_414 = arith.addf %scan3A_346, %get3A_373 : vector<16xf32>
        %select_n3A_415 = arith.select %eq3A_398, %add3A_414, %get3A_373 : vector<16xf32>
        %add3A_416 = arith.addf %scan3A_347, %get3A_377 : vector<16xf32>
        %select_n3A_417 = arith.select %eq3A_398, %add3A_416, %get3A_377 : vector<16xf32>
        %add3A_418 = arith.addf %scan3A_348, %get3A_381 : vector<16xf32>
        %select_n3A_419 = arith.select %eq3A_398, %add3A_418, %get3A_381 : vector<16xf32>
        %add3A_420 = arith.addf %scan3A_349, %get3A_385 : vector<16xf32>
        %select_n3A_421 = arith.select %eq3A_398, %add3A_420, %get3A_385 : vector<16xf32>
        %add3A_422 = arith.addf %scan3A_350, %get3A_389 : vector<16xf32>
        %select_n3A_423 = arith.select %eq3A_398, %add3A_422, %get3A_389 : vector<16xf32>
        %add3A_424 = arith.addf %scan3A_351, %get3A_393 : vector<16xf32>
        %select_n3A_425 = arith.select %eq3A_398, %add3A_424, %get3A_393 : vector<16xf32>
        %add3A_426 = arith.addf %scan3A_352, %get3A_397 : vector<16xf32>
        %select_n3A_427 = arith.select %eq3A_398, %add3A_426, %get3A_397 : vector<16xf32>
        %add3A_428 = arith.constant 1.000000e+00 : f32
        %add3A_429 = arith.addf %scan3A_339, %add3A_428 : f32
        %jit3A_430 = arith.constant 1.000000e+00 : f32
        %select_n3A_431 = arith.select %eq3A_398, %add3A_429, %jit3A_430 : f32
        %not3A_432 = arith.constant true
        %not3A_433 = arith.xori %eq3A_398, %not3A_432 : i1
        %or3A = arith.ori %scan3A_340, %not3A_433 : i1
        %and3A_434 = arith.constant 15 : i32
        %and3A_435 = arith.andi %select_n3A_411, %and3A_434 : i32
        %eq3A_436 = vector.broadcast %and3A_435 : i32 to vector<16xi32>
        %eq3A_437 = arith.cmpi eq, %iota3A, %eq3A_436 : vector<16xi32>
        %broadcast_in_dim3A_438 = vector.broadcast %squeeze3A_365 : i32 to vector<16xi32>
        %select_n3A_439 = arith.select %eq3A_437, %broadcast_in_dim3A_438, %scan3A_342 : vector<16xi1>, vector<16xi32>
        %broadcast_in_dim3A_440 = arith.constant 1.000000e+00 : f32
        %broadcast_in_dim3A_441 = vector.broadcast %broadcast_in_dim3A_440 : f32 to vector<16xf32>
        %max3A = arith.constant 1.000000e+00 : f32
        %max3A_442 = arith.maximumf %select_n3A_431, %max3A : f32
        %broadcast_in_dim3A_443 = vector.broadcast %max3A_442 : f32 to vector<16xf32>
        %div3A = arith.divf %broadcast_in_dim3A_441, %broadcast_in_dim3A_443 : vector<16xf32>
        %mul3A_444 = arith.mulf %select_n3A_413, %div3A : vector<16xf32>
        %swap3A_445 = arith.index_cast %select_n3A_411 : i32 to index
        %swap3A_446 = arith.constant 0 : index
        %swap3A_447 = tpu.vector_load %arg9[%swap3A_445, %swap3A_446] {strides = array<i32>} : memref<128x128xf32, #tpu.memory_space<vmem>>, vector<1x16xf32>,
        %swap3A_448 = vector.shape_cast %swap3A_447 : vector<1x16xf32> to vector<16xf32>
        %swap3A_449 = vector.shape_cast %mul3A_444 : vector<16xf32> to vector<1x16xf32>
        tpu.vector_store %arg9[%swap3A_445, %swap3A_446], %swap3A_449 {strides = array<i32>} : memref<128x128xf32, #tpu.memory_space<vmem>>, vector<1x16xf32>,
        %mul3A_450 = arith.mulf %select_n3A_415, %div3A : vector<16xf32>
        %swap3A_451 = arith.index_cast %select_n3A_411 : i32 to index
        %swap3A_452 = arith.constant 16 : index
        %swap3A_453 = tpu.vector_load %arg9[%swap3A_451, %swap3A_452] {strides = array<i32>} : memref<128x128xf32, #tpu.memory_space<vmem>>, vector<1x16xf32>,
        %swap3A_454 = vector.shape_cast %swap3A_453 : vector<1x16xf32> to vector<16xf32>
        %swap3A_455 = vector.shape_cast %mul3A_450 : vector<16xf32> to vector<1x16xf32>
        tpu.vector_store %arg9[%swap3A_451, %swap3A_452], %swap3A_455 {strides = array<i32>} : memref<128x128xf32, #tpu.memory_space<vmem>>, vector<1x16xf32>,
        %mul3A_456 = arith.mulf %select_n3A_417, %div3A : vector<16xf32>
        %swap3A_457 = arith.index_cast %select_n3A_411 : i32 to index
        %swap3A_458 = arith.constant 32 : index
        %swap3A_459 = tpu.vector_load %arg9[%swap3A_457, %swap3A_458] {strides = array<i32>} : memref<128x128xf32, #tpu.memory_space<vmem>>, vector<1x16xf32>,
        %swap3A_460 = vector.shape_cast %swap3A_459 : vector<1x16xf32> to vector<16xf32>
        %swap3A_461 = vector.shape_cast %mul3A_456 : vector<16xf32> to vector<1x16xf32>
        tpu.vector_store %arg9[%swap3A_457, %swap3A_458], %swap3A_461 {strides = array<i32>} : memref<128x128xf32, #tpu.memory_space<vmem>>, vector<1x16xf32>,
        %mul3A_462 = arith.mulf %select_n3A_419, %div3A : vector<16xf32>
        %swap3A_463 = arith.index_cast %select_n3A_411 : i32 to index
        %swap3A_464 = arith.constant 48 : index
        %swap3A_465 = tpu.vector_load %arg9[%swap3A_463, %swap3A_464] {strides = array<i32>} : memref<128x128xf32, #tpu.memory_space<vmem>>, vector<1x16xf32>,
        %swap3A_466 = vector.shape_cast %swap3A_465 : vector<1x16xf32> to vector<16xf32>
        %swap3A_467 = vector.shape_cast %mul3A_462 : vector<16xf32> to vector<1x16xf32>
        tpu.vector_store %arg9[%swap3A_463, %swap3A_464], %swap3A_467 {strides = array<i32>} : memref<128x128xf32, #tpu.memory_space<vmem>>, vector<1x16xf32>,
        %mul3A_468 = arith.mulf %select_n3A_421, %div3A : vector<16xf32>
        %swap3A_469 = arith.index_cast %select_n3A_411 : i32 to index
        %swap3A_470 = arith.constant 64 : index
        %swap3A_471 = tpu.vector_load %arg9[%swap3A_469, %swap3A_470] {strides = array<i32>} : memref<128x128xf32, #tpu.memory_space<vmem>>, vector<1x16xf32>,
        %swap3A_472 = vector.shape_cast %swap3A_471 : vector<1x16xf32> to vector<16xf32>
        %swap3A_473 = vector.shape_cast %mul3A_468 : vector<16xf32> to vector<1x16xf32>
        tpu.vector_store %arg9[%swap3A_469, %swap3A_470], %swap3A_473 {strides = array<i32>} : memref<128x128xf32, #tpu.memory_space<vmem>>, vector<1x16xf32>,
        %mul3A_474 = arith.mulf %select_n3A_423, %div3A : vector<16xf32>
        %swap3A_475 = arith.index_cast %select_n3A_411 : i32 to index
        %swap3A_476 = arith.constant 80 : index
        %swap3A_477 = tpu.vector_load %arg9[%swap3A_475, %swap3A_476] {strides = array<i32>} : memref<128x128xf32, #tpu.memory_space<vmem>>, vector<1x16xf32>,
        %swap3A_478 = vector.shape_cast %swap3A_477 : vector<1x16xf32> to vector<16xf32>
        %swap3A_479 = vector.shape_cast %mul3A_474 : vector<16xf32> to vector<1x16xf32>
        tpu.vector_store %arg9[%swap3A_475, %swap3A_476], %swap3A_479 {strides = array<i32>} : memref<128x128xf32, #tpu.memory_space<vmem>>, vector<1x16xf32>,
        %mul3A_480 = arith.mulf %select_n3A_425, %div3A : vector<16xf32>
        %swap3A_481 = arith.index_cast %select_n3A_411 : i32 to index
        %swap3A_482 = arith.constant 96 : index
        %swap3A_483 = tpu.vector_load %arg9[%swap3A_481, %swap3A_482] {strides = array<i32>} : memref<128x128xf32, #tpu.memory_space<vmem>>, vector<1x16xf32>,
        %swap3A_484 = vector.shape_cast %swap3A_483 : vector<1x16xf32> to vector<16xf32>
        %swap3A_485 = vector.shape_cast %mul3A_480 : vector<16xf32> to vector<1x16xf32>
        tpu.vector_store %arg9[%swap3A_481, %swap3A_482], %swap3A_485 {strides = array<i32>} : memref<128x128xf32, #tpu.memory_space<vmem>>, vector<1x16xf32>,
        %mul3A_486 = arith.mulf %select_n3A_427, %div3A : vector<16xf32>
        %swap3A_487 = arith.index_cast %select_n3A_411 : i32 to index
        %swap3A_488 = arith.constant 112 : index
        %swap3A_489 = tpu.vector_load %arg9[%swap3A_487, %swap3A_488] {strides = array<i32>} : memref<128x128xf32, #tpu.memory_space<vmem>>, vector<1x16xf32>,
        %swap3A_490 = vector.shape_cast %swap3A_489 : vector<1x16xf32> to vector<16xf32>
        %swap3A_491 = vector.shape_cast %mul3A_486 : vector<16xf32> to vector<1x16xf32>
        tpu.vector_store %arg9[%swap3A_487, %swap3A_488], %swap3A_491 {strides = array<i32>} : memref<128x128xf32, #tpu.memory_space<vmem>>, vector<1x16xf32>,
        %shift_right_arithmetic3A = arith.constant 4 : i32
        %shift_right_arithmetic3A_492 = arith.shrsi %select_n3A_411, %shift_right_arithmetic3A : i32
        %mul3A_493 = arith.constant 16 : i32
        %mul3A_494 = arith.muli %shift_right_arithmetic3A_492, %mul3A_493 : i32
        %multiple_of3A_495 = tpu.assume_multiple %mul3A_494, 16 : i32
        %swap3A_496 = arith.index_cast %multiple_of3A_495 : i32 to index
        %swap3A_497 = tpu.vector_load %arg10[%swap3A_496] {strides = array<i32>} : memref<128xi32, #tpu.memory_space<vmem>>, vector<16xi32>,
        %swap3A_498 = vector.shape_cast %swap3A_497 : vector<16xi32> to vector<16xi32>
        %swap3A_499 = vector.shape_cast %select_n3A_439 : vector<16xi32> to vector<16xi32>
        tpu.vector_store %arg10[%swap3A_496], %swap3A_499 {strides = array<i32>} : memref<128xi32, #tpu.memory_space<vmem>>, vector<16xi32>,
        %eq3A_500 = arith.cmpi eq, %squeeze3A_365, %squeeze3A : i32
        %and3A_501 = arith.andi %scan3A_343, %eq3A_500 : i1
        %jit3A_502 = arith.constant 0.000000e+00 : f32
        %broadcast_in_dim3A_503 = vector.broadcast %jit3A_502 : f32 to vector<16xf32>
        %select_n3A_504 = arith.select %and3A_501, %get3A_369, %broadcast_in_dim3A_503 : vector<16xf32>
        %add3A_505 = arith.addf %scan3A_353, %select_n3A_504 : vector<16xf32>
        %jit3A_506 = arith.constant 0.000000e+00 : f32
        %broadcast_in_dim3A_507 = vector.broadcast %jit3A_506 : f32 to vector<16xf32>
        %select_n3A_508 = arith.select %and3A_501, %get3A_373, %broadcast_in_dim3A_507 : vector<16xf32>
        %add3A_509 = arith.addf %scan3A_354, %select_n3A_508 : vector<16xf32>
        %jit3A_510 = arith.constant 0.000000e+00 : f32
        %broadcast_in_dim3A_511 = vector.broadcast %jit3A_510 : f32 to vector<16xf32>
        %select_n3A_512 = arith.select %and3A_501, %get3A_377, %broadcast_in_dim3A_511 : vector<16xf32>
        %add3A_513 = arith.addf %scan3A_355, %select_n3A_512 : vector<16xf32>
        %jit3A_514 = arith.constant 0.000000e+00 : f32
        %broadcast_in_dim3A_515 = vector.broadcast %jit3A_514 : f32 to vector<16xf32>
        %select_n3A_516 = arith.select %and3A_501, %get3A_381, %broadcast_in_dim3A_515 : vector<16xf32>
        %add3A_517 = arith.addf %scan3A_356, %select_n3A_516 : vector<16xf32>
        %jit3A_518 = arith.constant 0.000000e+00 : f32
        %broadcast_in_dim3A_519 = vector.broadcast %jit3A_518 : f32 to vector<16xf32>
        %select_n3A_520 = arith.select %and3A_501, %get3A_385, %broadcast_in_dim3A_519 : vector<16xf32>
        %add3A_521 = arith.addf %scan3A_357, %select_n3A_520 : vector<16xf32>
        %jit3A_522 = arith.constant 0.000000e+00 : f32
        %broadcast_in_dim3A_523 = vector.broadcast %jit3A_522 : f32 to vector<16xf32>
        %select_n3A_524 = arith.select %and3A_501, %get3A_389, %broadcast_in_dim3A_523 : vector<16xf32>
        %add3A_525 = arith.addf %scan3A_358, %select_n3A_524 : vector<16xf32>
        %jit3A_526 = arith.constant 0.000000e+00 : f32
        %broadcast_in_dim3A_527 = vector.broadcast %jit3A_526 : f32 to vector<16xf32>
        %select_n3A_528 = arith.select %and3A_501, %get3A_393, %broadcast_in_dim3A_527 : vector<16xf32>
        %add3A_529 = arith.addf %scan3A_359, %select_n3A_528 : vector<16xf32>
        %jit3A_530 = arith.constant 0.000000e+00 : f32
        %broadcast_in_dim3A_531 = vector.broadcast %jit3A_530 : f32 to vector<16xf32>
        %select_n3A_532 = arith.select %and3A_501, %get3A_397, %broadcast_in_dim3A_531 : vector<16xf32>
        %add3A_533 = arith.addf %scan3A_360, %select_n3A_532 : vector<16xf32>
        %jit3A_534 = arith.constant 1.000000e+00 : f32
        %jit3A_535 = arith.constant 0.000000e+00 : f32
        %select_n3A_536 = arith.select %and3A_501, %jit3A_534, %jit3A_535 : f32
        %add3A_537 = arith.addf %scan3A_344, %select_n3A_536 : f32
        scf.yield %squeeze3A_365, %select_n3A_431, %or3A, %select_n3A_411, %select_n3A_439, %and3A_501, %add3A_537, %select_n3A_413, %select_n3A_415, %select_n3A_417, %select_n3A_419, %select_n3A_421, %select_n3A_423, %select_n3A_425, %select_n3A_427, %add3A_505, %add3A_509, %add3A_513, %add3A_517, %add3A_521, %add3A_525, %add3A_529, %add3A_533 : i32, f32, i1, i32, vector<16xi32>, i1, f32, vector<16xf32>, vector<16xf32>, vector<16xf32>, vector<16xf32>, vector<16xf32>, vector<16xf32>, vector<16xf32>, vector<16xf32>, vector<16xf32>, vector<16xf32>, vector<16xf32>, vector<16xf32>, vector<16xf32>, vector<16xf32>, vector<16xf32>, vector<16xf32>
      }
      %scan3A_336 = arith.constant 200 : i32
      scf.yield %scan3A_335#0, %scan3A_335#1, %scan3A_335#2, %scan3A_335#3, %scan3A_335#4, %scan3A_335#5, %scan3A_335#6, %scan3A_335#7, %scan3A_335#8, %scan3A_335#9, %scan3A_335#10, %scan3A_335#11, %scan3A_335#12, %scan3A_335#13, %scan3A_335#14, %scan3A_335#15, %scan3A_335#16, %scan3A_335#17, %scan3A_335#18, %scan3A_335#19, %scan3A_335#20, %scan3A_335#21, %scan3A_335#22 : i32, f32, i1, i32, vector<16xi32>, i1, f32, vector<16xf32>, vector<16xf32>, vector<16xf32>, vector<16xf32>, vector<16xf32>, vector<16xf32>, vector<16xf32>, vector<16xf32>, vector<16xf32>, vector<16xf32>, vector<16xf32>, vector<16xf32>, vector<16xf32>, vector<16xf32>, vector<16xf32>, vector<16xf32>
    }
    %scan3A_32 = arith.constant 25 : i32
    %swap3A = arith.constant 0 : i32
    %swap3A_33 = arith.index_cast %swap3A : i32 to index
    %swap3A_34 = arith.constant 0 : index
    %swap3A_35 = tpu.vector_load %arg12[%swap3A_33, %swap3A_34] {strides = array<i32>} : memref<2x128xf32, #tpu.memory_space<vmem>>, vector<1x16xf32>,
    %swap3A_36 = vector.shape_cast %swap3A_35 : vector<1x16xf32> to vector<16xf32>
    %swap3A_37 = vector.shape_cast %scan3A_31#15 : vector<16xf32> to vector<1x16xf32>
    tpu.vector_store %arg12[%swap3A_33, %swap3A_34], %swap3A_37 {strides = array<i32>} : memref<2x128xf32, #tpu.memory_space<vmem>>, vector<1x16xf32>,
    %swap3A_38 = arith.constant 1 : i32
    %swap3A_39 = arith.index_cast %swap3A_38 : i32 to index
    %swap3A_40 = arith.constant 0 : index
    %swap3A_41 = tpu.vector_load %arg12[%swap3A_39, %swap3A_40] {strides = array<i32>} : memref<2x128xf32, #tpu.memory_space<vmem>>, vector<1x16xf32>,
    %swap3A_42 = vector.shape_cast %swap3A_41 : vector<1x16xf32> to vector<16xf32>
    %swap3A_43 = vector.shape_cast %scan3A_31#7 : vector<16xf32> to vector<1x16xf32>
    tpu.vector_store %arg12[%swap3A_39, %swap3A_40], %swap3A_43 {strides = array<i32>} : memref<2x128xf32, #tpu.memory_space<vmem>>, vector<1x16xf32>,
    %swap3A_44 = arith.constant 0 : i32
    %swap3A_45 = arith.index_cast %swap3A_44 : i32 to index
    %swap3A_46 = arith.constant 16 : index
    %swap3A_47 = tpu.vector_load %arg12[%swap3A_45, %swap3A_46] {strides = array<i32>} : memref<2x128xf32, #tpu.memory_space<vmem>>, vector<1x16xf32>,
    %swap3A_48 = vector.shape_cast %swap3A_47 : vector<1x16xf32> to vector<16xf32>
    %swap3A_49 = vector.shape_cast %scan3A_31#16 : vector<16xf32> to vector<1x16xf32>
    tpu.vector_store %arg12[%swap3A_45, %swap3A_46], %swap3A_49 {strides = array<i32>} : memref<2x128xf32, #tpu.memory_space<vmem>>, vector<1x16xf32>,
    %swap3A_50 = arith.constant 1 : i32
    %swap3A_51 = arith.index_cast %swap3A_50 : i32 to index
    %swap3A_52 = arith.constant 16 : index
    %swap3A_53 = tpu.vector_load %arg12[%swap3A_51, %swap3A_52] {strides = array<i32>} : memref<2x128xf32, #tpu.memory_space<vmem>>, vector<1x16xf32>,
    %swap3A_54 = vector.shape_cast %swap3A_53 : vector<1x16xf32> to vector<16xf32>
    %swap3A_55 = vector.shape_cast %scan3A_31#8 : vector<16xf32> to vector<1x16xf32>
    tpu.vector_store %arg12[%swap3A_51, %swap3A_52], %swap3A_55 {strides = array<i32>} : memref<2x128xf32, #tpu.memory_space<vmem>>, vector<1x16xf32>,
    %swap3A_56 = arith.constant 0 : i32
    %swap3A_57 = arith.index_cast %swap3A_56 : i32 to index
    %swap3A_58 = arith.constant 32 : index
    %swap3A_59 = tpu.vector_load %arg12[%swap3A_57, %swap3A_58] {strides = array<i32>} : memref<2x128xf32, #tpu.memory_space<vmem>>, vector<1x16xf32>,
    %swap3A_60 = vector.shape_cast %swap3A_59 : vector<1x16xf32> to vector<16xf32>
    %swap3A_61 = vector.shape_cast %scan3A_31#17 : vector<16xf32> to vector<1x16xf32>
    tpu.vector_store %arg12[%swap3A_57, %swap3A_58], %swap3A_61 {strides = array<i32>} : memref<2x128xf32, #tpu.memory_space<vmem>>, vector<1x16xf32>,
    %swap3A_62 = arith.constant 1 : i32
    %swap3A_63 = arith.index_cast %swap3A_62 : i32 to index
    %swap3A_64 = arith.constant 32 : index
    %swap3A_65 = tpu.vector_load %arg12[%swap3A_63, %swap3A_64] {strides = array<i32>} : memref<2x128xf32, #tpu.memory_space<vmem>>, vector<1x16xf32>,
    %swap3A_66 = vector.shape_cast %swap3A_65 : vector<1x16xf32> to vector<16xf32>
    %swap3A_67 = vector.shape_cast %scan3A_31#9 : vector<16xf32> to vector<1x16xf32>
    tpu.vector_store %arg12[%swap3A_63, %swap3A_64], %swap3A_67 {strides = array<i32>} : memref<2x128xf32, #tpu.memory_space<vmem>>, vector<1x16xf32>,
    %swap3A_68 = arith.constant 0 : i32
    %swap3A_69 = arith.index_cast %swap3A_68 : i32 to index
    %swap3A_70 = arith.constant 48 : index
    %swap3A_71 = tpu.vector_load %arg12[%swap3A_69, %swap3A_70] {strides = array<i32>} : memref<2x128xf32, #tpu.memory_space<vmem>>, vector<1x16xf32>,
    %swap3A_72 = vector.shape_cast %swap3A_71 : vector<1x16xf32> to vector<16xf32>
    %swap3A_73 = vector.shape_cast %scan3A_31#18 : vector<16xf32> to vector<1x16xf32>
    tpu.vector_store %arg12[%swap3A_69, %swap3A_70], %swap3A_73 {strides = array<i32>} : memref<2x128xf32, #tpu.memory_space<vmem>>, vector<1x16xf32>,
    %swap3A_74 = arith.constant 1 : i32
    %swap3A_75 = arith.index_cast %swap3A_74 : i32 to index
    %swap3A_76 = arith.constant 48 : index
    %swap3A_77 = tpu.vector_load %arg12[%swap3A_75, %swap3A_76] {strides = array<i32>} : memref<2x128xf32, #tpu.memory_space<vmem>>, vector<1x16xf32>,
    %swap3A_78 = vector.shape_cast %swap3A_77 : vector<1x16xf32> to vector<16xf32>
    %swap3A_79 = vector.shape_cast %scan3A_31#10 : vector<16xf32> to vector<1x16xf32>
    tpu.vector_store %arg12[%swap3A_75, %swap3A_76], %swap3A_79 {strides = array<i32>} : memref<2x128xf32, #tpu.memory_space<vmem>>, vector<1x16xf32>,
    %swap3A_80 = arith.constant 0 : i32
    %swap3A_81 = arith.index_cast %swap3A_80 : i32 to index
    %swap3A_82 = arith.constant 64 : index
    %swap3A_83 = tpu.vector_load %arg12[%swap3A_81, %swap3A_82] {strides = array<i32>} : memref<2x128xf32, #tpu.memory_space<vmem>>, vector<1x16xf32>,
    %swap3A_84 = vector.shape_cast %swap3A_83 : vector<1x16xf32> to vector<16xf32>
    %swap3A_85 = vector.shape_cast %scan3A_31#19 : vector<16xf32> to vector<1x16xf32>
    tpu.vector_store %arg12[%swap3A_81, %swap3A_82], %swap3A_85 {strides = array<i32>} : memref<2x128xf32, #tpu.memory_space<vmem>>, vector<1x16xf32>,
    %swap3A_86 = arith.constant 1 : i32
    %swap3A_87 = arith.index_cast %swap3A_86 : i32 to index
    %swap3A_88 = arith.constant 64 : index
    %swap3A_89 = tpu.vector_load %arg12[%swap3A_87, %swap3A_88] {strides = array<i32>} : memref<2x128xf32, #tpu.memory_space<vmem>>, vector<1x16xf32>,
    %swap3A_90 = vector.shape_cast %swap3A_89 : vector<1x16xf32> to vector<16xf32>
    %swap3A_91 = vector.shape_cast %scan3A_31#11 : vector<16xf32> to vector<1x16xf32>
    tpu.vector_store %arg12[%swap3A_87, %swap3A_88], %swap3A_91 {strides = array<i32>} : memref<2x128xf32, #tpu.memory_space<vmem>>, vector<1x16xf32>,
    %swap3A_92 = arith.constant 0 : i32
    %swap3A_93 = arith.index_cast %swap3A_92 : i32 to index
    %swap3A_94 = arith.constant 80 : index
    %swap3A_95 = tpu.vector_load %arg12[%swap3A_93, %swap3A_94] {strides = array<i32>} : memref<2x128xf32, #tpu.memory_space<vmem>>, vector<1x16xf32>,
    %swap3A_96 = vector.shape_cast %swap3A_95 : vector<1x16xf32> to vector<16xf32>
    %swap3A_97 = vector.shape_cast %scan3A_31#20 : vector<16xf32> to vector<1x16xf32>
    tpu.vector_store %arg12[%swap3A_93, %swap3A_94], %swap3A_97 {strides = array<i32>} : memref<2x128xf32, #tpu.memory_space<vmem>>, vector<1x16xf32>,
    %swap3A_98 = arith.constant 1 : i32
    %swap3A_99 = arith.index_cast %swap3A_98 : i32 to index
    %swap3A_100 = arith.constant 80 : index
    %swap3A_101 = tpu.vector_load %arg12[%swap3A_99, %swap3A_100] {strides = array<i32>} : memref<2x128xf32, #tpu.memory_space<vmem>>, vector<1x16xf32>,
    %swap3A_102 = vector.shape_cast %swap3A_101 : vector<1x16xf32> to vector<16xf32>
    %swap3A_103 = vector.shape_cast %scan3A_31#12 : vector<16xf32> to vector<1x16xf32>
    tpu.vector_store %arg12[%swap3A_99, %swap3A_100], %swap3A_103 {strides = array<i32>} : memref<2x128xf32, #tpu.memory_space<vmem>>, vector<1x16xf32>,
    %swap3A_104 = arith.constant 0 : i32
    %swap3A_105 = arith.index_cast %swap3A_104 : i32 to index
    %swap3A_106 = arith.constant 96 : index
    %swap3A_107 = tpu.vector_load %arg12[%swap3A_105, %swap3A_106] {strides = array<i32>} : memref<2x128xf32, #tpu.memory_space<vmem>>, vector<1x16xf32>,
    %swap3A_108 = vector.shape_cast %swap3A_107 : vector<1x16xf32> to vector<16xf32>
    %swap3A_109 = vector.shape_cast %scan3A_31#21 : vector<16xf32> to vector<1x16xf32>
    tpu.vector_store %arg12[%swap3A_105, %swap3A_106], %swap3A_109 {strides = array<i32>} : memref<2x128xf32, #tpu.memory_space<vmem>>, vector<1x16xf32>,
    %swap3A_110 = arith.constant 1 : i32
    %swap3A_111 = arith.index_cast %swap3A_110 : i32 to index
    %swap3A_112 = arith.constant 96 : index
    %swap3A_113 = tpu.vector_load %arg12[%swap3A_111, %swap3A_112] {strides = array<i32>} : memref<2x128xf32, #tpu.memory_space<vmem>>, vector<1x16xf32>,
    %swap3A_114 = vector.shape_cast %swap3A_113 : vector<1x16xf32> to vector<16xf32>
    %swap3A_115 = vector.shape_cast %scan3A_31#13 : vector<16xf32> to vector<1x16xf32>
    tpu.vector_store %arg12[%swap3A_111, %swap3A_112], %swap3A_115 {strides = array<i32>} : memref<2x128xf32, #tpu.memory_space<vmem>>, vector<1x16xf32>,
    %swap3A_116 = arith.constant 0 : i32
    %swap3A_117 = arith.index_cast %swap3A_116 : i32 to index
    %swap3A_118 = arith.constant 112 : index
    %swap3A_119 = tpu.vector_load %arg12[%swap3A_117, %swap3A_118] {strides = array<i32>} : memref<2x128xf32, #tpu.memory_space<vmem>>, vector<1x16xf32>,
    %swap3A_120 = vector.shape_cast %swap3A_119 : vector<1x16xf32> to vector<16xf32>
    %swap3A_121 = vector.shape_cast %scan3A_31#22 : vector<16xf32> to vector<1x16xf32>
    tpu.vector_store %arg12[%swap3A_117, %swap3A_118], %swap3A_121 {strides = array<i32>} : memref<2x128xf32, #tpu.memory_space<vmem>>, vector<1x16xf32>,
    %swap3A_122 = arith.constant 1 : i32
    %swap3A_123 = arith.index_cast %swap3A_122 : i32 to index
    %swap3A_124 = arith.constant 112 : index
    %swap3A_125 = tpu.vector_load %arg12[%swap3A_123, %swap3A_124] {strides = array<i32>} : memref<2x128xf32, #tpu.memory_space<vmem>>, vector<1x16xf32>,
    %swap3A_126 = vector.shape_cast %swap3A_125 : vector<1x16xf32> to vector<16xf32>
    %swap3A_127 = vector.shape_cast %scan3A_31#14 : vector<16xf32> to vector<1x16xf32>
    tpu.vector_store %arg12[%swap3A_123, %swap3A_124], %swap3A_127 {strides = array<i32>} : memref<2x128xf32, #tpu.memory_space<vmem>>, vector<1x16xf32>,
    %convert_element_type3A = arith.sitofp %squeeze3A : i32 to f32
    %convert_element_type3A_128 = arith.sitofp %scan3A_31#0 : i32 to f32
    %jit3A = arith.constant 1.000000e+00 : f32
    %jit3A_129 = arith.constant 0.000000e+00 : f32
    %select_n3A = arith.select %scan3A_31#2, %jit3A, %jit3A_129 : f32
    %eq3A = arith.constant 0 : i32
    %eq3A_130 = vector.broadcast %eq3A : i32 to vector<16xi32>
    %eq3A_131 = arith.cmpi eq, %iota3A, %eq3A_130 : vector<16xi32>
    %eq3A_132 = arith.constant 1 : i32
    %eq3A_133 = vector.broadcast %eq3A_132 : i32 to vector<16xi32>
    %eq3A_134 = arith.cmpi eq, %iota3A, %eq3A_133 : vector<16xi32>
    %eq3A_135 = arith.constant 2 : i32
    %eq3A_136 = vector.broadcast %eq3A_135 : i32 to vector<16xi32>
    %eq3A_137 = arith.cmpi eq, %iota3A, %eq3A_136 : vector<16xi32>
    %jit3A_138 = arith.constant 1.000000e+00 : f32
    %jit3A_139 = arith.constant 0.000000e+00 : f32
    %broadcast_in_dim3A_140 = vector.broadcast %jit3A_138 : f32 to vector<16xf32>
    %broadcast_in_dim3A_141 = vector.broadcast %jit3A_139 : f32 to vector<16xf32>
    %select_n3A_142 = arith.select %eq3A_137, %broadcast_in_dim3A_140, %broadcast_in_dim3A_141 : vector<16xi1>, vector<16xf32>
    %broadcast_in_dim3A_143 = vector.broadcast %convert_element_type3A : f32 to vector<16xf32>
    %select_n3A_144 = arith.select %eq3A_134, %broadcast_in_dim3A_143, %select_n3A_142 : vector<16xi1>, vector<16xf32>
    %broadcast_in_dim3A_145 = vector.broadcast %scan3A_31#6 : f32 to vector<16xf32>
    %select_n3A_146 = arith.select %eq3A_131, %broadcast_in_dim3A_145, %select_n3A_144 : vector<16xi1>, vector<16xf32>
    %eq3A_147 = arith.constant 0 : i32
    %eq3A_148 = vector.broadcast %eq3A_147 : i32 to vector<16xi32>
    %eq3A_149 = arith.cmpi eq, %iota3A, %eq3A_148 : vector<16xi32>
    %eq3A_150 = arith.constant 1 : i32
    %eq3A_151 = vector.broadcast %eq3A_150 : i32 to vector<16xi32>
    %eq3A_152 = arith.cmpi eq, %iota3A, %eq3A_151 : vector<16xi32>
    %eq3A_153 = arith.constant 2 : i32
    %eq3A_154 = vector.broadcast %eq3A_153 : i32 to vector<16xi32>
    %eq3A_155 = arith.cmpi eq, %iota3A, %eq3A_154 : vector<16xi32>
    %jit3A_156 = arith.constant 0.000000e+00 : f32
    %broadcast_in_dim3A_157 = vector.broadcast %select_n3A : f32 to vector<16xf32>
    %broadcast_in_dim3A_158 = vector.broadcast %jit3A_156 : f32 to vector<16xf32>
    %select_n3A_159 = arith.select %eq3A_155, %broadcast_in_dim3A_157, %broadcast_in_dim3A_158 : vector<16xi1>, vector<16xf32>
    %broadcast_in_dim3A_160 = vector.broadcast %convert_element_type3A_128 : f32 to vector<16xf32>
    %select_n3A_161 = arith.select %eq3A_152, %broadcast_in_dim3A_160, %select_n3A_159 : vector<16xi1>, vector<16xf32>
    %broadcast_in_dim3A_162 = vector.broadcast %scan3A_31#1 : f32 to vector<16xf32>
    %select_n3A_163 = arith.select %eq3A_149, %broadcast_in_dim3A_162, %select_n3A_161 : vector<16xi1>, vector<16xf32>
    %swap3A_164 = arith.constant 0 : i32
    %swap3A_165 = arith.index_cast %swap3A_164 : i32 to index
    %swap3A_166 = arith.constant 0 : index
    %swap3A_167 = tpu.vector_load %arg13[%swap3A_165, %swap3A_166] {strides = array<i32>} : memref<2x16xf32, #tpu.memory_space<vmem>>, vector<1x16xf32>,
    %swap3A_168 = vector.shape_cast %swap3A_167 : vector<1x16xf32> to vector<16xf32>
    %swap3A_169 = vector.shape_cast %select_n3A_146 : vector<16xf32> to vector<1x16xf32>
    tpu.vector_store %arg13[%swap3A_165, %swap3A_166], %swap3A_169 {strides = array<i32>} : memref<2x16xf32, #tpu.memory_space<vmem>>, vector<1x16xf32>,
    %swap3A_170 = arith.constant 1 : i32
    %swap3A_171 = arith.index_cast %swap3A_170 : i32 to index
    %swap3A_172 = arith.constant 0 : index
    %swap3A_173 = tpu.vector_load %arg13[%swap3A_171, %swap3A_172] {strides = array<i32>} : memref<2x16xf32, #tpu.memory_space<vmem>>, vector<1x16xf32>,
    %swap3A_174 = vector.shape_cast %swap3A_173 : vector<1x16xf32> to vector<16xf32>
    %swap3A_175 = vector.shape_cast %select_n3A_163 : vector<16xf32> to vector<1x16xf32>
    tpu.vector_store %arg13[%swap3A_171, %swap3A_172], %swap3A_175 {strides = array<i32>} : memref<2x16xf32, #tpu.memory_space<vmem>>, vector<1x16xf32>,
    %mul3A_176 = arith.constant 2 : i32
    %mul3A_177 = arith.muli %mul3A_176, %add3A : i32
    "tpu.region"() ({
      %run_scoped3A = tpu.sem_alloc : memref<!tpu.dma_semaphore, #tpu.memory_space<semaphore_mem>>
      %dma_start3A_303 = arith.constant 0 : i32
      %dma_start3A_304 = tpu.memref_slice %arg5[%mul3A_177, %dma_start3A_303] : memref<64x128xf32, #tpu.memory_space<hbm>> -> memref<2x128xf32, #tpu.memory_space<hbm>>
      %dma_start3A_305 = arith.constant 0 : i32
      %dma_start3A_306 = tpu.memref_slice %arg5[%mul3A_177, %dma_start3A_305] : memref<64x128xf32, #tpu.memory_space<hbm>> -> memref<2x128xf32, #tpu.memory_space<hbm>>
      tpu.enqueue_dma source(%arg12 : memref<2x128xf32, #tpu.memory_space<vmem>>) target(%dma_start3A_306 : memref<2x128xf32, #tpu.memory_space<hbm>>) target_semaphore(%run_scoped3A : memref<!tpu.dma_semaphore, #tpu.memory_space<semaphore_mem>>)
      %dma_wait3A_307 = arith.constant 0 : i32
      %dma_wait3A_308 = tpu.memref_slice %arg5[%mul3A_177, %dma_wait3A_307] : memref<64x128xf32, #tpu.memory_space<hbm>> -> memref<2x128xf32, #tpu.memory_space<hbm>>
      %dma_wait3A_309 = arith.constant 0 : i32
      %dma_wait3A_310 = tpu.memref_slice %arg5[%mul3A_177, %dma_wait3A_309] : memref<64x128xf32, #tpu.memory_space<hbm>> -> memref<2x128xf32, #tpu.memory_space<hbm>>
      tpu.wait_dma2 semaphore(%run_scoped3A : memref<!tpu.dma_semaphore, #tpu.memory_space<semaphore_mem>>) src(%arg12 : memref<2x128xf32, #tpu.memory_space<vmem>>) dst(%dma_wait3A_310 : memref<2x128xf32, #tpu.memory_space<hbm>>)
      tpu.yield
    }) : () -> ()
    %mul3A_178 = arith.constant 2 : i32
    %mul3A_179 = arith.muli %mul3A_178, %add3A : i32
    "tpu.region"() ({
      %run_scoped3A = tpu.sem_alloc : memref<!tpu.dma_semaphore, #tpu.memory_space<semaphore_mem>>
      %dma_start3A_303 = arith.constant 0 : i32
      %dma_start3A_304 = tpu.memref_slice %arg6[%mul3A_179, %dma_start3A_303] : memref<64x16xf32, #tpu.memory_space<hbm>> -> memref<2x16xf32, #tpu.memory_space<hbm>>
      %dma_start3A_305 = arith.constant 0 : i32
      %dma_start3A_306 = tpu.memref_slice %arg6[%mul3A_179, %dma_start3A_305] : memref<64x16xf32, #tpu.memory_space<hbm>> -> memref<2x16xf32, #tpu.memory_space<hbm>>
      tpu.enqueue_dma source(%arg13 : memref<2x16xf32, #tpu.memory_space<vmem>>) target(%dma_start3A_306 : memref<2x16xf32, #tpu.memory_space<hbm>>) target_semaphore(%run_scoped3A : memref<!tpu.dma_semaphore, #tpu.memory_space<semaphore_mem>>)
      %dma_wait3A_307 = arith.constant 0 : i32
      %dma_wait3A_308 = tpu.memref_slice %arg6[%mul3A_179, %dma_wait3A_307] : memref<64x16xf32, #tpu.memory_space<hbm>> -> memref<2x16xf32, #tpu.memory_space<hbm>>
      %dma_wait3A_309 = arith.constant 0 : i32
      %dma_wait3A_310 = tpu.memref_slice %arg6[%mul3A_179, %dma_wait3A_309] : memref<64x16xf32, #tpu.memory_space<hbm>> -> memref<2x16xf32, #tpu.memory_space<hbm>>
      tpu.wait_dma2 semaphore(%run_scoped3A : memref<!tpu.dma_semaphore, #tpu.memory_space<semaphore_mem>>) src(%arg13 : memref<2x16xf32, #tpu.memory_space<vmem>>) dst(%dma_wait3A_310 : memref<2x16xf32, #tpu.memory_space<hbm>>)
      tpu.yield
    }) : () -> ()
    %add3A_180 = arith.constant 0 : i32
    %add3A_181 = vector.broadcast %add3A_180 : i32 to vector<16xi32>
    %add3A_182 = arith.addi %iota3A, %add3A_181 : vector<16xi32>
    %get3A_183 = arith.constant 0 : index
    %get3A_184 = tpu.vector_load %arg10[%get3A_183] {strides = array<i32>} : memref<128xi32, #tpu.memory_space<vmem>>, vector<16xi32>,
    %get3A_185 = vector.shape_cast %get3A_184 : vector<16xi32> to vector<16xi32>
    %ge3A = vector.broadcast %scan3A_31#3 : i32 to vector<16xi32>
    %ge3A_186 = arith.cmpi sge, %add3A_182, %ge3A : vector<16xi32>
    %jit3A_187 = arith.constant 80000 : i32
    %broadcast_in_dim3A_188 = vector.broadcast %jit3A_187 : i32 to vector<16xi32>
    %select_n3A_189 = arith.select %ge3A_186, %broadcast_in_dim3A_188, %get3A_185 : vector<16xi1>, vector<16xi32>
    %swap3A_190 = arith.constant 0 : index
    %swap3A_191 = tpu.vector_load %arg10[%swap3A_190] {strides = array<i32>} : memref<128xi32, #tpu.memory_space<vmem>>, vector<16xi32>,
    %swap3A_192 = vector.shape_cast %swap3A_191 : vector<16xi32> to vector<16xi32>
    %swap3A_193 = vector.shape_cast %select_n3A_189 : vector<16xi32> to vector<16xi32>
    tpu.vector_store %arg10[%swap3A_190], %swap3A_193 {strides = array<i32>} : memref<128xi32, #tpu.memory_space<vmem>>, vector<16xi32>,
    %add3A_194 = arith.constant 16 : i32
    %add3A_195 = vector.broadcast %add3A_194 : i32 to vector<16xi32>
    %add3A_196 = arith.addi %iota3A, %add3A_195 : vector<16xi32>
    %get3A_197 = arith.constant 16 : index
    %get3A_198 = tpu.vector_load %arg10[%get3A_197] {strides = array<i32>} : memref<128xi32, #tpu.memory_space<vmem>>, vector<16xi32>,
    %get3A_199 = vector.shape_cast %get3A_198 : vector<16xi32> to vector<16xi32>
    %ge3A_200 = vector.broadcast %scan3A_31#3 : i32 to vector<16xi32>
    %ge3A_201 = arith.cmpi sge, %add3A_196, %ge3A_200 : vector<16xi32>
    %jit3A_202 = arith.constant 80000 : i32
    %broadcast_in_dim3A_203 = vector.broadcast %jit3A_202 : i32 to vector<16xi32>
    %select_n3A_204 = arith.select %ge3A_201, %broadcast_in_dim3A_203, %get3A_199 : vector<16xi1>, vector<16xi32>
    %swap3A_205 = arith.constant 16 : index
    %swap3A_206 = tpu.vector_load %arg10[%swap3A_205] {strides = array<i32>} : memref<128xi32, #tpu.memory_space<vmem>>, vector<16xi32>,
    %swap3A_207 = vector.shape_cast %swap3A_206 : vector<16xi32> to vector<16xi32>
    %swap3A_208 = vector.shape_cast %select_n3A_204 : vector<16xi32> to vector<16xi32>
    tpu.vector_store %arg10[%swap3A_205], %swap3A_208 {strides = array<i32>} : memref<128xi32, #tpu.memory_space<vmem>>, vector<16xi32>,
    %add3A_209 = arith.constant 32 : i32
    %add3A_210 = vector.broadcast %add3A_209 : i32 to vector<16xi32>
    %add3A_211 = arith.addi %iota3A, %add3A_210 : vector<16xi32>
    %get3A_212 = arith.constant 32 : index
    %get3A_213 = tpu.vector_load %arg10[%get3A_212] {strides = array<i32>} : memref<128xi32, #tpu.memory_space<vmem>>, vector<16xi32>,
    %get3A_214 = vector.shape_cast %get3A_213 : vector<16xi32> to vector<16xi32>
    %ge3A_215 = vector.broadcast %scan3A_31#3 : i32 to vector<16xi32>
    %ge3A_216 = arith.cmpi sge, %add3A_211, %ge3A_215 : vector<16xi32>
    %jit3A_217 = arith.constant 80000 : i32
    %broadcast_in_dim3A_218 = vector.broadcast %jit3A_217 : i32 to vector<16xi32>
    %select_n3A_219 = arith.select %ge3A_216, %broadcast_in_dim3A_218, %get3A_214 : vector<16xi1>, vector<16xi32>
    %swap3A_220 = arith.constant 32 : index
    %swap3A_221 = tpu.vector_load %arg10[%swap3A_220] {strides = array<i32>} : memref<128xi32, #tpu.memory_space<vmem>>, vector<16xi32>,
    %swap3A_222 = vector.shape_cast %swap3A_221 : vector<16xi32> to vector<16xi32>
    %swap3A_223 = vector.shape_cast %select_n3A_219 : vector<16xi32> to vector<16xi32>
    tpu.vector_store %arg10[%swap3A_220], %swap3A_223 {strides = array<i32>} : memref<128xi32, #tpu.memory_space<vmem>>, vector<16xi32>,
    %add3A_224 = arith.constant 48 : i32
    %add3A_225 = vector.broadcast %add3A_224 : i32 to vector<16xi32>
    %add3A_226 = arith.addi %iota3A, %add3A_225 : vector<16xi32>
    %get3A_227 = arith.constant 48 : index
    %get3A_228 = tpu.vector_load %arg10[%get3A_227] {strides = array<i32>} : memref<128xi32, #tpu.memory_space<vmem>>, vector<16xi32>,
    %get3A_229 = vector.shape_cast %get3A_228 : vector<16xi32> to vector<16xi32>
    %ge3A_230 = vector.broadcast %scan3A_31#3 : i32 to vector<16xi32>
    %ge3A_231 = arith.cmpi sge, %add3A_226, %ge3A_230 : vector<16xi32>
    %jit3A_232 = arith.constant 80000 : i32
    %broadcast_in_dim3A_233 = vector.broadcast %jit3A_232 : i32 to vector<16xi32>
    %select_n3A_234 = arith.select %ge3A_231, %broadcast_in_dim3A_233, %get3A_229 : vector<16xi1>, vector<16xi32>
    %swap3A_235 = arith.constant 48 : index
    %swap3A_236 = tpu.vector_load %arg10[%swap3A_235] {strides = array<i32>} : memref<128xi32, #tpu.memory_space<vmem>>, vector<16xi32>,
    %swap3A_237 = vector.shape_cast %swap3A_236 : vector<16xi32> to vector<16xi32>
    %swap3A_238 = vector.shape_cast %select_n3A_234 : vector<16xi32> to vector<16xi32>
    tpu.vector_store %arg10[%swap3A_235], %swap3A_238 {strides = array<i32>} : memref<128xi32, #tpu.memory_space<vmem>>, vector<16xi32>,
    %add3A_239 = arith.constant 64 : i32
    %add3A_240 = vector.broadcast %add3A_239 : i32 to vector<16xi32>
    %add3A_241 = arith.addi %iota3A, %add3A_240 : vector<16xi32>
    %get3A_242 = arith.constant 64 : index
    %get3A_243 = tpu.vector_load %arg10[%get3A_242] {strides = array<i32>} : memref<128xi32, #tpu.memory_space<vmem>>, vector<16xi32>,
    %get3A_244 = vector.shape_cast %get3A_243 : vector<16xi32> to vector<16xi32>
    %ge3A_245 = vector.broadcast %scan3A_31#3 : i32 to vector<16xi32>
    %ge3A_246 = arith.cmpi sge, %add3A_241, %ge3A_245 : vector<16xi32>
    %jit3A_247 = arith.constant 80000 : i32
    %broadcast_in_dim3A_248 = vector.broadcast %jit3A_247 : i32 to vector<16xi32>
    %select_n3A_249 = arith.select %ge3A_246, %broadcast_in_dim3A_248, %get3A_244 : vector<16xi1>, vector<16xi32>
    %swap3A_250 = arith.constant 64 : index
    %swap3A_251 = tpu.vector_load %arg10[%swap3A_250] {strides = array<i32>} : memref<128xi32, #tpu.memory_space<vmem>>, vector<16xi32>,
    %swap3A_252 = vector.shape_cast %swap3A_251 : vector<16xi32> to vector<16xi32>
    %swap3A_253 = vector.shape_cast %select_n3A_249 : vector<16xi32> to vector<16xi32>
    tpu.vector_store %arg10[%swap3A_250], %swap3A_253 {strides = array<i32>} : memref<128xi32, #tpu.memory_space<vmem>>, vector<16xi32>,
    %add3A_254 = arith.constant 80 : i32
    %add3A_255 = vector.broadcast %add3A_254 : i32 to vector<16xi32>
    %add3A_256 = arith.addi %iota3A, %add3A_255 : vector<16xi32>
    %get3A_257 = arith.constant 80 : index
    %get3A_258 = tpu.vector_load %arg10[%get3A_257] {strides = array<i32>} : memref<128xi32, #tpu.memory_space<vmem>>, vector<16xi32>,
    %get3A_259 = vector.shape_cast %get3A_258 : vector<16xi32> to vector<16xi32>
    %ge3A_260 = vector.broadcast %scan3A_31#3 : i32 to vector<16xi32>
    %ge3A_261 = arith.cmpi sge, %add3A_256, %ge3A_260 : vector<16xi32>
    %jit3A_262 = arith.constant 80000 : i32
    %broadcast_in_dim3A_263 = vector.broadcast %jit3A_262 : i32 to vector<16xi32>
    %select_n3A_264 = arith.select %ge3A_261, %broadcast_in_dim3A_263, %get3A_259 : vector<16xi1>, vector<16xi32>
    %swap3A_265 = arith.constant 80 : index
    %swap3A_266 = tpu.vector_load %arg10[%swap3A_265] {strides = array<i32>} : memref<128xi32, #tpu.memory_space<vmem>>, vector<16xi32>,
    %swap3A_267 = vector.shape_cast %swap3A_266 : vector<16xi32> to vector<16xi32>
    %swap3A_268 = vector.shape_cast %select_n3A_264 : vector<16xi32> to vector<16xi32>
    tpu.vector_store %arg10[%swap3A_265], %swap3A_268 {strides = array<i32>} : memref<128xi32, #tpu.memory_space<vmem>>, vector<16xi32>,
    %add3A_269 = arith.constant 96 : i32
    %add3A_270 = vector.broadcast %add3A_269 : i32 to vector<16xi32>
    %add3A_271 = arith.addi %iota3A, %add3A_270 : vector<16xi32>
    %get3A_272 = arith.constant 96 : index
    %get3A_273 = tpu.vector_load %arg10[%get3A_272] {strides = array<i32>} : memref<128xi32, #tpu.memory_space<vmem>>, vector<16xi32>,
    %get3A_274 = vector.shape_cast %get3A_273 : vector<16xi32> to vector<16xi32>
    %ge3A_275 = vector.broadcast %scan3A_31#3 : i32 to vector<16xi32>
    %ge3A_276 = arith.cmpi sge, %add3A_271, %ge3A_275 : vector<16xi32>
    %jit3A_277 = arith.constant 80000 : i32
    %broadcast_in_dim3A_278 = vector.broadcast %jit3A_277 : i32 to vector<16xi32>
    %select_n3A_279 = arith.select %ge3A_276, %broadcast_in_dim3A_278, %get3A_274 : vector<16xi1>, vector<16xi32>
    %swap3A_280 = arith.constant 96 : index
    %swap3A_281 = tpu.vector_load %arg10[%swap3A_280] {strides = array<i32>} : memref<128xi32, #tpu.memory_space<vmem>>, vector<16xi32>,
    %swap3A_282 = vector.shape_cast %swap3A_281 : vector<16xi32> to vector<16xi32>
    %swap3A_283 = vector.shape_cast %select_n3A_279 : vector<16xi32> to vector<16xi32>
    tpu.vector_store %arg10[%swap3A_280], %swap3A_283 {strides = array<i32>} : memref<128xi32, #tpu.memory_space<vmem>>, vector<16xi32>,
    %add3A_284 = arith.constant 112 : i32
    %add3A_285 = vector.broadcast %add3A_284 : i32 to vector<16xi32>
    %add3A_286 = arith.addi %iota3A, %add3A_285 : vector<16xi32>
    %get3A_287 = arith.constant 112 : index
    %get3A_288 = tpu.vector_load %arg10[%get3A_287] {strides = array<i32>} : memref<128xi32, #tpu.memory_space<vmem>>, vector<16xi32>,
    %get3A_289 = vector.shape_cast %get3A_288 : vector<16xi32> to vector<16xi32>
    %ge3A_290 = vector.broadcast %scan3A_31#3 : i32 to vector<16xi32>
    %ge3A_291 = arith.cmpi sge, %add3A_286, %ge3A_290 : vector<16xi32>
    %jit3A_292 = arith.constant 80000 : i32
    %broadcast_in_dim3A_293 = vector.broadcast %jit3A_292 : i32 to vector<16xi32>
    %select_n3A_294 = arith.select %ge3A_291, %broadcast_in_dim3A_293, %get3A_289 : vector<16xi1>, vector<16xi32>
    %swap3A_295 = arith.constant 112 : index
    %swap3A_296 = tpu.vector_load %arg10[%swap3A_295] {strides = array<i32>} : memref<128xi32, #tpu.memory_space<vmem>>, vector<16xi32>,
    %swap3A_297 = vector.shape_cast %swap3A_296 : vector<16xi32> to vector<16xi32>
    %swap3A_298 = vector.shape_cast %select_n3A_294 : vector<16xi32> to vector<16xi32>
    tpu.vector_store %arg10[%swap3A_295], %swap3A_298 {strides = array<i32>} : memref<128xi32, #tpu.memory_space<vmem>>, vector<16xi32>,
    %dma_start3A = arith.constant 0 : i32
    %dma_start3A_299 = arith.constant 0 : i32
    %dma_start3A_300 = tpu.memref_slice %arg4[%dma_start3A, %dma_start3A_299] : memref<80016x128xf32, #tpu.memory_space<hbm>> -> memref<80016x128xf32, #tpu.memory_space<hbm>>
    tpu.enqueue_indirect_dma source(%arg9 : memref<128x128xf32, #tpu.memory_space<vmem>>) target(%dma_start3A_300 : memref<80016x128xf32, #tpu.memory_space<hbm>>) offsets(%arg10 : memref<128xi32, #tpu.memory_space<vmem>>) semaphore(%arg14 : memref<!tpu.dma_semaphore, #tpu.memory_space<semaphore_mem>>)
    %dma_wait3A = arith.constant 0 : i32
    %dma_wait3A_301 = arith.constant 0 : i32
    %dma_wait3A_302 = tpu.memref_slice %arg4[%dma_wait3A, %dma_wait3A_301] : memref<80016x128xf32, #tpu.memory_space<hbm>> -> memref<80016x128xf32, #tpu.memory_space<hbm>>
    tpu.wait_indirect_dma semaphore(%arg14 : memref<!tpu.dma_semaphore, #tpu.memory_space<semaphore_mem>>) src(%arg9 : memref<128x128xf32, #tpu.memory_space<vmem>>) dst(%dma_wait3A_302 : memref<80016x128xf32, #tpu.memory_space<hbm>>)
    return
  }
}

module attributes {stable_mosaic.version = 14 : i64} {
  func.func @_proj_patch_body(%arg0: i32, %arg1: memref<2000x128xf32, #tpu.memory_space<vmem>>, %arg2: memref<64x128xf32, #tpu.memory_space<vmem>>, %arg3: memref<1x64xf32, #tpu.memory_space<vmem>>, %arg4: memref<128x128xf32, #tpu.memory_space<vmem>>, %arg5: memref<128x128xf32, #tpu.memory_space<vmem>>, %arg6: memref<1x128xf32, #tpu.memory_space<vmem>>, %arg7: memref<1x128xf32, #tpu.memory_space<vmem>>, %arg8: memref<2000x128xf32, #tpu.memory_space<vmem>>) attributes {dimension_semantics = [#tpu.dimension_semantics<arbitrary>], iteration_bounds = array<i64: 40>, scalar_prefetch = 0 : i64, scratch_operands = 0 : i64, tpu.core_type = #tpu.core_type<tc>, window_params = [{transform_indices = @transform_0, window_bounds = array<i64: 2000, 128>}, {pipeline_mode = #tpu.pipeline_mode<synchronous>, transform_indices = @transform_1, window_bounds = array<i64: 64, 128>}, {pipeline_mode = #tpu.pipeline_mode<synchronous>, transform_indices = @transform_2, window_bounds = array<i64: 1, 64>}, {pipeline_mode = #tpu.pipeline_mode<synchronous>, transform_indices = @transform_3, window_bounds = array<i64: 128, 128>}, {pipeline_mode = #tpu.pipeline_mode<synchronous>, transform_indices = @transform_4, window_bounds = array<i64: 128, 128>}, {pipeline_mode = #tpu.pipeline_mode<synchronous>, transform_indices = @transform_5, window_bounds = array<i64: 1, 128>}, {pipeline_mode = #tpu.pipeline_mode<synchronous>, transform_indices = @transform_6, window_bounds = array<i64: 1, 128>}, {transform_indices = @transform_7, window_bounds = array<i64: 2000, 128>}]} {
    %get3A = arith.constant 0 : index
    %get3A_0 = arith.constant 0 : index
    %get3A_1 = vector.load %arg4[%get3A, %get3A_0] : memref<128x128xf32, #tpu.memory_space<vmem>>, vector<128x128xf32>
    %get3A_2 = arith.constant 0 : index
    %get3A_3 = arith.constant 0 : index
    %get3A_4 = vector.load %arg5[%get3A_2, %get3A_3] : memref<128x128xf32, #tpu.memory_space<vmem>>, vector<128x128xf32>
    %dot_general3A = arith.constant dense<0.000000e+00> : vector<128x128xf32>
    %dot_general3A_5 = tpu.matmul %get3A_1, %get3A_4, %dot_general3A {dimension_numbers = #tpu.dot_dimension_numbers<[1], [0], [0], [1], [0, 0, 1, 1], [], []>, precision = #tpu.contract_precision<fp32>, transpose_lhs_hint = false} : vector<128x128xf32>, vector<128x128xf32>, vector<128x128xf32> -> vector<128x128xf32>
    %get3A_6 = arith.constant 0 : index
    %get3A_7 = arith.constant 0 : index
    %get3A_8 = vector.load %arg6[%get3A_6, %get3A_7] : memref<1x128xf32, #tpu.memory_space<vmem>>, vector<1x128xf32>
    %get3A_9 = arith.constant 0 : index
    %get3A_10 = arith.constant 0 : index
    %get3A_11 = vector.load %arg5[%get3A_9, %get3A_10] : memref<128x128xf32, #tpu.memory_space<vmem>>, vector<128x128xf32>
    %dot_general3A_12 = arith.constant dense<0.000000e+00> : vector<1x128xf32>
    %dot_general3A_13 = tpu.matmul %get3A_8, %get3A_11, %dot_general3A_12 {dimension_numbers = #tpu.dot_dimension_numbers<[1], [0], [0], [1], [0, 0, 1, 1], [], []>, precision = #tpu.contract_precision<fp32>, transpose_lhs_hint = false} : vector<1x128xf32>, vector<128x128xf32>, vector<1x128xf32> -> vector<1x128xf32>
    %get3A_14 = arith.constant 0 : index
    %get3A_15 = arith.constant 0 : index
    %get3A_16 = vector.load %arg7[%get3A_14, %get3A_15] : memref<1x128xf32, #tpu.memory_space<vmem>>, vector<1x128xf32>
    %add3A = arith.addf %dot_general3A_13, %get3A_16 : vector<1x128xf32>
    %iota3A = tpu.iota {dimensions = array<i32: 0>} : vector<2000x64xi32>
    %mul3A = arith.constant 2000 : i32
    %mul3A_17 = arith.muli %mul3A, %arg0 : i32
    %add3A_18 = vector.broadcast %mul3A_17 : i32 to vector<2000x64xi32>
    %add3A_19 = arith.addi %iota3A, %add3A_18 : vector<2000x64xi32>
    %convert_element_type3A = arith.sitofp %add3A_19 : vector<2000x64xi32> to vector<2000x64xf32>
    %get3A_20 = arith.constant 0 : index
    %get3A_21 = arith.constant 0 : index
    %get3A_22 = vector.load %arg3[%get3A_20, %get3A_21] : memref<1x64xf32, #tpu.memory_space<vmem>>, vector<1x64xf32>
    %eq3A = vector.broadcast %get3A_22 : vector<1x64xf32> to vector<2000x64xf32>
    %eq3A_23 = arith.cmpf oeq, %convert_element_type3A, %eq3A : vector<2000x64xf32>
    %convert_element_type3A_24 = arith.extui %eq3A_23 : vector<2000x64xi1> to vector<2000x64xi32>
    %convert_element_type3A_25 = arith.sitofp %convert_element_type3A_24 : vector<2000x64xi32> to vector<2000x64xf32>
    %get3A_26 = arith.constant 0 : index
    %get3A_27 = arith.constant 0 : index
    %get3A_28 = vector.load %arg2[%get3A_26, %get3A_27] : memref<64x128xf32, #tpu.memory_space<vmem>>, vector<64x128xf32>
    %dot_general3A_29 = arith.constant dense<0.000000e+00> : vector<2000x128xf32>
    %dot_general3A_30 = tpu.matmul %convert_element_type3A_25, %get3A_28, %dot_general3A_29 {dimension_numbers = #tpu.dot_dimension_numbers<[1], [0], [0], [1], [0, 0, 1, 1], [], []>, precision = #tpu.contract_precision<fp32>, transpose_lhs_hint = false} : vector<2000x64xf32>, vector<64x128xf32>, vector<2000x128xf32> -> vector<2000x128xf32>
    %reduce_sum3A = arith.constant dense<0.000000e+00> : vector<2000xf32>
    %reduce_sum3A_31 = vector.multi_reduction <add>, %convert_element_type3A_25, %reduce_sum3A [1] : vector<2000x64xf32> to vector<2000xf32>
    %broadcast_in_dim3A = vector.shape_cast %reduce_sum3A_31 : vector<2000xf32> to vector<2000x1xf32>
    %gt3A = arith.constant 0.000000e+00 : f32
    %gt3A_32 = vector.broadcast %gt3A : f32 to vector<2000x1xf32>
    %gt3A_33 = arith.cmpf ogt, %broadcast_in_dim3A, %gt3A_32 : vector<2000x1xf32>
    %get3A_34 = arith.constant 0 : index
    %get3A_35 = arith.constant 0 : index
    %get3A_36 = vector.load %arg1[%get3A_34, %get3A_35] : memref<2000x128xf32, #tpu.memory_space<vmem>>, vector<2000x128xf32>
    %broadcast_in_dim3A_37 = vector.shape_cast %gt3A_33 : vector<2000x1xi1> to vector<2000x1xi1>
    %broadcast_in_dim3A_38 = vector.broadcast %broadcast_in_dim3A_37 : vector<2000x1xi1> to vector<2000x128xi1>
    %select_n3A = arith.select %broadcast_in_dim3A_38, %dot_general3A_30, %get3A_36 : vector<2000x128xi1>, vector<2000x128xf32>
    %dot_general3A_39 = arith.constant dense<0.000000e+00> : vector<2000x128xf32>
    %dot_general3A_40 = tpu.matmul %select_n3A, %dot_general3A_5, %dot_general3A_39 {dimension_numbers = #tpu.dot_dimension_numbers<[1], [0], [0], [1], [0, 0, 1, 1], [], []>, precision = #tpu.contract_precision<fp32>, transpose_lhs_hint = false} : vector<2000x128xf32>, vector<128x128xf32>, vector<2000x128xf32> -> vector<2000x128xf32>
    %add3A_41 = vector.broadcast %add3A : vector<1x128xf32> to vector<2000x128xf32>
    %add3A_42 = arith.addf %dot_general3A_40, %add3A_41 : vector<2000x128xf32>
    %swap3A = arith.constant 0 : index
    %swap3A_43 = arith.constant 0 : index
    %swap3A_44 = vector.load %arg8[%swap3A, %swap3A_43] : memref<2000x128xf32, #tpu.memory_space<vmem>>, vector<2000x128xf32>
    tpu.vector_store %arg8[%swap3A, %swap3A_43], %add3A_42 {strides = array<i32>} : memref<2000x128xf32, #tpu.memory_space<vmem>>, vector<2000x128xf32>,
    return
  }
  func.func @transform_0(%arg0: i32) -> (i32, i32) {
    %c0_i32 = arith.constant 0 : i32
    %c0_i32_0 = arith.constant 0 : i32
    return %arg0, %c0_i32 : i32, i32
  }
  func.func @transform_1(%arg0: i32) -> (i32, i32) {
    %c0_i32 = arith.constant 0 : i32
    %c0_i32_0 = arith.constant 0 : i32
    %c0_i32_1 = arith.constant 0 : i32
    return %c0_i32, %c0_i32_0 : i32, i32
  }
  func.func @transform_2(%arg0: i32) -> (i32, i32) {
    %c0_i32 = arith.constant 0 : i32
    %c0_i32_0 = arith.constant 0 : i32
    %c0_i32_1 = arith.constant 0 : i32
    return %c0_i32, %c0_i32_0 : i32, i32
  }
  func.func @transform_3(%arg0: i32) -> (i32, i32) {
    %c0_i32 = arith.constant 0 : i32
    %c0_i32_0 = arith.constant 0 : i32
    %c0_i32_1 = arith.constant 0 : i32
    return %c0_i32, %c0_i32_0 : i32, i32
  }
  func.func @transform_4(%arg0: i32) -> (i32, i32) {
    %c0_i32 = arith.constant 0 : i32
    %c0_i32_0 = arith.constant 0 : i32
    %c0_i32_1 = arith.constant 0 : i32
    return %c0_i32, %c0_i32_0 : i32, i32
  }
  func.func @transform_5(%arg0: i32) -> (i32, i32) {
    %c0_i32 = arith.constant 0 : i32
    %c0_i32_0 = arith.constant 0 : i32
    %c0_i32_1 = arith.constant 0 : i32
    return %c0_i32, %c0_i32_0 : i32, i32
  }
  func.func @transform_6(%arg0: i32) -> (i32, i32) {
    %c0_i32 = arith.constant 0 : i32
    %c0_i32_0 = arith.constant 0 : i32
    %c0_i32_1 = arith.constant 0 : i32
    return %c0_i32, %c0_i32_0 : i32, i32
  }
  func.func @transform_7(%arg0: i32) -> (i32, i32) {
    %c0_i32 = arith.constant 0 : i32
    %c0_i32_0 = arith.constant 0 : i32
    return %arg0, %c0_i32 : i32, i32
  }
}

module attributes {stable_mosaic.version = 14 : i64} {
  func.func @_proj_body(%arg0: i32, %arg1: memref<2000x128xf32, #tpu.memory_space<vmem>>, %arg2: memref<128x128xf32, #tpu.memory_space<vmem>>, %arg3: memref<128x128xf32, #tpu.memory_space<vmem>>, %arg4: memref<1x128xf32, #tpu.memory_space<vmem>>, %arg5: memref<1x128xf32, #tpu.memory_space<vmem>>, %arg6: memref<2000x128xf32, #tpu.memory_space<vmem>>) attributes {dimension_semantics = [#tpu.dimension_semantics<arbitrary>], iteration_bounds = array<i64: 80>, scalar_prefetch = 0 : i64, scratch_operands = 0 : i64, tpu.core_type = #tpu.core_type<tc>, window_params = [{transform_indices = @transform_0, window_bounds = array<i64: 2000, 128>}, {pipeline_mode = #tpu.pipeline_mode<synchronous>, transform_indices = @transform_1, window_bounds = array<i64: 128, 128>}, {pipeline_mode = #tpu.pipeline_mode<synchronous>, transform_indices = @transform_2, window_bounds = array<i64: 128, 128>}, {pipeline_mode = #tpu.pipeline_mode<synchronous>, transform_indices = @transform_3, window_bounds = array<i64: 1, 128>}, {pipeline_mode = #tpu.pipeline_mode<synchronous>, transform_indices = @transform_4, window_bounds = array<i64: 1, 128>}, {transform_indices = @transform_5, window_bounds = array<i64: 2000, 128>}]} {
    %get3A = arith.constant 0 : index
    %get3A_0 = arith.constant 0 : index
    %get3A_1 = vector.load %arg2[%get3A, %get3A_0] : memref<128x128xf32, #tpu.memory_space<vmem>>, vector<128x128xf32>
    %get3A_2 = arith.constant 0 : index
    %get3A_3 = arith.constant 0 : index
    %get3A_4 = vector.load %arg3[%get3A_2, %get3A_3] : memref<128x128xf32, #tpu.memory_space<vmem>>, vector<128x128xf32>
    %dot_general3A = arith.constant dense<0.000000e+00> : vector<128x128xf32>
    %dot_general3A_5 = tpu.matmul %get3A_1, %get3A_4, %dot_general3A {dimension_numbers = #tpu.dot_dimension_numbers<[1], [0], [0], [1], [0, 0, 1, 1], [], []>, precision = #tpu.contract_precision<fp32>, transpose_lhs_hint = false} : vector<128x128xf32>, vector<128x128xf32>, vector<128x128xf32> -> vector<128x128xf32>
    %get3A_6 = arith.constant 0 : index
    %get3A_7 = arith.constant 0 : index
    %get3A_8 = vector.load %arg4[%get3A_6, %get3A_7] : memref<1x128xf32, #tpu.memory_space<vmem>>, vector<1x128xf32>
    %get3A_9 = arith.constant 0 : index
    %get3A_10 = arith.constant 0 : index
    %get3A_11 = vector.load %arg3[%get3A_9, %get3A_10] : memref<128x128xf32, #tpu.memory_space<vmem>>, vector<128x128xf32>
    %dot_general3A_12 = arith.constant dense<0.000000e+00> : vector<1x128xf32>
    %dot_general3A_13 = tpu.matmul %get3A_8, %get3A_11, %dot_general3A_12 {dimension_numbers = #tpu.dot_dimension_numbers<[1], [0], [0], [1], [0, 0, 1, 1], [], []>, precision = #tpu.contract_precision<fp32>, transpose_lhs_hint = false} : vector<1x128xf32>, vector<128x128xf32>, vector<1x128xf32> -> vector<1x128xf32>
    %get3A_14 = arith.constant 0 : index
    %get3A_15 = arith.constant 0 : index
    %get3A_16 = vector.load %arg5[%get3A_14, %get3A_15] : memref<1x128xf32, #tpu.memory_space<vmem>>, vector<1x128xf32>
    %add3A = arith.addf %dot_general3A_13, %get3A_16 : vector<1x128xf32>
    %get3A_17 = arith.constant 0 : index
    %get3A_18 = arith.constant 0 : index
    %get3A_19 = vector.load %arg1[%get3A_17, %get3A_18] : memref<2000x128xf32, #tpu.memory_space<vmem>>, vector<2000x128xf32>
    %dot_general3A_20 = arith.constant dense<0.000000e+00> : vector<2000x128xf32>
    %dot_general3A_21 = tpu.matmul %get3A_19, %dot_general3A_5, %dot_general3A_20 {dimension_numbers = #tpu.dot_dimension_numbers<[1], [0], [0], [1], [0, 0, 1, 1], [], []>, precision = #tpu.contract_precision<fp32>, transpose_lhs_hint = false} : vector<2000x128xf32>, vector<128x128xf32>, vector<2000x128xf32> -> vector<2000x128xf32>
    %add3A_22 = vector.broadcast %add3A : vector<1x128xf32> to vector<2000x128xf32>
    %add3A_23 = arith.addf %dot_general3A_21, %add3A_22 : vector<2000x128xf32>
    %swap3A = arith.constant 0 : index
    %swap3A_24 = arith.constant 0 : index
    %swap3A_25 = vector.load %arg6[%swap3A, %swap3A_24] : memref<2000x128xf32, #tpu.memory_space<vmem>>, vector<2000x128xf32>
    tpu.vector_store %arg6[%swap3A, %swap3A_24], %add3A_23 {strides = array<i32>} : memref<2000x128xf32, #tpu.memory_space<vmem>>, vector<2000x128xf32>,
    return
  }
  func.func @transform_0(%arg0: i32) -> (i32, i32) {
    %c0_i32 = arith.constant 0 : i32
    %c0_i32_0 = arith.constant 0 : i32
    return %arg0, %c0_i32 : i32, i32
  }
  func.func @transform_1(%arg0: i32) -> (i32, i32) {
    %c0_i32 = arith.constant 0 : i32
    %c0_i32_0 = arith.constant 0 : i32
    %c0_i32_1 = arith.constant 0 : i32
    return %c0_i32, %c0_i32_0 : i32, i32
  }
  func.func @transform_2(%arg0: i32) -> (i32, i32) {
    %c0_i32 = arith.constant 0 : i32
    %c0_i32_0 = arith.constant 0 : i32
    %c0_i32_1 = arith.constant 0 : i32
    return %c0_i32, %c0_i32_0 : i32, i32
  }
  func.func @transform_3(%arg0: i32) -> (i32, i32) {
    %c0_i32 = arith.constant 0 : i32
    %c0_i32_0 = arith.constant 0 : i32
    %c0_i32_1 = arith.constant 0 : i32
    return %c0_i32, %c0_i32_0 : i32, i32
  }
  func.func @transform_4(%arg0: i32) -> (i32, i32) {
    %c0_i32 = arith.constant 0 : i32
    %c0_i32_0 = arith.constant 0 : i32
    %c0_i32_1 = arith.constant 0 : i32
    return %c0_i32, %c0_i32_0 : i32, i32
  }
  func.func @transform_5(%arg0: i32) -> (i32, i32) {
    %c0_i32 = arith.constant 0 : i32
    %c0_i32_0 = arith.constant 0 : i32
    return %arg0, %c0_i32 : i32, i32
  }
}

</mosaic_0001>

<sc_bundles>
// kernel: kernel.10.cloned.1.call-start
scs
__scs_entry_jumppad:
0x0: {  	(pc) =	sbr.rel $0x88, $3  }
0x1: {  	(tag) =	ssettag $0x0;
	lr =	simm.s32 $0x1  }
0x2: {  	[smem:$0x3F99] =	sst lr;
	_ =	strace $0xD0000000  }
0x3: {  	_ = 	snop  }
0x4: {  	_ = 	snop  }
0x5: {  	_ = 	snop  }
0x6: {  	_ = 	snop  }
0x7: {  	_ = 	snop  }
__scs_overlays_trampoline_lowered:
0x8: {  	[smem:$0x3FA8] =	sst s0  }
0x9: {  	[smem:$0x3FA9] =	sst s1  }
0xa: {  	[smem:$0x3FAA] =	sst s2  }
0xb: {  	[smem:$0x3FAB] =	sst s3  }
0xc: {  	[smem:$0x3FAC] =	sst s4  }
0xd: {  	[smem:$0x3FAD] =	sst s5  }
0xe: {  	[smem:$0x3FAE] =	sst s6  }
0xf: {  	[smem:$0x3FAF] =	sst s7  }
0x10: {  	[smem:$0x3FB0] =	sst s8  }
0x11: {  	[smem:$0x3FB1] =	sst s9;
	s0 =	simm.s32 @!p0 $0x0  }
0x12: {  	s1 =	sld [smem:$0x3F97];
	s0 =	simm.s32 @p0 $0x1  }
0x13: {  	[smem:$0x3FB2] =	sst s0;
	s0 =	simm.s32 @!p1 $0x0  }
0x14: {  	s2 =	sld [smem:$0x3F96];
	s0 =	simm.s32 @p1 $0x1  }
0x15: {  	[smem:$0x3FB3] =	sst s0;
	s0 =	simm.s32 @!p2 $0x0  }
0x16: {  	s3 =	sld [smem:$0x3FDB];
	s0 =	simm.s32 @p2 $0x1  }
0x17: {  	s4 =	simm.s32 $0x1BF5;
	[smem:$0x3FB5] =	sst s0  }
0x18: {  	s0 =	sld [smem:$0x3F98];
	_ =	swait.ge [sflag:s4], $0x0  }
0x19: {  	s7 =	sld [smem:$0x3F99]  }
0x1a: {  	s8 =	sadd.s32 $0xFFFFE003, lr  }
0x1b: {  	s9 =	sadd.s32 $0xFFFFFEF7, lr;
	s5 =	simm.s32 $0xFFFFFFFF;
	p2 =	slt.u32 s8, $0xFFFFF086  }
0x1c: {  	p1 =	slt.u32 s9, $0xF7A;
	s5 =	simm.s32 @!p2 $0x0  }
0x1d: {  	s5 =	simm.s32 @p1 $0x1;
	p0 =	seq.s32 s7, s2  }
0x1e: {  	s7 =	smul.u32 @!p0 $0xF7A, s2;
	p2 =	seq.s32 @!p0 s5, $0x0  }
0x1f: {  	s9 =	smul.u32 $0xF7A, s1;
	s8 =	simm.s32 @!p0 $0x1BF5;
	p2 =	por !p2, p0  }
0x20: {  	[sflag:s8] =	ssyncset.s32 @!p0 $0xFFFFF086;
	s6 =	sadd.s32 @!p0 s3, s7;
	s7 =	simm.s32 @!p0 $0x108  }
0x21: {  	s3 =	sadd.s32 s3, s9;
	s6 =	sadd.s32 @!p0 $0x88, s6;
	s7 =	simm.s32 @p2 $0x1082  }
0x22: {  	[simem:s7], [sflag:s8] =	dma.local @!p0 [hbm:s6], $0xF7A  }
0x23: {  	s9 =	sor.u32 $0xD0000000, s2;
	s6 =	simm.s32 $0x108;
	_ =	swait.ge @!p0 [sflag:s8], $0x0  }
0x24: {  	s3 =	sadd.s32 $0x88, s3;
	s6 =	simm.s32 @!p1 $0x1082;
	[sflag:s4] =	ssyncset.s32 $0xFFFFF086  }
0x25: {  	[simem:s6], [sflag:s4] =	dma.local [hbm:s3], $0xF7A  }
0x26: {  	[smem:$0x3F99] =	sst s1;
	(tag) =	ssettag s2;
	_ =	strace s9  }
0x27: {  	s1 =	sld [smem:$0x3FA9]  }
0x28: {  	s2 =	sld [smem:$0x3FAA]  }
0x29: {  	s4 =	sld [smem:$0x3FAC]  }
0x2a: {  	p0 =	seq.s32 s5, $0x0;
	s5 =	sld [smem:$0x3FAD]  }
0x2b: {  	s6 =	sld [smem:$0x3FAE]  }
0x2c: {  	s7 =	sld [smem:$0x3FAF]  }
0x2d: {  	s3 =	simm.s32 $0x108;
	s8 =	sld [smem:$0x3FB0]  }
0x2e: {  	s3 =	simm.s32 @!p0 $0x1082;
	s9 =	sld [smem:$0x3FB1]  }
0x2f: {  	lr =	sadd.s32 s0, s3;
	s0 =	sld [smem:$0x3FA8]  }
0x30: {  	s3 =	sld [smem:$0x3FAB]  }
0x31: {  	[smem:$0x3FB4] =	sst s10  }
0x32: {  	s10 =	sld [smem:$0x3FB2];
	_ =	sdelay $0x3  }
0x33: {  	p0 =	seq.s32 s10, $0x1;
	s10 =	sld [smem:$0x3FB4];
	_ =	sdelay $0x3  }
0x34: {  	[smem:$0x3FB4] =	sst s10  }
0x35: {  	s10 =	sld [smem:$0x3FB3];
	_ =	sdelay $0x3  }
0x36: {  	p1 =	seq.s32 s10, $0x1;
	s10 =	sld [smem:$0x3FB4];
	_ =	sdelay $0x3  }
0x37: {  	[smem:$0x3FB4] =	sst s10  }
0x38: {  	s10 =	sld [smem:$0x3FB5]  }
0x39: {  	_ = 	snop;
	(pc) =	sbr.ind lr, $3  }
0x3a: {  	_ = 	snop  }
0x3b: {  	_ = 	snop  }
0x3c: {  	p2 =	seq.s32 s10, $0x1;
	s10 =	sld [smem:$0x3FB4]  }
0x3d: {  	_ =	shalt  }
0x3e: {  	_ =	shalt  }
0x3f: {  	_ =	shalt  }
0x40: {  	_ =	shalt  }
0x41: {  	_ =	shalt  }
0x42: {  	_ =	shalt  }
0x43: {  	_ =	shalt  }
0x44: {  	_ =	shalt  }
0x45: {  	_ =	shalt  }
0x46: {  	_ =	shalt  }
0x47: {  	_ =	shalt  }
0x48: {  	_ =	shalt  }
0x49: {  	_ =	shalt  }
0x4a: {  	_ =	shalt  }
0x4b: {  	_ =	shalt  }
0x4c: {  	_ =	shalt  }
0x4d: {  	_ =	shalt  }
0x4e: {  	_ =	shalt  }
0x4f: {  	_ =	shalt  }
0x50: {  	_ =	shalt  }
0x51: {  	_ =	shalt  }
0x52: {  	_ =	shalt  }
0x53: {  	_ =	shalt  }
0x54: {  	_ =	shalt  }
0x55: {  	_ =	shalt  }
0x56: {  	_ =	shalt  }
0x57: {  	_ =	shalt  }
0x58: {  	_ =	shalt  }
0x59: {  	_ =	shalt  }
0x5a: {  	_ =	shalt  }
0x5b: {  	_ =	shalt  }
0x5c: {  	_ =	shalt  }
0x5d: {  	_ =	shalt  }
0x5e: {  	_ =	shalt  }
0x5f: {  	_ =	shalt  }
0x60: {  	_ =	shalt  }
0x61: {  	_ =	shalt  }
0x62: {  	_ =	shalt  }
0x63: {  	_ =	shalt  }
0x64: {  	_ =	shalt  }
0x65: {  	_ =	shalt  }
0x66: {  	_ =	shalt  }
0x67: {  	_ =	shalt  }
0x68: {  	_ =	shalt  }
0x69: {  	_ =	shalt  }
0x6a: {  	_ =	shalt  }
0x6b: {  	_ =	shalt  }
0x6c: {  	_ =	shalt  }
0x6d: {  	_ =	shalt  }
0x6e: {  	_ =	shalt  }
0x6f: {  	_ =	shalt  }
0x70: {  	_ =	shalt  }
0x71: {  	_ =	shalt  }
0x72: {  	_ =	shalt  }
0x73: {  	_ =	shalt  }
0x74: {  	_ =	shalt  }
0x75: {  	_ =	shalt  }
0x76: {  	_ =	shalt  }
0x77: {  	_ =	shalt  }
0x78: {  	_ =	shalt  }
0x79: {  	_ =	shalt  }
0x7a: {  	_ =	shalt  }
0x7b: {  	_ =	shalt  }
0x7c: {  	_ =	shalt  }
0x7d: {  	_ =	shalt  }
0x7e: {  	_ =	shalt  }
0x7f: {  	_ =	shalt  }
0x80: {  	_ =	shalt  }
0x81: {  	_ =	shalt  }
0x82: {  	_ =	shalt  }
0x83: {  	_ =	shalt  }
0x84: {  	_ =	shalt  }
0x85: {  	_ =	shalt  }
0x86: {  	_ =	shalt  }
0x87: {  	_ =	shalt  }
.Lfunc_end0:
.L_simem_size_0:
called_computation.1_lowered:
.L_overlay_start_0:
0x88: {  	s2 =	sld [smem:$0x3FD9]  }
0x89: {  	s3 =	sld [smem:$0x3FFE];
	_ =	sdelay $0x1  }
0x8a: {  	s1 =	srdreg.scid  }
0x8b: {  	s0 =	sand.u32 $0x1, s1  }
0x8c: {  	s16 =	sshll.u32 s0, $0xA;
	s2 =	sadd.s32 s3, s2  }
0x8d: {  	s2 =	sadd.s32 s2, s16  }
0x8e: {  	[smem:$0x3FC0] =	sst s2  }
0x8f: {  	_ = 	snop  }
0x90: {  	(tm) =	ssettm $0x1  }
0x91: {  	s17 =	sld [smem:$0x3FFB];
	_ =	sdelay $0x3  }
0x92: {  	_ =	strace s17  }
0x93: {  	s2 =	sld [smem:$0x3FFC];
	_ =	sdelay $0x3  }
0x94: {  	_ =	strace s2  }
0x95: {  	s2 =	sld [smem:$0x3FFD];
	_ =	sdelay $0x3  }
0x96: {  	_ =	strace s2  }
0x97: {  	_ =	strace $0x8FFFFFFF  }
0x98: {  	s18 =	sld [smem:$0x3FDB];
	_ =	sdelay $0x1  }
0x99: {  	s19 =	simm.s32 $_scs_section_size  }
0x9a: {  	s4 =	simm.s32 $_size__tile_overlayer_lowered;
	s5 =	simm.s32 $_tile_overlayer_lowered  }
0x9b: {  	s22 =	simm.s32 $0x1BFF;
	s21 =	sshll.u32 s5, $0x1;
	s2 =	sadd.s32 s19, s18  }
0x9c: {  	s6 =	simm.s32 $0x0;
	s20 =	sshll.u32 s4, $0x1;
	s4 =	sadd.s32 s21, s2  }
0x9d: {  	[timem:s6], [sflag:s22] =	dma.local [hbm:s4], s20  }
0x9e: {  	_ =	swait.ge [sflag:s22], s20  }
0x9f: {  	s3 =	ssub.s32 $0x0, s20;
	[sflag:s22] =	ssyncset.done $0x0  }
0xa0: {  	[sflag:s22] =	ssyncadd.s32 s3;
	_ =	sdelay $0x1  }
0xa1: {  	s23 =	simm.s32 $0x1B8B  }
0xa2: {  	_ =	swait.ge [sflag:s23], $0x1  }
0xa3: {  	[sflag:s23] =	ssyncset.done $0x0  }
0xa4: {  	s25 =	simm.s32 $0x1B8E;
	s24 =	sld [smem:$0x3FFE];
	[sflag:s23] =	ssyncadd.s32 $0xFFFFFFFF  }
0xa5: {  	s26 =	simm.s32 $execute0_lowered;
	[smem:$0x3FD2] =	sst s25  }
0xa6: {  	s4 =	sshll.u32 s26, $0x1;
	_ =	strace $0x80000049;
	[dreg:$0x1] =	wrdreg $0xFFFFFFFF  }
0xa7: {  	s28 =	simm.s32 $_size_execute0_lowered;
	s2 =	sadd.s32 s2, s4;
	[dreg:$0x0] =	wrdreg $0x0  }
0xa8: {  	s4 =	sshll.u32 s28, $0x1;
	[dreg:$0x2] =	wrdreg s2  }
0xa9: {  	[dreg:$0x3] =	wrdreg s4  }
0xaa: {  	[dreg:$0x4] =	wrdreg $0xC0  }
0xab: {  	_ =	task [dreg:s6], $0x5FFFF  }
0xac: {  	[dreg:$0x1] =	wrdreg $0xFFFFFFFF  }
0xad: {  	[dreg:$0x0] =	wrdreg $0x60  }
0xae: {  	[dreg:$0x2] =	wrdreg s24  }
0xaf: {  	[dreg:$0x3] =	wrdreg $0x9  }
0xb0: {  	_ =	task.clear_ibuf [dreg:s6], $0x4FFFF;
	_ =	strace $0x90000049  }
0xb1: {  	s29 =	simm.s32 $0x9;
	_ =	strace $0x8000004B  }
0xb2: {  	_ =	swait.ge [sflag:s29], $0x1  }
0xb3: {  	[sflag:s29] =	ssyncadd.s32 $0xFFFFFFFF  }
0xb4: {  	_ =	strace $0x9000004B  }
0xb5: {  	_ =	sfence  }
0xb6: {  	s30 =	sld [smem:$0x0];
	_ =	sdelay $0x2  }
0xb7: {  	s31 =	sshll.u32 s1, $0xD;
	s1 =	sshrl.u32 s1, $0x2  }
0xb8: {  	s3 =	sand.u32 $0x4000, s31;
	s1 =	sadd.s32 s1, s30  }
0xb9: {  	s0 =	sor.u32 s3, s0;
	s1 =	sshll.u32 s1, $0x11  }
0xba: {  	s0 =	sor.u32 s1, s0  }
0xbb: {  	s0 =	sadd.s32 $0x8F2B, s0  }
0xbc: {  	[sflag:s0] =	ssyncadd.remote.s32 $0x1  }
0xbd: {  	_ =	sfence.sel $0xFFFF  }
0xbe: {  	[dreg:$0x0] =	wrdreg $0xFFFFFFFF;
	(pc) =	sbr.abs _section_cstart, $3  }
0xbf: {  	[dreg:$0x1] =	wrdreg $0xFFFFFFFF  }
0xc0: {  	_ =	task.clear_ibuf [dreg:s6], $0x2FFFF;
	_ =	strace $0x9FFFFFFF  }
0xc1: {  	(tm) =	ssettm $0x7FFFFFFF  }
tec
execute0_lowered:
.L_overlay_start_1:
0x0: {  	(tag) =	ssettag $0x1  }
0x1: {  	s0 =	srdreg.scid;
	s2 =	rddreg [dreg:$0x0]  }
0x2: {  	s7 =	simm.s32 $0x0;
	s8 =	simm.s32 $0x1;
	s9 =	simm.s32 $0x2000  }
0x3: {  	s10 =	simm.s32 $0x4000;
	s11 =	simm.s32 $0x6000;
	s1 =	sand.u32 $0x1, s0  }
0x4: {  	s12 =	simm.s32 $0x0;
	s0 =	rddreg [dreg:$0x1];
	s5 =	ssub.s32 $0x2, s1  }
0x5: {  	v0 =	vlaneseq.u32;
	_ =	strace $0x8000004A;
	s3 =	sadd.s32 $0x2800, s2;
	s6 =	sshrl.u32 s5, $0x1  }
0x6: {  	s4 =	sadd.s32 $0x2C00, s2;
	v1 =	vadd.s32 $0x1, v0;
	s1 =	sadd.s32 $0x2400, s2;
	s6 =	ssub.s32 s5, s6  }
0x7: {  	v2 =	vadd.s32 $0x11, v0;
	v3 =	vadd.s32 $0x21, v0;
	v4 =	vadd.s32 $0x31, v0;
	s5 =	sadd.s32 $0x3000, s2;
	s2 =	stileid.u32;
	s6 =	smax.u32 s6, $0x1  }
.LBB2_1:
0x8: {  	[tilespmem:s7], [sflag:$0x1] =	stream.linear.gather [hbm4b:s1+s7], $0x2000, $0x38;
	[tilespmem:$0x6080] =	vst v63  }
0x9: {  	_ =	swait.ge [sflag:s8], $0x2000  }
0xa: {  	[sflag:s8] =	ssyncset.done $0x0  }
0xb: {  	[sflag:s8] =	ssyncadd.s32 $0xFFFFE000  }
0xc: {  	[tilespmem:s9], [sflag:$0x1] =	stream.linear.gather [hbm4b:s3+s7], $0x2000, $0x38;
	[tilespmem:$0x6080] =	vst v63  }
0xd: {  	_ =	swait.ge [sflag:s8], $0x2000  }
0xe: {  	[sflag:s8] =	ssyncset.done $0x0  }
0xf: {  	s13 =	simm.s32 $0x0;
	v5 =	vimm.f32 $0.0e+00;
	s14 =	simm.s32 $0x200;
	[sflag:s8] =	ssyncadd.s32 $0xFFFFE000  }
.LBB2_2:
0x10: {  	p0 =	sne.s32 s14, $0x7E00;
	[tilespmem:s13+$0x4070] =	vst v5  }
0x11: {  	[tilespmem:s13+$0x4000] =	vst v5  }
0x12: {  	[tilespmem:s13+$0x4010] =	vst v5  }
.Ltmp0:
0x13: {  	[tilespmem:s13+$0x4020] =	vst v5;
	(pc) =	sbr.rel @p0 .LBB2_2-.Ltmp0, $4  }
0x14: {  	[tilespmem:s13+$0x4030] =	vst v5  }
0x15: {  	[tilespmem:s13+$0x4040] =	vst v5  }
0x16: {  	[tilespmem:s13+$0x4050] =	vst v5  }
0x17: {  	[tilespmem:s13+$0x4060] =	vst v5;
	s13 =	sshra.s32 s14, $0x2;
	s14 =	sadd.s32 $0x200, s14  }
0x18: {  	[tilespmem:s13+$0x4070] =	vst v5  }
0x19: {  	[tilespmem:s13+$0x4000] =	vst v5  }
0x1a: {  	[tilespmem:s13+$0x4010] =	vst v5  }
0x1b: {  	[tilespmem:s13+$0x4020] =	vst v5  }
0x1c: {  	[tilespmem:s13+$0x4030] =	vst v5  }
0x1d: {  	[tilespmem:s13+$0x4040] =	vst v5  }
0x1e: {  	[tilespmem:s13+$0x4050] =	vst v5  }
0x1f: {  	[tilespmem:s13+$0x4060] =	vst v5;
	s15 =	simm.s32 $0x0  }
0x20: {  	v6 =	vld [tilespmem:s15+$0x2000];
	_ =	sdelay $0x4  }
0x21: {  	(v2sf) =	vpush v6, $0x2;
	_ =	sdelay $0x1  }
0x22: {  	(v2sf) =	vpush v6, $0x1  }
0x23: {  	(v2sf) =	vpush v6, $0x0;
	_ =	sdelay $0xb  }
0x24: {  	s29 =	spop (v2sf)  }
0x25: {  	p0 =	sgt.f32 s29, $5.000000000e-01  }
0x26: {  	s16 =	simm.f32 $1.000000000e+00;
	s17 =	spop (v2sf)  }
0x27: {  	s13 =	simm.f32 $-1.000000000e+00;
	s18 =	spop (v2sf);
	s16 =	simm.s32 @!p0 $0x0  }
0x28: {  	p1 =	sne.f32 s17, s13;
	s14 =	smul.f32 s16, s18  }
0x29: {  	s19 =	simm.f32 $0.0e+00;
	v7 =	vld [tilespmem:s15+$0x20]  }
0x2a: {  	v8 =	vld [tilespmem:s15+$0x30];
	p1 =	por !p1, !p0;
	s14 =	sadd.f32 s14, s19  }
0x2b: {  	v9 =	vld [tilespmem:s15+$0x70];
	p1 =	por !p1, !p1  }
0x2c: {  	v10 =	vld [tilespmem:s15+$0x10];
	s14 =	smov.u32 @p1 s18  }
0x2d: {  	v6 =	vld [tilespmem:s15+$0x0];
	s18 =	smax.f32 s14, $1.000000000e+00  }
0x2e: {  	v12 =	vld [tilespmem:s15+$0x50];
	v11 =	vmov s18  }
0x2f: {  	v13 =	vld [tilespmem:s15+$0x40];
	(erf) = vrcp.f32 v11  }
0x30: {  	v14 =	vmul.f32 s16, v7  }
0x31: {  	p2 =	por $0x0, $0x0;
	v15 =	vmul.f32 s16, v8;
	v16 =	vmul.f32 s16, v9  }
0x32: {  	v18 =	vld [tilespmem:s15+$0x60];
	v17 =	vmul.f32 s16, v10;
	v14 =	vadd.f32 v14, v5;
	p3 =	por !p2, !p1;
	v11 =	vmul.f32 s16, v6  }
0x33: {  	s15 =	simm.s32 $0x1;
	v19 =	vmul.f32 s16, v12;
	v15 =	vadd.f32 v15, v5;
	v16 =	vadd.f32 v16, v5;
	p3 =	por !p3, !p3  }
0x34: {  	s15 =	simm.s32 @!p3 $0x0;
	v7 =	vpsel p1, v7, v14;
	v14 =	vmul.f32 s16, v13;
	v11 =	vadd.f32 v11, v5  }
0x35: {  	v8 =	vpsel p1, v8, v15;
	v15 =	vadd.f32 v19, v5;
	s15 =	sadd.s32 $0x0, s15  }
0x36: {  	v9 =	vpsel p1, v9, v16;
	s30 =	sand.u32 $0xF, s15;
	v6 =	vpsel p1, v6, v11;
	v11 =	vadd.f32 v17, v5  }
0x37: {  	v12 =	vpsel p1, v12, v15;
	v16 =	vmov s30;
	v17 =	vmul.f32 s16, v18  }
0x38: {  	vm0 =	veq.s32 v16, v0;
	v11 =	vpsel p1, v10, v11;
	v10 =	vadd.f32 v14, v5;
	v14 =	vpop (erf)  }
0x39: {  	s31 =	sshll.u32 s15, $0x9;
	v15 =	vadd.f32 v17, v5;
	v17 =	vmul.f32 v14, v6;
	v20 =	vmul.f32 v9, v14  }
0x3a: {  	s18 =	sshra.s32 s31, $0x2;
	v10 =	vpsel p1, v13, v10;
	v16 =	vmul.f32 v14, v7;
	v19 =	vmul.f32 v14, v8  }
0x3b: {  	s13 =	smov.u32 @p0 s17;
	p0 =	por p2, p1;
	s16 =	simm.s32 $0x200;
	v13 =	vpsel p1, v18, v15;
	v15 =	vmul.f32 v14, v11;
	v18 =	vmul.f32 v14, v12;
	[tilespmem:s18+$0x4070] =	vst v20  }
.LBB2_4:
0x3c: {  	p1 =	sne.s32 s16, $0x7E00;
	[tilespmem:s18+$0x4000] =	vst v17;
	v17 =	vmul.f32 v14, v10;
	v14 =	vmul.f32 v14, v13;
	s17 =	smov.u32 s16;
	s16 =	sadd.s32 $0x200, s16  }
0x3d: {  	[tilespmem:s18+$0x4030] =	vst v19  }
0x3e: {  	[tilespmem:s18+$0x4020] =	vst v16  }
0x3f: {  	[tilespmem:s18+$0x4040] =	vst v17  }
0x40: {  	[tilespmem:s18+$0x4050] =	vst v18  }
0x41: {  	v5 =	vsel vm0, s13, v5;
	s19 =	sand.u32 $0xFFFFFFF0, s15;
	[tilespmem:s18+$0x4060] =	vst v14  }
0x42: {  	[tilespmem:s18+$0x4010] =	vst v15  }
0x43: {  	s17 =	sshra.s32 s17, $0x2;
	[tilespmem:s19+$0x6000] =	vst v5  }
0x44: {  	v14 =	vld [tilespmem:s17+$0x2000];
	_ =	sdelay $0x4  }
0x45: {  	(v2sf) =	vpush v14, $0x2  }
0x46: {  	(v2sf) =	vpush v14, $0x1;
	_ =	sdelay $0x1  }
0x47: {  	(v2sf) =	vpush v14, $0x0;
	_ =	sdelay $0x8  }
0x48: {  	v14 =	vld [tilespmem:s17+$0x70]  }
0x49: {  	v15 =	vld [tilespmem:s17+$0x20]  }
0x4a: {  	v16 =	vld [tilespmem:s17+$0x0]  }
0x4b: {  	v17 =	vld [tilespmem:s17+$0x30];
	s18 =	spop (v2sf)  }
0x4c: {  	p3 =	sgt.f32 s18, $5.000000000e-01;
	v18 =	vld [tilespmem:s17+$0x10];
	s18 =	spop (v2sf)  }
0x4d: {  	s19 =	simm.f32 $1.000000000e+00;
	v19 =	vld [tilespmem:s17+$0x50];
	p2 =	sne.f32 s18, s13  }
0x4e: {  	s19 =	simm.s32 @!p3 $0x0;
	s20 =	spop (v2sf)  }
0x4f: {  	s13 =	smov.u32 @p3 s18;
	p2 =	por !p2, !p3;
	v20 =	vmul.f32 s19, v16;
	v21 =	vmul.f32 s19, v15;
	s21 =	smul.f32 s19, s20  }
0x50: {  	v24 =	vmul.f32 s19, v14;
	v22 =	vld [tilespmem:s17+$0x40];
	v23 =	vmul.f32 s19, v17  }
0x51: {  	v25 =	vld [tilespmem:s17+$0x60];
	v6 =	vadd.f32 v20, v6;
	v20 =	vmul.f32 s19, v18;
	v7 =	vadd.f32 v21, v7;
	s14 =	sadd.f32 s21, s14  }
0x52: {  	p2 =	por !p2, !p2;
	v9 =	vadd.f32 v24, v9;
	v8 =	vadd.f32 v23, v8;
	v21 =	vmul.f32 s19, v19  }
0x53: {  	p3 =	por !p0, !p2;
	p0 =	por p0, p2;
	v6 =	vpsel p2, v16, v6;
	v11 =	vadd.f32 v20, v11;
	v7 =	vpsel p2, v15, v7;
	s14 =	smov.u32 @p2 s20  }
0x54: {  	s18 =	simm.s32 $0x1;
	p3 =	por !p3, !p3;
	v9 =	vpsel p2, v14, v9;
	v8 =	vpsel p2, v17, v8;
	v12 =	vadd.f32 v21, v12;
	s17 =	smax.f32 s14, $1.000000000e+00  }
0x55: {  	s18 =	simm.s32 @!p3 $0x0;
	v11 =	vpsel p2, v18, v11;
	v14 =	vmul.f32 s19, v22;
	v15 =	vmov s17  }
0x56: {  	s15 =	sadd.s32 s18, s15;
	v12 =	vpsel p2, v19, v12;
	v16 =	vmul.f32 s19, v25;
	(erf) = vrcp.f32 v15  }
0x57: {  	s17 =	sand.u32 $0xF, s15;
	s18 =	sshll.u32 s15, $0x9;
	v10 =	vadd.f32 v14, v10  }
0x58: {  	v14 =	vmov s17;
	v13 =	vadd.f32 v16, v13  }
0x59: {  	vm0 =	veq.s32 v14, v0;
	v10 =	vpsel p2, v22, v10  }
0x5a: {  	v13 =	vpsel p2, v25, v13;
	_ =	sdelay $0x3  }
.Ltmp1:
0x5b: {  	(pc) =	sbr.rel @p1 .LBB2_4-.Ltmp1, $4  }
0x5c: {  	v14 =	vpop (erf)  }
0x5d: {  	v17 =	vmul.f32 v14, v6;
	v20 =	vmul.f32 v9, v14  }
0x5e: {  	s18 =	sshra.s32 s18, $0x2;
	v16 =	vmul.f32 v14, v7;
	v19 =	vmul.f32 v14, v8  }
0x5f: {  	v15 =	vmul.f32 v14, v11;
	v18 =	vmul.f32 v14, v12;
	[tilespmem:s18+$0x4070] =	vst v20  }
0x60: {  	[tilespmem:s18+$0x4000] =	vst v17  }
0x61: {  	[tilespmem:s18+$0x4030] =	vst v19  }
0x62: {  	[tilespmem:s18+$0x4020] =	vst v16  }
0x63: {  	v6 =	vmul.f32 v14, v10;
	[tilespmem:s18+$0x4050] =	vst v18  }
0x64: {  	v7 =	vmul.f32 v14, v13;
	[tilespmem:s18+$0x4010] =	vst v15  }
0x65: {  	[tilespmem:s18+$0x4040] =	vst v6  }
0x66: {  	v5 =	vsel vm0, s13, v5;
	s31 =	sand.u32 $0xFFFFFFF0, s15;
	[tilespmem:s18+$0x4060] =	vst v7  }
0x67: {  	[tilespmem:s31+$0x6000] =	vst v5  }
0x68: {  	s13 =	simm.s32 $0x1;
	v5 =	vld [tilespmem:$0x6000]  }
0x69: {  	s13 =	simm.s32 @!p0 $0x0;
	v6 =	vld [tilespmem:$0x6010]  }
0x6a: {  	s13 =	sadd.s32 s13, s15;
	v7 =	vld [tilespmem:$0x6020]  }
0x6b: {  	v8 =	vmov s13;
	v9 =	vld [tilespmem:$0x6030]  }
0x6c: {  	vm12 =	vlt.s32 v8, v1  }
0x6d: {  	vm13 =	vlt.s32 v8, v2;
	v5 =	vsel vm12, $0xBF800000, v5  }
0x6e: {  	vm14 =	vlt.s32 v8, v3;
	[tilespmem:$0x6000] =	vst v5;
	v5 =	vsel vm13, $0xBF800000, v6  }
0x6f: {  	vm15 =	vlt.s32 v8, v4;
	[tilespmem:$0x6010] =	vst v5;
	v5 =	vsel vm14, $0xBF800000, v7  }
0x70: {  	[tilespmem:$0x6020] =	vst v5;
	v5 =	vsel vm15, $0xBF800000, v9  }
0x71: {  	[tilespmem:$0x6030] =	vst v5  }
0x72: {  	[hbm4b:s4+s7] =	stream.linear.scatter [tilespmem:s10], [sflag:$0x1], $0x2000, $0x38;
	[tilespmem:$0x6080] =	vst v63  }
0x73: {  	s12 =	sadd.s32 $0x1, s12;
	_ =	swait.ge [sflag:s8], $0x2000  }
0x74: {  	p0 =	sne.s32 s12, s6;
	[sflag:s8] =	ssyncset.done $0x0  }
.Ltmp2:
0x75: {  	[sflag:s8] =	ssyncadd.s32 $0xFFFFE000;
	(pc) =	sbr.rel @p0 .LBB2_1-.Ltmp2, $4  }
0x76: {  	[hbm4b:s5+s7] =	stream.linear.scatter [tilespmem:s11], [sflag:$0x1], $0x80, $0x38;
	[tilespmem:$0x6080] =	vst v63  }
0x77: {  	_ =	swait.ge [sflag:s8], $0x80  }
0x78: {  	[sflag:s8] =	ssyncset.done $0x0  }
0x79: {  	[sflag:s8] =	ssyncadd.s32 $0xFFFFFF80  }
0x7a: {  	_ =	sfence.sel $0x180000  }
0x7b: {  	[bflag:$0x0] =	sbarrier.arrive $0xFFFF  }
0x7c: {  	p0 =	sne.s32 s2, $0x0;
	_ =	strace $0x9000004A  }
0x7d: {  	s0 =	sadd.s32 @!p0 $0x100000, s0;
	[bflag:$0x2] =	sbarrier.arrive $0xFFFF  }
0x7e: {  	[sflag:s0] =	ssyncadd.tile.s32 @!p0 $0x1;
	_ =	shalt  }
.Lfunc_end2:
_tile_overlayer_lowered:
.L_overlay_start_2:
0x7f: {  	(tag) =	ssettag $0x2  }
0x80: {  	s0 =	rddreg [dreg:$0x0];
	s2 =	stileid.u32  }
0x81: {  	s1 =	rddreg [dreg:$0x1];
	p0 =	sne.s32 s2, $0x0  }
0x82: {  	s3 =	rddreg [dreg:$0x2];
	[bflag:$0x3] =	sbarrier.arrive $0xFFFF;
	s2 =	simm.s32 @!p0 $0x1C01  }
0x83: {  	[timem:s3], [sflag:s2] =	dma.local @!p0 [hbm:s0], s1  }
0x84: {  	s0 =	simm.s32 @!p0 $0x1  }
0x85: {  	_ =	swait.ge @!p0 [sflag:s0], s1  }
0x86: {  	s1 =	ssub.s32 @!p0 $0x0, s1;
	[sflag:s0] =	ssyncset.done @!p0 $0x0  }
0x87: {  	[sflag:s0] =	ssyncadd.s32 @!p0 s1  }
0x88: {  	[bflag:$0x3] =	sbarrier.arrive $0xFFFF  }
0x89: {  	_ =	shalt  }

// kernel: kernel.13.cloned.1.call-start
scs
__scs_entry_jumppad:
0x0: {  	(pc) =	sbr.rel $0x88, $3  }
0x1: {  	(tag) =	ssettag $0x0;
	lr =	simm.s32 $0x1  }
0x2: {  	[smem:$0x3F99] =	sst lr;
	_ =	strace $0xD0000000  }
0x3: {  	_ = 	snop  }
0x4: {  	_ = 	snop  }
0x5: {  	_ = 	snop  }
0x6: {  	_ = 	snop  }
0x7: {  	_ = 	snop  }
__scs_overlays_trampoline_lowered:
0x8: {  	[smem:$0x3FA8] =	sst s0  }
0x9: {  	[smem:$0x3FA9] =	sst s1  }
0xa: {  	[smem:$0x3FAA] =	sst s2  }
0xb: {  	[smem:$0x3FAB] =	sst s3  }
0xc: {  	[smem:$0x3FAC] =	sst s4  }
0xd: {  	[smem:$0x3FAD] =	sst s5  }
0xe: {  	[smem:$0x3FAE] =	sst s6  }
0xf: {  	[smem:$0x3FAF] =	sst s7  }
0x10: {  	[smem:$0x3FB0] =	sst s8  }
0x11: {  	[smem:$0x3FB1] =	sst s9;
	s0 =	simm.s32 @!p0 $0x0  }
0x12: {  	s1 =	sld [smem:$0x3F97];
	s0 =	simm.s32 @p0 $0x1  }
0x13: {  	[smem:$0x3FB2] =	sst s0;
	s0 =	simm.s32 @!p1 $0x0  }
0x14: {  	s2 =	sld [smem:$0x3F96];
	s0 =	simm.s32 @p1 $0x1  }
0x15: {  	[smem:$0x3FB3] =	sst s0;
	s0 =	simm.s32 @!p2 $0x0  }
0x16: {  	s3 =	sld [smem:$0x3FDB];
	s0 =	simm.s32 @p2 $0x1  }
0x17: {  	s4 =	simm.s32 $0x1BF5;
	[smem:$0x3FB5] =	sst s0  }
0x18: {  	s0 =	sld [smem:$0x3F98];
	_ =	swait.ge [sflag:s4], $0x0  }
0x19: {  	s7 =	sld [smem:$0x3F99]  }
0x1a: {  	s8 =	sadd.s32 $0xFFFFE003, lr  }
0x1b: {  	s9 =	sadd.s32 $0xFFFFFEF7, lr;
	s5 =	simm.s32 $0xFFFFFFFF;
	p2 =	slt.u32 s8, $0xFFFFF086  }
0x1c: {  	p1 =	slt.u32 s9, $0xF7A;
	s5 =	simm.s32 @!p2 $0x0  }
0x1d: {  	s5 =	simm.s32 @p1 $0x1;
	p0 =	seq.s32 s7, s2  }
0x1e: {  	s7 =	smul.u32 @!p0 $0xF7A, s2;
	p2 =	seq.s32 @!p0 s5, $0x0  }
0x1f: {  	s9 =	smul.u32 $0xF7A, s1;
	s8 =	simm.s32 @!p0 $0x1BF5;
	p2 =	por !p2, p0  }
0x20: {  	[sflag:s8] =	ssyncset.s32 @!p0 $0xFFFFF086;
	s6 =	sadd.s32 @!p0 s3, s7;
	s7 =	simm.s32 @!p0 $0x108  }
0x21: {  	s3 =	sadd.s32 s3, s9;
	s6 =	sadd.s32 @!p0 $0x88, s6;
	s7 =	simm.s32 @p2 $0x1082  }
0x22: {  	[simem:s7], [sflag:s8] =	dma.local @!p0 [hbm:s6], $0xF7A  }
0x23: {  	s9 =	sor.u32 $0xD0000000, s2;
	s6 =	simm.s32 $0x108;
	_ =	swait.ge @!p0 [sflag:s8], $0x0  }
0x24: {  	s3 =	sadd.s32 $0x88, s3;
	s6 =	simm.s32 @!p1 $0x1082;
	[sflag:s4] =	ssyncset.s32 $0xFFFFF086  }
0x25: {  	[simem:s6], [sflag:s4] =	dma.local [hbm:s3], $0xF7A  }
0x26: {  	[smem:$0x3F99] =	sst s1;
	(tag) =	ssettag s2;
	_ =	strace s9  }
0x27: {  	s1 =	sld [smem:$0x3FA9]  }
0x28: {  	s2 =	sld [smem:$0x3FAA]  }
0x29: {  	s4 =	sld [smem:$0x3FAC]  }
0x2a: {  	p0 =	seq.s32 s5, $0x0;
	s5 =	sld [smem:$0x3FAD]  }
0x2b: {  	s6 =	sld [smem:$0x3FAE]  }
0x2c: {  	s7 =	sld [smem:$0x3FAF]  }
0x2d: {  	s3 =	simm.s32 $0x108;
	s8 =	sld [smem:$0x3FB0]  }
0x2e: {  	s3 =	simm.s32 @!p0 $0x1082;
	s9 =	sld [smem:$0x3FB1]  }
0x2f: {  	lr =	sadd.s32 s0, s3;
	s0 =	sld [smem:$0x3FA8]  }
0x30: {  	s3 =	sld [smem:$0x3FAB]  }
0x31: {  	[smem:$0x3FB4] =	sst s10  }
0x32: {  	s10 =	sld [smem:$0x3FB2];
	_ =	sdelay $0x3  }
0x33: {  	p0 =	seq.s32 s10, $0x1;
	s10 =	sld [smem:$0x3FB4];
	_ =	sdelay $0x3  }
0x34: {  	[smem:$0x3FB4] =	sst s10  }
0x35: {  	s10 =	sld [smem:$0x3FB3];
	_ =	sdelay $0x3  }
0x36: {  	p1 =	seq.s32 s10, $0x1;
	s10 =	sld [smem:$0x3FB4];
	_ =	sdelay $0x3  }
0x37: {  	[smem:$0x3FB4] =	sst s10  }
0x38: {  	s10 =	sld [smem:$0x3FB5]  }
0x39: {  	_ = 	snop;
	(pc) =	sbr.ind lr, $3  }
0x3a: {  	_ = 	snop  }
0x3b: {  	_ = 	snop  }
0x3c: {  	p2 =	seq.s32 s10, $0x1;
	s10 =	sld [smem:$0x3FB4]  }
0x3d: {  	_ =	shalt  }
0x3e: {  	_ =	shalt  }
0x3f: {  	_ =	shalt  }
0x40: {  	_ =	shalt  }
0x41: {  	_ =	shalt  }
0x42: {  	_ =	shalt  }
0x43: {  	_ =	shalt  }
0x44: {  	_ =	shalt  }
0x45: {  	_ =	shalt  }
0x46: {  	_ =	shalt  }
0x47: {  	_ =	shalt  }
0x48: {  	_ =	shalt  }
0x49: {  	_ =	shalt  }
0x4a: {  	_ =	shalt  }
0x4b: {  	_ =	shalt  }
0x4c: {  	_ =	shalt  }
0x4d: {  	_ =	shalt  }
0x4e: {  	_ =	shalt  }
0x4f: {  	_ =	shalt  }
0x50: {  	_ =	shalt  }
0x51: {  	_ =	shalt  }
0x52: {  	_ =	shalt  }
0x53: {  	_ =	shalt  }
0x54: {  	_ =	shalt  }
0x55: {  	_ =	shalt  }
0x56: {  	_ =	shalt  }
0x57: {  	_ =	shalt  }
0x58: {  	_ =	shalt  }
0x59: {  	_ =	shalt  }
0x5a: {  	_ =	shalt  }
0x5b: {  	_ =	shalt  }
0x5c: {  	_ =	shalt  }
0x5d: {  	_ =	shalt  }
0x5e: {  	_ =	shalt  }
0x5f: {  	_ =	shalt  }
0x60: {  	_ =	shalt  }
0x61: {  	_ =	shalt  }
0x62: {  	_ =	shalt  }
0x63: {  	_ =	shalt  }
0x64: {  	_ =	shalt  }
0x65: {  	_ =	shalt  }
0x66: {  	_ =	shalt  }
0x67: {  	_ =	shalt  }
0x68: {  	_ =	shalt  }
0x69: {  	_ =	shalt  }
0x6a: {  	_ =	shalt  }
0x6b: {  	_ =	shalt  }
0x6c: {  	_ =	shalt  }
0x6d: {  	_ =	shalt  }
0x6e: {  	_ =	shalt  }
0x6f: {  	_ =	shalt  }
0x70: {  	_ =	shalt  }
0x71: {  	_ =	shalt  }
0x72: {  	_ =	shalt  }
0x73: {  	_ =	shalt  }
0x74: {  	_ =	shalt  }
0x75: {  	_ =	shalt  }
0x76: {  	_ =	shalt  }
0x77: {  	_ =	shalt  }
0x78: {  	_ =	shalt  }
0x79: {  	_ =	shalt  }
0x7a: {  	_ =	shalt  }
0x7b: {  	_ =	shalt  }
0x7c: {  	_ =	shalt  }
0x7d: {  	_ =	shalt  }
0x7e: {  	_ =	shalt  }
0x7f: {  	_ =	shalt  }
0x80: {  	_ =	shalt  }
0x81: {  	_ =	shalt  }
0x82: {  	_ =	shalt  }
0x83: {  	_ =	shalt  }
0x84: {  	_ =	shalt  }
0x85: {  	_ =	shalt  }
0x86: {  	_ =	shalt  }
0x87: {  	_ =	shalt  }
.Lfunc_end0:
.L_simem_size_0:
called_computation.2_lowered:
.L_overlay_start_0:
0x88: {  	s2 =	sld [smem:$0x3FD9]  }
0x89: {  	s3 =	sld [smem:$0x3FFE];
	_ =	sdelay $0x1  }
0x8a: {  	s1 =	srdreg.scid  }
0x8b: {  	s0 =	sand.u32 $0x1, s1  }
0x8c: {  	s17 =	sshll.u32 s0, $0xA;
	s2 =	sadd.s32 s3, s2  }
0x8d: {  	s2 =	sadd.s32 s2, s17  }
0x8e: {  	[smem:$0x3FC0] =	sst s2  }
0x8f: {  	_ = 	snop  }
0x90: {  	s2 =	sld [smem:$0x3FC8]  }
0x91: {  	s18 =	sld [smem:$0x3FD0];
	(tm) =	ssettm $0x1  }
0x92: {  	s4 =	sld [smem:$0x3FFB];
	_ =	sdelay $0x3  }
0x93: {  	_ =	strace s4  }
0x94: {  	s4 =	sld [smem:$0x3FFC];
	_ =	sdelay $0x3  }
0x95: {  	_ =	strace s4  }
0x96: {  	s4 =	sld [smem:$0x3FFD];
	_ =	sdelay $0x3  }
0x97: {  	_ =	strace s4  }
0x98: {  	_ =	strace $0x8FFFFFFF  }
0x99: {  	s19 =	sld [smem:$0x3FDB];
	_ =	sdelay $0x1  }
0x9a: {  	s5 =	simm.s32 $_scs_section_size  }
0x9b: {  	s6 =	simm.s32 $_size__tile_overlayer_lowered;
	s7 =	simm.s32 $_tile_overlayer_lowered  }
0x9c: {  	s22 =	simm.s32 $0x1BFF;
	s21 =	sshll.u32 s7, $0x1;
	s4 =	sadd.s32 s5, s19  }
0x9d: {  	s8 =	simm.s32 $0x0;
	s20 =	sshll.u32 s6, $0x1;
	s6 =	sadd.s32 s21, s4  }
0x9e: {  	[timem:s8], [sflag:s22] =	dma.local [hbm:s6], s20  }
0x9f: {  	_ =	swait.ge [sflag:s22], s20  }
0xa0: {  	s5 =	ssub.s32 $0x0, s20;
	[sflag:s22] =	ssyncset.done $0x0  }
0xa1: {  	[sflag:s22] =	ssyncadd.s32 s5;
	_ =	sdelay $0x1  }
0xa2: {  	s23 =	simm.s32 $0x1B8B  }
0xa3: {  	_ =	swait.ge [sflag:s23], $0x1  }
0xa4: {  	[sflag:s23] =	ssyncset.done $0x0  }
0xa5: {  	s25 =	simm.s32 $0x1B8E;
	s24 =	sld [smem:$0x3FFE];
	[sflag:s23] =	ssyncadd.s32 $0xFFFFFFFF  }
0xa6: {  	s26 =	simm.s32 $execute0_lowered;
	[smem:$0x3FD2] =	sst s25  }
0xa7: {  	s6 =	sshll.u32 s26, $0x1;
	_ =	strace $0x8000004C;
	[dreg:$0x1] =	wrdreg $0xFFFFFFFF  }
0xa8: {  	s28 =	simm.s32 $_size_execute0_lowered;
	s4 =	sadd.s32 s4, s6;
	[dreg:$0x0] =	wrdreg $0x0  }
0xa9: {  	s6 =	sshll.u32 s28, $0x1;
	[dreg:$0x2] =	wrdreg s4  }
0xaa: {  	[dreg:$0x3] =	wrdreg s6  }
0xab: {  	[dreg:$0x4] =	wrdreg $0xC0  }
0xac: {  	_ =	task [dreg:s8], $0x5FFFF  }
0xad: {  	[dreg:$0x1] =	wrdreg $0xFFFFFFFF  }
0xae: {  	[dreg:$0x0] =	wrdreg $0x60  }
0xaf: {  	[dreg:$0x2] =	wrdreg s24  }
0xb0: {  	[dreg:$0x3] =	wrdreg s2  }
0xb1: {  	[dreg:$0x4] =	wrdreg s18  }
0xb2: {  	[dreg:$0x5] =	wrdreg $0x9  }
0xb3: {  	_ =	task.clear_ibuf [dreg:s8], $0x6FFFF;
	_ =	strace $0x9000004C  }
0xb4: {  	s29 =	simm.s32 $0x9;
	_ =	strace $0x8000004E  }
0xb5: {  	_ =	swait.ge [sflag:s29], $0x1  }
0xb6: {  	[sflag:s29] =	ssyncadd.s32 $0xFFFFFFFF  }
0xb7: {  	_ =	strace $0x9000004E  }
0xb8: {  	_ =	sfence  }
0xb9: {  	s30 =	sld [smem:$0x0];
	_ =	sdelay $0x2  }
0xba: {  	s31 =	sshll.u32 s1, $0xD;
	s1 =	sshrl.u32 s1, $0x2  }
0xbb: {  	s3 =	sand.u32 $0x4000, s31;
	s1 =	sadd.s32 s1, s30  }
0xbc: {  	s0 =	sor.u32 s3, s0;
	s1 =	sshll.u32 s1, $0x11  }
0xbd: {  	s0 =	sor.u32 s1, s0  }
0xbe: {  	s0 =	sadd.s32 $0x8F2B, s0  }
0xbf: {  	[sflag:s0] =	ssyncadd.remote.s32 $0x1  }
0xc0: {  	_ =	sfence.sel $0xFFFF  }
0xc1: {  	[dreg:$0x0] =	wrdreg $0xFFFFFFFF;
	(pc) =	sbr.abs _section_cstart, $3  }
0xc2: {  	[dreg:$0x1] =	wrdreg $0xFFFFFFFF  }
0xc3: {  	_ =	task.clear_ibuf [dreg:s8], $0x2FFFF;
	_ =	strace $0x9FFFFFFF  }
0xc4: {  	(tm) =	ssettm $0x7FFFFFFF  }
0xc5: {  	_ =	shalt  }
tec
execute0_lowered:
.L_overlay_start_1:
0x0: {  	(tag) =	ssettag $0x1  }
0x1: {  	s7 =	rddreg [dreg:$0x0]  }
0x2: {  	s2 =	rddreg [dreg:$0x1];
	s1 =	srdreg.scid  }
0x3: {  	s0 =	stileid.u32;
	s3 =	rddreg [dreg:$0x2]  }
0x4: {  	s4 =	simm.s32 $0x0;
	s13 =	simm.s32 $0x3;
	s14 =	simm.s32 $0x4080  }
0x5: {  	s15 =	simm.s32 $0x2;
	s8 =	sand.u32 $0x1, s1;
	s5 =	sshll.u32 s0, $0x1  }
0x6: {  	s16 =	simm.s32 $0x1;
	s17 =	simm.s32 $0x8;
	s5 =	sor.u32 s8, s5  }
0x7: {  	s18 =	simm.s32 $0x0;
	s1 =	rddreg [dreg:$0x3];
	s5 =	smul.u32 $0x1388, s5  }
0x8: {  	[smem:$0x7FF] =	sst s4;
	s6 =	sadd.s32 $0x3200, s7;
	s7 =	sadd.s32 $0x3ACA00, s7  }
0x9: {  	_ =	strace $0x8000004D;
	s8 =	ssub.s32 $0x2, s8;
	s9 =	sadd.s32 $0x1380, s5  }
0xa: {  	s10 =	sshrl.u32 s8, $0x1;
	s11 =	sshll.u32 s9, $0x4;
	s9 =	sshrl.u32 s9, $0x3  }
0xb: {  	s12 =	ssub.s32 s8, s10;
	s8 =	sadd.s32 s6, s11;
	s9 =	sadd.s32 s2, s9  }
0xc: {  	s10 =	sadd.s32 s3, s11;
	s11 =	smax.u32 s12, $0x1;
	s12 =	simm.s32 $0x80  }
.LBB2_1:
0xd: {  	s19 =	simm.s32 $0x0  }
.LBB2_2:
0xe: {  	s20 =	sshll.u32 s19, $0x7  }
0xf: {  	s21 =	sadd.s32 s5, s20  }
0x10: {  	s20 =	sshll.u32 s21, $0x4  }
0x11: {  	s23 =	simm.s32 $0x0;
	s21 =	sshrl.u32 s21, $0x3;
	s22 =	sadd.s32 s6, s20  }
0x12: {  	[tilespmem:s12], [sflag:$0x2] =	stream.linear.gather [hbm4b:s22+s23], $0x4000, $0x38;
	[tilespmem:$0x8080] =	vst v63  }
0x13: {  	s21 =	sadd.s32 s2, s21  }
0x14: {  	[tilespmem:s23], [sflag:$0x3] =	stream.linear.gather [hbm4b:s21+s23], $0x80, $0x38;
	[tilespmem:$0x8080] =	vst v63  }
0x15: {  	_ =	swait.ge [sflag:s13], $0x80  }
0x16: {  	[sflag:s13] =	ssyncset.done $0x0  }
0x17: {  	[sflag:s13] =	ssyncadd.s32 $0xFFFFFF80  }
0x18: {  	[tilespmem:s14], [sflag:$0x1] =	stream.indirect.gather [hbm4b:s7+s12], $0x80, s23, s12, $0xb8;
	[tilespmem:$0x8080] =	vst v63  }
0x19: {  	_ =	swait.ge [sflag:s15], $0x4000  }
0x1a: {  	[sflag:s15] =	ssyncset.done $0x0  }
0x1b: {  	[sflag:s15] =	ssyncadd.s32 $0xFFFFC000  }
0x1c: {  	_ =	swait.ge [sflag:s16], $0x4000  }
0x1d: {  	[sflag:s16] =	ssyncset.done $0x0  }
0x1e: {  	s21 =	simm.s32 $0x0;
	[sflag:s16] =	ssyncadd.s32 $0xFFFFC000  }
0x1f: {  	v7 =	vld [tilespmem:s21+$0x4080]  }
0x20: {  	v11 =	vld [tilespmem:s21+$0x4090]  }
0x21: {  	v5 =	vld [tilespmem:s21+$0x40A0]  }
0x22: {  	v4 =	vld [tilespmem:s21+$0x40B0]  }
0x23: {  	v3 =	vld [tilespmem:s21+$0x40C0]  }
0x24: {  	v2 =	vld [tilespmem:s21+$0x40D0]  }
0x25: {  	v1 =	vld [tilespmem:s21+$0x40E0]  }
0x26: {  	v0 =	vld [tilespmem:s21+$0x40F0]  }
0x27: {  	v12 =	vld [tilespmem:s21+$0x80]  }
0x28: {  	v13 =	vld [tilespmem:s21+$0x90]  }
0x29: {  	v10 =	vld [tilespmem:s21+$0xA0]  }
0x2a: {  	v9 =	vld [tilespmem:s21+$0xB0]  }
0x2b: {  	v8 =	vld [tilespmem:s21+$0xC0]  }
0x2c: {  	v6 =	vld [tilespmem:s21+$0xD0];
	v12 =	vadd.f32 v7, v12  }
0x2d: {  	s22 =	simm.s32 $0x200;
	v11 =	vadd.f32 v11, v13;
	v7 =	vld [tilespmem:s21+$0xE0]  }
.LBB2_3:
0x2e: {  	s23 =	sshra.s32 s22, $0x2;
	p0 =	sne.s32 s22, $0xFE00;
	[tilespmem:s21+$0x80] =	vst v12;
	v5 =	vadd.f32 v5, v10;
	v10 =	vld [tilespmem:s21+$0xF0]  }
0x2f: {  	v12 =	vld [tilespmem:s23+$0x4080];
	[tilespmem:s21+$0x90] =	vst v11;
	v4 =	vadd.f32 v4, v9  }
0x30: {  	v11 =	vld [tilespmem:s23+$0x4090];
	[tilespmem:s21+$0xA0] =	vst v5;
	v3 =	vadd.f32 v3, v8  }
0x31: {  	v5 =	vld [tilespmem:s23+$0x40A0];
	[tilespmem:s21+$0xB0] =	vst v4;
	v2 =	vadd.f32 v2, v6  }
0x32: {  	v4 =	vld [tilespmem:s23+$0x40B0];
	[tilespmem:s21+$0xC0] =	vst v3;
	v1 =	vadd.f32 v1, v7  }
0x33: {  	v3 =	vld [tilespmem:s23+$0x40C0];
	[tilespmem:s21+$0xD0] =	vst v2;
	v0 =	vadd.f32 v0, v10  }
0x34: {  	v2 =	vld [tilespmem:s23+$0x40D0];
	[tilespmem:s21+$0xE0] =	vst v1  }
0x35: {  	v1 =	vld [tilespmem:s23+$0x40E0];
	[tilespmem:s21+$0xF0] =	vst v0;
	s21 =	smov.u32 s23  }
0x36: {  	v0 =	vld [tilespmem:s21+$0x40F0]  }
0x37: {  	v6 =	vld [tilespmem:s21+$0x80]  }
0x38: {  	v7 =	vld [tilespmem:s21+$0x90]  }
.Ltmp0:
0x39: {  	v10 =	vld [tilespmem:s21+$0xA0];
	(pc) =	sbr.rel @p0 .LBB2_3-.Ltmp0, $4  }
0x3a: {  	v9 =	vld [tilespmem:s21+$0xB0]  }
0x3b: {  	v8 =	vld [tilespmem:s21+$0xC0]  }
0x3c: {  	v12 =	vadd.f32 v12, v6;
	v6 =	vld [tilespmem:s21+$0xD0]  }
0x3d: {  	s22 =	sadd.s32 $0x200, s22;
	v11 =	vadd.f32 v11, v7;
	v7 =	vld [tilespmem:s21+$0xE0]  }
0x3e: {  	[tilespmem:s21+$0x80] =	vst v12;
	v5 =	vadd.f32 v5, v10;
	v63 =	vld [tilespmem:s21+$0xF0]  }
0x3f: {  	[tilespmem:s21+$0x90] =	vst v11;
	v4 =	vadd.f32 v4, v9  }
0x40: {  	[tilespmem:s21+$0xA0] =	vst v5;
	v3 =	vadd.f32 v3, v8  }
0x41: {  	[tilespmem:s21+$0xB0] =	vst v4;
	v2 =	vadd.f32 v2, v6  }
0x42: {  	[tilespmem:s21+$0xC0] =	vst v3;
	v1 =	vadd.f32 v1, v7  }
0x43: {  	s19 =	sadd.s32 $0x1, s19;
	[tilespmem:s21+$0xD0] =	vst v2;
	v0 =	vadd.f32 v0, v63  }
0x44: {  	p0 =	sne.s32 s19, $0x27;
	[tilespmem:s21+$0xE0] =	vst v1  }
.Ltmp1:
0x45: {  	s20 =	sadd.s32 s3, s20;
	[tilespmem:s21+$0xF0] =	vst v0;
	(pc) =	sbr.rel @p0 .LBB2_2-.Ltmp1, $4  }
0x46: {  	[hbm4b:s20+s4] =	stream.linear.scatter [tilespmem:s12], [sflag:$0x3], $0x4000, $0x38;
	[tilespmem:$0x8080] =	vst v63  }
0x47: {  	_ =	swait.ge [sflag:s13], $0x4000  }
0x48: {  	[sflag:s13] =	ssyncset.done $0x0  }
0x49: {  	[sflag:s13] =	ssyncadd.s32 $0xFFFFC000  }
0x4a: {  	[tilespmem:s12], [sflag:$0x2] =	stream.linear.gather [hbm4b:s8+s4], $0x400, $0x38;
	[tilespmem:$0x8080] =	vst v63  }
0x4b: {  	_ = 	snop  }
0x4c: {  	[tilespmem:s4], [sflag:$0x3] =	stream.linear.gather [hbm4b:s9+s4], $0x8, $0x38;
	[tilespmem:$0x8080] =	vst v63  }
0x4d: {  	_ =	swait.ge [sflag:s13], $0x8  }
0x4e: {  	[sflag:s13] =	ssyncset.done $0x0  }
0x4f: {  	[sflag:s13] =	ssyncadd.s32 $0xFFFFFFF8  }
0x50: {  	[tilespmem:s14], [sflag:$0x1] =	stream.indirect.gather [hbm4b:s7+s17], $0x80, s4, s17, $0xb8;
	[tilespmem:$0x8080] =	vst v63  }
0x51: {  	_ =	swait.ge [sflag:s15], $0x400  }
0x52: {  	[sflag:s15] =	ssyncset.done $0x0  }
0x53: {  	[sflag:s15] =	ssyncadd.s32 $0xFFFFFC00  }
0x54: {  	_ =	swait.ge [sflag:s16], $0x400  }
0x55: {  	[sflag:s16] =	ssyncset.done $0x0  }
0x56: {  	[sflag:s16] =	ssyncadd.s32 $0xFFFFFC00  }
0x57: {  	v0 =	vld [tilespmem:$0x80]  }
0x58: {  	v1 =	vld [tilespmem:$0x4080]  }
0x59: {  	v2 =	vld [tilespmem:$0x90]  }
0x5a: {  	v3 =	vld [tilespmem:$0x4090]  }
0x5b: {  	v4 =	vld [tilespmem:$0xA0]  }
0x5c: {  	v5 =	vld [tilespmem:$0x40A0]  }
0x5d: {  	v6 =	vld [tilespmem:$0xB0]  }
0x5e: {  	v7 =	vld [tilespmem:$0x40B0]  }
0x5f: {  	v8 =	vld [tilespmem:$0xC0]  }
0x60: {  	v9 =	vld [tilespmem:$0x40C0]  }
0x61: {  	v10 =	vld [tilespmem:$0xD0]  }
0x62: {  	v11 =	vld [tilespmem:$0x40D0]  }
0x63: {  	v12 =	vld [tilespmem:$0xE0]  }
0x64: {  	v13 =	vld [tilespmem:$0x40E0]  }
0x65: {  	v14 =	vld [tilespmem:$0xF0]  }
0x66: {  	v15 =	vld [tilespmem:$0x40F0]  }
0x67: {  	v16 =	vld [tilespmem:$0x100]  }
0x68: {  	v17 =	vld [tilespmem:$0x4100]  }
0x69: {  	v18 =	vld [tilespmem:$0x110]  }
0x6a: {  	v19 =	vld [tilespmem:$0x4110]  }
0x6b: {  	v20 =	vld [tilespmem:$0x120]  }
0x6c: {  	v21 =	vld [tilespmem:$0x4120]  }
0x6d: {  	v22 =	vld [tilespmem:$0x130]  }
0x6e: {  	v23 =	vld [tilespmem:$0x4130]  }
0x6f: {  	v24 =	vld [tilespmem:$0x140]  }
0x70: {  	v25 =	vld [tilespmem:$0x4140]  }
0x71: {  	v26 =	vld [tilespmem:$0x150]  }
0x72: {  	v27 =	vld [tilespmem:$0x4150]  }
0x73: {  	v28 =	vld [tilespmem:$0x160]  }
0x74: {  	v29 =	vld [tilespmem:$0x4160]  }
0x75: {  	v30 =	vld [tilespmem:$0x170]  }
0x76: {  	v31 =	vld [tilespmem:$0x4170]  }
0x77: {  	v32 =	vld [tilespmem:$0x180]  }
0x78: {  	v33 =	vld [tilespmem:$0x4180]  }
0x79: {  	v34 =	vld [tilespmem:$0x190]  }
0x7a: {  	v35 =	vld [tilespmem:$0x4190]  }
0x7b: {  	v36 =	vld [tilespmem:$0x1A0]  }
0x7c: {  	v37 =	vld [tilespmem:$0x41A0]  }
0x7d: {  	v38 =	vld [tilespmem:$0x1B0]  }
0x7e: {  	v39 =	vld [tilespmem:$0x41B0]  }
0x7f: {  	v40 =	vld [tilespmem:$0x1C0]  }
0x80: {  	v41 =	vld [tilespmem:$0x41C0]  }
0x81: {  	v42 =	vld [tilespmem:$0x1D0]  }
0x82: {  	v43 =	vld [tilespmem:$0x41D0]  }
0x83: {  	v44 =	vld [tilespmem:$0x1E0]  }
0x84: {  	v45 =	vld [tilespmem:$0x41E0]  }
0x85: {  	v46 =	vld [tilespmem:$0x1F0]  }
0x86: {  	v47 =	vld [tilespmem:$0x41F0]  }
0x87: {  	v48 =	vld [tilespmem:$0x200]  }
0x88: {  	v49 =	vld [tilespmem:$0x4200]  }
0x89: {  	v50 =	vld [tilespmem:$0x210]  }
0x8a: {  	v51 =	vld [tilespmem:$0x4210]  }
0x8b: {  	v52 =	vld [tilespmem:$0x220]  }
0x8c: {  	v53 =	vld [tilespmem:$0x4220]  }
0x8d: {  	v54 =	vld [tilespmem:$0x230]  }
0x8e: {  	v55 =	vld [tilespmem:$0x4230]  }
0x8f: {  	v56 =	vld [tilespmem:$0x240]  }
0x90: {  	v57 =	vld [tilespmem:$0x4240]  }
0x91: {  	v58 =	vld [tilespmem:$0x250]  }
0x92: {  	v62 =	vld [tilespmem:$0x270]  }
0x93: {  	v59 =	vld [tilespmem:$0x4250]  }
0x94: {  	v60 =	vld [tilespmem:$0x260]  }
0x95: {  	v61 =	vld [tilespmem:$0x4260]  }
0x96: {  	v63 =	vld [tilespmem:$0x4270]  }
0x97: {  	[tilespmem:$0x1FFA0] =	vst v62;
	v62 =	vld [tilespmem:$0x280]  }
0x98: {  	v0 =	vadd.f32 v1, v0;
	v1 =	vld [tilespmem:$0x42A0]  }
0x99: {  	v2 =	vadd.f32 v3, v2;
	v3 =	vld [tilespmem:$0x2B0]  }
0x9a: {  	v9 =	vadd.f32 v9, v8;
	v8 =	vld [tilespmem:$0x42D0]  }
0x9b: {  	v13 =	vadd.f32 v13, v12;
	v12 =	vld [tilespmem:$0x42F0]  }
0x9c: {  	v15 =	vadd.f32 v15, v14;
	v14 =	vld [tilespmem:$0x4300]  }
0x9d: {  	v17 =	vadd.f32 v17, v16;
	v16 =	vld [tilespmem:$0x4310]  }
0x9e: {  	v19 =	vadd.f32 v19, v18;
	v18 =	vld [tilespmem:$0x4320]  }
0x9f: {  	v23 =	vadd.f32 v23, v22;
	v22 =	vld [tilespmem:$0x4340];
	[tilespmem:$0x80] =	vst v0  }
0xa0: {  	v25 =	vadd.f32 v25, v24;
	v24 =	vld [tilespmem:$0x4350];
	[tilespmem:$0x90] =	vst v2  }
0xa1: {  	v21 =	vadd.f32 v21, v20;
	v27 =	vadd.f32 v27, v26;
	v26 =	vld [tilespmem:$0x4360];
	[tilespmem:$0xC0] =	vst v9  }
0xa2: {  	v31 =	vadd.f32 v31, v30;
	v30 =	vadd.f32 v45, v44;
	v45 =	vld [tilespmem:$0x43B0];
	[tilespmem:$0xE0] =	vst v13  }
0xa3: {  	v33 =	vadd.f32 v33, v32;
	v32 =	vadd.f32 v49, v48;
	v49 =	vld [tilespmem:$0x43C0];
	[tilespmem:$0xF0] =	vst v15  }
0xa4: {  	v35 =	vadd.f32 v35, v34;
	v34 =	vadd.f32 v53, v52;
	v53 =	vld [tilespmem:$0x43D0];
	[tilespmem:$0x100] =	vst v17  }
0xa5: {  	v37 =	vadd.f32 v37, v36;
	v36 =	vadd.f32 v57, v56;
	v57 =	vld [tilespmem:$0x43E0];
	[tilespmem:$0x110] =	vst v19  }
0xa6: {  	v0 =	vadd.f32 v5, v4;
	v4 =	vld [tilespmem:$0x42B0];
	[tilespmem:$0x120] =	vst v21  }
0xa7: {  	v5 =	vld [tilespmem:$0x2C0];
	[tilespmem:$0x130] =	vst v23  }
0xa8: {  	v29 =	vadd.f32 v29, v28;
	v9 =	vld [tilespmem:$0x2E0];
	[tilespmem:$0x140] =	vst v25  }
0xa9: {  	v13 =	vld [tilespmem:$0x300];
	[tilespmem:$0x150] =	vst v27  }
0xaa: {  	v15 =	vld [tilespmem:$0x310];
	[tilespmem:$0x160] =	vst v29  }
0xab: {  	v17 =	vld [tilespmem:$0x320];
	[tilespmem:$0x170] =	vst v31  }
0xac: {  	v19 =	vld [tilespmem:$0x330];
	[tilespmem:$0x180] =	vst v33  }
0xad: {  	v28 =	vadd.f32 v41, v40;
	[tilespmem:$0x190] =	vst v35;
	v21 =	vld [tilespmem:$0x340]  }
0xae: {  	[tilespmem:$0x1A0] =	vst v37;
	v23 =	vld [tilespmem:$0x350]  }
0xaf: {  	[tilespmem:$0x1C0] =	vst v28;
	v25 =	vld [tilespmem:$0x360]  }
0xb0: {  	[tilespmem:$0x1E0] =	vst v30;
	v28 =	vld [tilespmem:$0x4370]  }
0xb1: {  	[tilespmem:$0x200] =	vst v32;
	v30 =	vld [tilespmem:$0x4380]  }
0xb2: {  	[tilespmem:$0x220] =	vst v34;
	v32 =	vld [tilespmem:$0x4390]  }
0xb3: {  	v27 =	vadd.f32 v39, v38;
	[tilespmem:$0x240] =	vst v36;
	v39 =	vld [tilespmem:$0x1FFA0]  }
0xb4: {  	v34 =	vld [tilespmem:$0x43A0];
	[tilespmem:$0xA0] =	vst v0  }
0xb5: {  	v29 =	vadd.f32 v43, v42;
	v31 =	vadd.f32 v47, v46;
	v47 =	vld [tilespmem:$0x3C0];
	[tilespmem:$0x1B0] =	vst v27  }
0xb6: {  	[tilespmem:$0x1FFB0] =	vst v62;
	v62 =	vld [tilespmem:$0x4280]  }
0xb7: {  	v33 =	vadd.f32 v51, v50;
	v51 =	vld [tilespmem:$0x3D0];
	[tilespmem:$0x1D0] =	vst v29  }
0xb8: {  	v35 =	vadd.f32 v55, v54;
	v55 =	vld [tilespmem:$0x3E0];
	[tilespmem:$0x1F0] =	vst v31  }
0xb9: {  	v37 =	vadd.f32 v59, v58;
	v59 =	vld [tilespmem:$0x3F0];
	[tilespmem:$0x210] =	vst v33  }
0xba: {  	v38 =	vadd.f32 v61, v60;
	v61 =	vld [tilespmem:$0x43F0];
	[tilespmem:$0x230] =	vst v35  }
0xbb: {  	[tilespmem:$0x1FFC0] =	vst v62;
	v62 =	vld [tilespmem:$0x290]  }
0xbc: {  	v27 =	vld [tilespmem:$0x370];
	[tilespmem:$0x250] =	vst v37;
	v2 =	vadd.f32 v63, v39  }
0xbd: {  	v29 =	vld [tilespmem:$0x380];
	[tilespmem:$0x260] =	vst v38;
	v46 =	vadd.f32 v4, v3  }
0xbe: {  	v31 =	vld [tilespmem:$0x390];
	[tilespmem:$0x270] =	vst v2  }
0xbf: {  	v33 =	vld [tilespmem:$0x3A0];
	v56 =	vadd.f32 v14, v13;
	[tilespmem:$0x2B0] =	vst v46  }
0xc0: {  	v58 =	vadd.f32 v16, v15;
	[tilespmem:$0x1FFD0] =	vst v62;
	v62 =	vld [tilespmem:$0x4290]  }
0xc1: {  	v35 =	vld [tilespmem:$0x3B0];
	v60 =	vadd.f32 v18, v17;
	[tilespmem:$0x300] =	vst v56  }
0xc2: {  	v37 =	vld [tilespmem:$0x420];
	v21 =	vadd.f32 v22, v21;
	[tilespmem:$0x310] =	vst v58  }
0xc3: {  	v40 =	vld [tilespmem:$0x1FFB0];
	[tilespmem:$0x320] =	vst v60  }
0xc4: {  	v23 =	vadd.f32 v24, v23;
	[tilespmem:$0x340] =	vst v21;
	v41 =	vld [tilespmem:$0x1FFC0]  }
0xc5: {  	v25 =	vadd.f32 v26, v25;
	[tilespmem:$0x1FFE0] =	vst v62;
	v62 =	vld [tilespmem:$0x2A0]  }
0xc6: {  	[tilespmem:$0x350] =	vst v23;
	v36 =	vadd.f32 v28, v27;
	v42 =	vld [tilespmem:$0x1FFD0]  }
0xc7: {  	[tilespmem:$0x360] =	vst v25;
	v38 =	vadd.f32 v30, v29;
	v43 =	vld [tilespmem:$0x1FFE0]  }
0xc8: {  	v63 =	vld [tilespmem:$0x400];
	[tilespmem:$0x370] =	vst v36  }
0xc9: {  	v22 =	vld [tilespmem:$0x4400];
	[tilespmem:$0x380] =	vst v38;
	v0 =	vadd.f32 v41, v40  }
0xca: {  	v40 =	vadd.f32 v32, v31;
	[tilespmem:$0x1FFF0] =	vst v62;
	v62 =	vadd.f32 v7, v6;
	v6 =	vld [tilespmem:$0x42C0]  }
0xcb: {  	[tilespmem:$0x280] =	vst v0;
	v7 =	vld [tilespmem:$0x2D0]  }
0xcc: {  	[tilespmem:$0x390] =	vst v40;
	v2 =	vadd.f32 v43, v42;
	v44 =	vld [tilespmem:$0x1FFF0]  }
0xcd: {  	v24 =	vld [tilespmem:$0x410];
	v42 =	vadd.f32 v34, v33;
	[tilespmem:$0xB0] =	vst v62  }
0xce: {  	v26 =	vld [tilespmem:$0x4410];
	v62 =	vadd.f32 v11, v10;
	[tilespmem:$0x290] =	vst v2  }
0xcf: {  	v39 =	vld [tilespmem:$0x4420];
	[tilespmem:$0x3A0] =	vst v42;
	v48 =	vadd.f32 v6, v5  }
0xd0: {  	v46 =	vld [tilespmem:$0x4440];
	[tilespmem:$0xD0] =	vst v62;
	v50 =	vadd.f32 v8, v7  }
0xd1: {  	v56 =	vld [tilespmem:$0x470];
	v0 =	vadd.f32 v1, v44;
	[tilespmem:$0x2C0] =	vst v48  }
0xd2: {  	v58 =	vld [tilespmem:$0x4470];
	v1 =	vadd.f32 v45, v35;
	[tilespmem:$0x2D0] =	vst v50  }
0xd3: {  	v41 =	vld [tilespmem:$0x430];
	v45 =	vadd.f32 v49, v47;
	[tilespmem:$0x2A0] =	vst v0  }
0xd4: {  	v10 =	vld [tilespmem:$0x42E0];
	v47 =	vadd.f32 v53, v51;
	[tilespmem:$0x3B0] =	vst v1  }
0xd5: {  	v11 =	vld [tilespmem:$0x2F0];
	v49 =	vadd.f32 v57, v55;
	[tilespmem:$0x3C0] =	vst v45  }
0xd6: {  	v43 =	vld [tilespmem:$0x4430];
	v51 =	vadd.f32 v61, v59;
	[tilespmem:$0x3D0] =	vst v47  }
0xd7: {  	v62 =	vld [tilespmem:$0x4330];
	v53 =	vadd.f32 v22, v63;
	[tilespmem:$0x3E0] =	vst v49  }
0xd8: {  	v44 =	vld [tilespmem:$0x440];
	v55 =	vadd.f32 v26, v24;
	[tilespmem:$0x3F0] =	vst v51  }
0xd9: {  	v52 =	vadd.f32 v10, v9;
	v48 =	vld [tilespmem:$0x450];
	[tilespmem:$0x400] =	vst v53  }
0xda: {  	v54 =	vadd.f32 v12, v11;
	v50 =	vld [tilespmem:$0x4450];
	[tilespmem:$0x410] =	vst v55  }
0xdb: {  	v57 =	vadd.f32 v39, v37;
	[tilespmem:$0x2E0] =	vst v52;
	v52 =	vld [tilespmem:$0x460]  }
0xdc: {  	v59 =	vadd.f32 v43, v41;
	[tilespmem:$0x2F0] =	vst v54;
	v54 =	vld [tilespmem:$0x4460]  }
0xdd: {  	v63 =	vadd.f32 v58, v56;
	[tilespmem:$0x420] =	vst v57  }
0xde: {  	[tilespmem:$0x430] =	vst v59;
	v62 =	vadd.f32 v62, v19  }
0xdf: {  	[tilespmem:$0x470] =	vst v63;
	v60 =	vadd.f32 v46, v44  }
0xe0: {  	[tilespmem:$0x330] =	vst v62;
	v61 =	vadd.f32 v50, v48  }
0xe1: {  	s18 =	sadd.s32 $0x1, s18;
	[tilespmem:$0x440] =	vst v60;
	v62 =	vadd.f32 v54, v52  }
0xe2: {  	p0 =	sne.s32 s18, s11;
	[tilespmem:$0x450] =	vst v61  }
.Ltmp2:
0xe3: {  	[tilespmem:$0x460] =	vst v62;
	(pc) =	sbr.rel @p0 .LBB2_1-.Ltmp2, $4  }
0xe4: {  	[hbm4b:s10+s4] =	stream.linear.scatter [tilespmem:s12], [sflag:$0x3], $0x400, $0x38;
	[tilespmem:$0x8080] =	vst v63  }
0xe5: {  	_ =	swait.ge [sflag:s13], $0x400  }
0xe6: {  	[sflag:s13] =	ssyncset.done $0x0  }
0xe7: {  	[sflag:s13] =	ssyncadd.s32 $0xFFFFFC00  }
0xe8: {  	_ =	sfence.sel $0x180000  }
0xe9: {  	[bflag:$0x0] =	sbarrier.arrive $0xFFFF  }
0xea: {  	p0 =	sne.s32 s0, $0x0;
	_ =	strace $0x9000004D  }
0xeb: {  	s0 =	sadd.s32 @!p0 $0x100000, s1;
	[bflag:$0x2] =	sbarrier.arrive $0xFFFF  }
0xec: {  	[sflag:s0] =	ssyncadd.tile.s32 @!p0 $0x1;
	_ =	shalt  }
.Lfunc_end2:
_tile_overlayer_lowered:
.L_overlay_start_2:
0xed: {  	(tag) =	ssettag $0x2  }
0xee: {  	s0 =	rddreg [dreg:$0x0];
	s2 =	stileid.u32  }
0xef: {  	s1 =	rddreg [dreg:$0x1];
	p0 =	sne.s32 s2, $0x0  }
0xf0: {  	s3 =	rddreg [dreg:$0x2];
	[bflag:$0x3] =	sbarrier.arrive $0xFFFF;
	s2 =	simm.s32 @!p0 $0x1C03  }
0xf1: {  	[timem:s3], [sflag:s2] =	dma.local @!p0 [hbm:s0], s1  }
0xf2: {  	s0 =	simm.s32 @!p0 $0x3  }
0xf3: {  	_ =	swait.ge @!p0 [sflag:s0], s1  }
0xf4: {  	s1 =	ssub.s32 @!p0 $0x0, s1;
	[sflag:s0] =	ssyncset.done @!p0 $0x0  }
0xf5: {  	[sflag:s0] =	ssyncadd.s32 @!p0 s1  }
0xf6: {  	[bflag:$0x3] =	sbarrier.arrive $0xFFFF  }
0xf7: {  	_ =	shalt  }

// kernel: kernel.7.cloned.1.call-start
scs
__scs_entry_jumppad:
0x0: {  	(pc) =	sbr.rel $0x88, $3  }
0x1: {  	(tag) =	ssettag $0x0;
	lr =	simm.s32 $0x1  }
0x2: {  	[smem:$0x3F99] =	sst lr;
	_ =	strace $0xD0000000  }
0x3: {  	_ = 	snop  }
0x4: {  	_ = 	snop  }
0x5: {  	_ = 	snop  }
0x6: {  	_ = 	snop  }
0x7: {  	_ = 	snop  }
__scs_overlays_trampoline_lowered:
0x8: {  	[smem:$0x3FA8] =	sst s0  }
0x9: {  	[smem:$0x3FA9] =	sst s1  }
0xa: {  	[smem:$0x3FAA] =	sst s2  }
0xb: {  	[smem:$0x3FAB] =	sst s3  }
0xc: {  	[smem:$0x3FAC] =	sst s4  }
0xd: {  	[smem:$0x3FAD] =	sst s5  }
0xe: {  	[smem:$0x3FAE] =	sst s6  }
0xf: {  	[smem:$0x3FAF] =	sst s7  }
0x10: {  	[smem:$0x3FB0] =	sst s8  }
0x11: {  	[smem:$0x3FB1] =	sst s9;
	s0 =	simm.s32 @!p0 $0x0  }
0x12: {  	s1 =	sld [smem:$0x3F97];
	s0 =	simm.s32 @p0 $0x1  }
0x13: {  	[smem:$0x3FB2] =	sst s0;
	s0 =	simm.s32 @!p1 $0x0  }
0x14: {  	s2 =	sld [smem:$0x3F96];
	s0 =	simm.s32 @p1 $0x1  }
0x15: {  	[smem:$0x3FB3] =	sst s0;
	s0 =	simm.s32 @!p2 $0x0  }
0x16: {  	s3 =	sld [smem:$0x3FDB];
	s0 =	simm.s32 @p2 $0x1  }
0x17: {  	s4 =	simm.s32 $0x1BF5;
	[smem:$0x3FB5] =	sst s0  }
0x18: {  	s0 =	sld [smem:$0x3F98];
	_ =	swait.ge [sflag:s4], $0x0  }
0x19: {  	s7 =	sld [smem:$0x3F99]  }
0x1a: {  	s8 =	sadd.s32 $0xFFFFE003, lr  }
0x1b: {  	s9 =	sadd.s32 $0xFFFFFEF7, lr;
	s5 =	simm.s32 $0xFFFFFFFF;
	p2 =	slt.u32 s8, $0xFFFFF086  }
0x1c: {  	p1 =	slt.u32 s9, $0xF7A;
	s5 =	simm.s32 @!p2 $0x0  }
0x1d: {  	s5 =	simm.s32 @p1 $0x1;
	p0 =	seq.s32 s7, s2  }
0x1e: {  	s7 =	smul.u32 @!p0 $0xF7A, s2;
	p2 =	seq.s32 @!p0 s5, $0x0  }
0x1f: {  	s9 =	smul.u32 $0xF7A, s1;
	s8 =	simm.s32 @!p0 $0x1BF5;
	p2 =	por !p2, p0  }
0x20: {  	[sflag:s8] =	ssyncset.s32 @!p0 $0xFFFFF086;
	s6 =	sadd.s32 @!p0 s3, s7;
	s7 =	simm.s32 @!p0 $0x108  }
0x21: {  	s3 =	sadd.s32 s3, s9;
	s6 =	sadd.s32 @!p0 $0x88, s6;
	s7 =	simm.s32 @p2 $0x1082  }
0x22: {  	[simem:s7], [sflag:s8] =	dma.local @!p0 [hbm:s6], $0xF7A  }
0x23: {  	s9 =	sor.u32 $0xD0000000, s2;
	s6 =	simm.s32 $0x108;
	_ =	swait.ge @!p0 [sflag:s8], $0x0  }
0x24: {  	s3 =	sadd.s32 $0x88, s3;
	s6 =	simm.s32 @!p1 $0x1082;
	[sflag:s4] =	ssyncset.s32 $0xFFFFF086  }
0x25: {  	[simem:s6], [sflag:s4] =	dma.local [hbm:s3], $0xF7A  }
0x26: {  	[smem:$0x3F99] =	sst s1;
	(tag) =	ssettag s2;
	_ =	strace s9  }
0x27: {  	s1 =	sld [smem:$0x3FA9]  }
0x28: {  	s2 =	sld [smem:$0x3FAA]  }
0x29: {  	s4 =	sld [smem:$0x3FAC]  }
0x2a: {  	p0 =	seq.s32 s5, $0x0;
	s5 =	sld [smem:$0x3FAD]  }
0x2b: {  	s6 =	sld [smem:$0x3FAE]  }
0x2c: {  	s7 =	sld [smem:$0x3FAF]  }
0x2d: {  	s3 =	simm.s32 $0x108;
	s8 =	sld [smem:$0x3FB0]  }
0x2e: {  	s3 =	simm.s32 @!p0 $0x1082;
	s9 =	sld [smem:$0x3FB1]  }
0x2f: {  	lr =	sadd.s32 s0, s3;
	s0 =	sld [smem:$0x3FA8]  }
0x30: {  	s3 =	sld [smem:$0x3FAB]  }
0x31: {  	[smem:$0x3FB4] =	sst s10  }
0x32: {  	s10 =	sld [smem:$0x3FB2];
	_ =	sdelay $0x3  }
0x33: {  	p0 =	seq.s32 s10, $0x1;
	s10 =	sld [smem:$0x3FB4];
	_ =	sdelay $0x3  }
0x34: {  	[smem:$0x3FB4] =	sst s10  }
0x35: {  	s10 =	sld [smem:$0x3FB3];
	_ =	sdelay $0x3  }
0x36: {  	p1 =	seq.s32 s10, $0x1;
	s10 =	sld [smem:$0x3FB4];
	_ =	sdelay $0x3  }
0x37: {  	[smem:$0x3FB4] =	sst s10  }
0x38: {  	s10 =	sld [smem:$0x3FB5]  }
0x39: {  	_ = 	snop;
	(pc) =	sbr.ind lr, $3  }
0x3a: {  	_ = 	snop  }
0x3b: {  	_ = 	snop  }
0x3c: {  	p2 =	seq.s32 s10, $0x1;
	s10 =	sld [smem:$0x3FB4]  }
0x3d: {  	_ =	shalt  }
0x3e: {  	_ =	shalt  }
0x3f: {  	_ =	shalt  }
0x40: {  	_ =	shalt  }
0x41: {  	_ =	shalt  }
0x42: {  	_ =	shalt  }
0x43: {  	_ =	shalt  }
0x44: {  	_ =	shalt  }
0x45: {  	_ =	shalt  }
0x46: {  	_ =	shalt  }
0x47: {  	_ =	shalt  }
0x48: {  	_ =	shalt  }
0x49: {  	_ =	shalt  }
0x4a: {  	_ =	shalt  }
0x4b: {  	_ =	shalt  }
0x4c: {  	_ =	shalt  }
0x4d: {  	_ =	shalt  }
0x4e: {  	_ =	shalt  }
0x4f: {  	_ =	shalt  }
0x50: {  	_ =	shalt  }
0x51: {  	_ =	shalt  }
0x52: {  	_ =	shalt  }
0x53: {  	_ =	shalt  }
0x54: {  	_ =	shalt  }
0x55: {  	_ =	shalt  }
0x56: {  	_ =	shalt  }
0x57: {  	_ =	shalt  }
0x58: {  	_ =	shalt  }
0x59: {  	_ =	shalt  }
0x5a: {  	_ =	shalt  }
0x5b: {  	_ =	shalt  }
0x5c: {  	_ =	shalt  }
0x5d: {  	_ =	shalt  }
0x5e: {  	_ =	shalt  }
0x5f: {  	_ =	shalt  }
0x60: {  	_ =	shalt  }
0x61: {  	_ =	shalt  }
0x62: {  	_ =	shalt  }
0x63: {  	_ =	shalt  }
0x64: {  	_ =	shalt  }
0x65: {  	_ =	shalt  }
0x66: {  	_ =	shalt  }
0x67: {  	_ =	shalt  }
0x68: {  	_ =	shalt  }
0x69: {  	_ =	shalt  }
0x6a: {  	_ =	shalt  }
0x6b: {  	_ =	shalt  }
0x6c: {  	_ =	shalt  }
0x6d: {  	_ =	shalt  }
0x6e: {  	_ =	shalt  }
0x6f: {  	_ =	shalt  }
0x70: {  	_ =	shalt  }
0x71: {  	_ =	shalt  }
0x72: {  	_ =	shalt  }
0x73: {  	_ =	shalt  }
0x74: {  	_ =	shalt  }
0x75: {  	_ =	shalt  }
0x76: {  	_ =	shalt  }
0x77: {  	_ =	shalt  }
0x78: {  	_ =	shalt  }
0x79: {  	_ =	shalt  }
0x7a: {  	_ =	shalt  }
0x7b: {  	_ =	shalt  }
0x7c: {  	_ =	shalt  }
0x7d: {  	_ =	shalt  }
0x7e: {  	_ =	shalt  }
0x7f: {  	_ =	shalt  }
0x80: {  	_ =	shalt  }
0x81: {  	_ =	shalt  }
0x82: {  	_ =	shalt  }
0x83: {  	_ =	shalt  }
0x84: {  	_ =	shalt  }
0x85: {  	_ =	shalt  }
0x86: {  	_ =	shalt  }
0x87: {  	_ =	shalt  }
.Lfunc_end0:
.L_simem_size_0:
called_computation_lowered:
.L_overlay_start_0:
0x88: {  	s2 =	sld [smem:$0x3FD9]  }
0x89: {  	s3 =	sld [smem:$0x3FFE];
	_ =	sdelay $0x1  }
0x8a: {  	s1 =	srdreg.scid  }
0x8b: {  	s0 =	sand.u32 $0x1, s1  }
0x8c: {  	s17 =	sshll.u32 s0, $0xA;
	s2 =	sadd.s32 s3, s2  }
0x8d: {  	s2 =	sadd.s32 s2, s17  }
0x8e: {  	[smem:$0x3FC0] =	sst s2  }
0x8f: {  	_ = 	snop  }
0x90: {  	s2 =	sld [smem:$0x3FC9]  }
0x91: {  	s18 =	sld [smem:$0x3FC8]  }
0x92: {  	s4 =	sld [smem:$0x3FD0];
	(tm) =	ssettm $0x1  }
0x93: {  	s5 =	sld [smem:$0x3FFB];
	_ =	sdelay $0x3  }
0x94: {  	_ =	strace s5  }
0x95: {  	s5 =	sld [smem:$0x3FFC];
	_ =	sdelay $0x3  }
0x96: {  	_ =	strace s5  }
0x97: {  	s5 =	sld [smem:$0x3FFD];
	_ =	sdelay $0x3  }
0x98: {  	_ =	strace s5  }
0x99: {  	_ =	strace $0x8FFFFFFF  }
0x9a: {  	s19 =	sld [smem:$0x3FDB];
	_ =	sdelay $0x1  }
0x9b: {  	s6 =	simm.s32 $_scs_section_size  }
0x9c: {  	s7 =	simm.s32 $_size__tile_overlayer_lowered;
	s8 =	simm.s32 $_tile_overlayer_lowered  }
0x9d: {  	s22 =	simm.s32 $0x1BFF;
	s21 =	sshll.u32 s8, $0x1;
	s5 =	sadd.s32 s6, s19  }
0x9e: {  	s9 =	simm.s32 $0x0;
	s20 =	sshll.u32 s7, $0x1;
	s7 =	sadd.s32 s21, s5  }
0x9f: {  	[timem:s9], [sflag:s22] =	dma.local [hbm:s7], s20  }
0xa0: {  	_ =	swait.ge [sflag:s22], s20  }
0xa1: {  	s6 =	ssub.s32 $0x0, s20;
	[sflag:s22] =	ssyncset.done $0x0  }
0xa2: {  	[sflag:s22] =	ssyncadd.s32 s6;
	_ =	sdelay $0x1  }
0xa3: {  	s23 =	simm.s32 $0x1B8B  }
0xa4: {  	_ =	swait.ge [sflag:s23], $0x1  }
0xa5: {  	[sflag:s23] =	ssyncset.done $0x0  }
0xa6: {  	s25 =	simm.s32 $0x1B8E;
	s24 =	sld [smem:$0x3FFE];
	[sflag:s23] =	ssyncadd.s32 $0xFFFFFFFF  }
0xa7: {  	s26 =	simm.s32 $execute0_lowered;
	[smem:$0x3FD2] =	sst s25  }
0xa8: {  	s7 =	sshll.u32 s26, $0x1;
	_ =	strace $0x80000046;
	[dreg:$0x1] =	wrdreg $0xFFFFFFFF  }
0xa9: {  	s28 =	simm.s32 $_size_execute0_lowered;
	s5 =	sadd.s32 s5, s7;
	[dreg:$0x0] =	wrdreg $0x0  }
0xaa: {  	s7 =	sshll.u32 s28, $0x1;
	[dreg:$0x2] =	wrdreg s5  }
0xab: {  	[dreg:$0x3] =	wrdreg s7  }
0xac: {  	[dreg:$0x4] =	wrdreg $0xC0  }
0xad: {  	_ =	task [dreg:s9], $0x5FFFF  }
0xae: {  	[dreg:$0x1] =	wrdreg $0xFFFFFFFF  }
0xaf: {  	[dreg:$0x0] =	wrdreg $0x60  }
0xb0: {  	[dreg:$0x2] =	wrdreg s2  }
0xb1: {  	[dreg:$0x3] =	wrdreg s18  }
0xb2: {  	[dreg:$0x4] =	wrdreg s4  }
0xb3: {  	[dreg:$0x5] =	wrdreg s24  }
0xb4: {  	[dreg:$0x6] =	wrdreg $0x9  }
0xb5: {  	_ =	task.clear_ibuf [dreg:s9], $0x7FFFF;
	_ =	strace $0x90000046  }
0xb6: {  	s29 =	simm.s32 $0x9;
	_ =	strace $0x80000048  }
0xb7: {  	_ =	swait.ge [sflag:s29], $0x1  }
0xb8: {  	[sflag:s29] =	ssyncadd.s32 $0xFFFFFFFF  }
0xb9: {  	_ =	strace $0x90000048  }
0xba: {  	_ =	sfence  }
0xbb: {  	s30 =	sld [smem:$0x0];
	_ =	sdelay $0x2  }
0xbc: {  	s31 =	sshll.u32 s1, $0xD;
	s1 =	sshrl.u32 s1, $0x2  }
0xbd: {  	s3 =	sand.u32 $0x4000, s31;
	s1 =	sadd.s32 s1, s30  }
0xbe: {  	s0 =	sor.u32 s3, s0;
	s1 =	sshll.u32 s1, $0x11  }
0xbf: {  	s0 =	sor.u32 s1, s0  }
0xc0: {  	s0 =	sadd.s32 $0x8F2B, s0  }
0xc1: {  	[sflag:s0] =	ssyncadd.remote.s32 $0x1  }
0xc2: {  	_ =	sfence.sel $0xFFFF  }
0xc3: {  	[dreg:$0x0] =	wrdreg $0xFFFFFFFF;
	(pc) =	sbr.abs _section_cstart, $3  }
0xc4: {  	[dreg:$0x1] =	wrdreg $0xFFFFFFFF  }
0xc5: {  	_ =	task.clear_ibuf [dreg:s9], $0x2FFFF;
	_ =	strace $0x9FFFFFFF  }
0xc6: {  	(tm) =	ssettm $0x7FFFFFFF  }
0xc7: {  	_ =	shalt  }
tec
execute0_lowered:
.L_overlay_start_1:
0x0: {  	(tag) =	ssettag $0x1  }
0x1: {  	s1 =	rddreg [dreg:$0x0]  }
0x2: {  	s2 =	rddreg [dreg:$0x1]  }
0x3: {  	s4 =	rddreg [dreg:$0x2];
	s3 =	srdreg.scid  }
0x4: {  	s0 =	stileid.u32;
	s7 =	rddreg [dreg:$0x3]  }
0x5: {  	s5 =	simm.s32 $0x0;
	s12 =	simm.s32 $0x2;
	s13 =	simm.s32 $0x6400  }
0x6: {  	s14 =	simm.s32 $0x1;
	s15 =	simm.s32 $0xA600;
	s16 =	simm.s32 $0xA700  }
0x7: {  	s17 =	simm.s32 $0x80;
	s18 =	simm.s32 $0xA500;
	s19 =	simm.s32 $0x6500  }
0x8: {  	s20 =	simm.s32 $0x0;
	s8 =	sand.u32 $0x1, s3;
	s6 =	sshll.u32 s0, $0x1  }
0x9: {  	[smem:$0x7FF] =	sst s5;
	s9 =	sor.u32 s8, s6;
	s8 =	ssub.s32 $0x2, s8  }
0xa: {  	v0 =	vlaneseq.u32;
	vm0 =	vcmask $0x300;
	vm1 =	vcmask $0x704;
	s6 =	smul.u32 $0x1388, s9;
	s9 =	sshll.u32 s9, $0x5;
	s31 =	sshrl.u32 s8, $0x1  }
0xb: {  	vm2 =	vcmask $0xB08;
	v1 =	vadd.s32 $0x1, v0;
	v2 =	vadd.s32 $0x11, v0;
	_ =	strace $0x80000047;
	s9 =	sadd.s32 s9, s7;
	s11 =	ssub.s32 s8, s31  }
0xc: {  	v3 =	vadd.s32 $0x21, v0;
	v4 =	vadd.s32 $0x31, v0;
	v5 =	vadd.s32 $0x41, v0;
	s10 =	sshrl.u32 s6, $0x3;
	s8 =	sadd.s32 $0x2400, s9;
	s9 =	sadd.s32 $0x2800, s9  }
0xd: {  	v6 =	vadd.s32 $0x51, v0;
	v7 =	vadd.s32 $0x61, v0;
	v8 =	vadd.s32 $0x71, v0;
	s7 =	sadd.s32 s2, s10;
	s10 =	smax.u32 s11, $0x1;
	s11 =	simm.s32 $0xA580  }
.LBB2_1:
0xe: {  	[tilespmem:s11], [sflag:$0x2] =	stream.linear.gather [hbm4b:s7+s5], $0x10, $0x38;
	[tilespmem:$0xA800] =	vst v63  }
0xf: {  	_ =	swait.ge [sflag:s12], $0x10  }
0x10: {  	[sflag:s12] =	ssyncset.done $0x0  }
0x11: {  	[sflag:s12] =	ssyncadd.s32 $0xFFFFFFF0  }
0x12: {  	v9 =	vld [tilespmem:$0xA580];
	_ =	sdelay $0x4  }
0x13: {  	(v2sf) =	vpush v9, $0x0;
	_ =	sdelay $0x9  }
0x14: {  	v14 =	vimm.s32 $0x0;
	v10 =	vimm.f32 $0.0e+00  }
0x15: {  	v11 =	vimm.f32 $0.0e+00;
	v12 =	vimm.f32 $0.0e+00;
	v13 =	vimm.f32 $0.0e+00  }
0x16: {  	v15 =	vimm.f32 $0.0e+00;
	v16 =	vimm.f32 $0.0e+00;
	v17 =	vimm.f32 $0.0e+00  }
0x17: {  	s28 =	simm.s32 $0xFFFFFFFF;
	v22 =	vimm.f32 $0.0e+00;
	v18 =	vimm.f32 $0.0e+00;
	p0 =	por $0x0, $0x0;
	v19 =	vimm.f32 $0.0e+00  }
0x18: {  	p1 =	por $0x1, $0x1;
	s23 =	simm.f32 $0.0e+00;
	v23 =	vimm.f32 $0.0e+00;
	v25 =	vimm.f32 $0.0e+00;
	v20 =	vimm.f32 $0.0e+00;
	s21 =	simm.s32 $0x0  }
0x19: {  	v26 =	vimm.f32 $0.0e+00;
	v21 =	vimm.f32 $0.0e+00;
	s24 =	simm.f32 $0.0e+00;
	s25 =	simm.s32 $0x0;
	v9 =	vimm.f32 $0.0e+00;
	s22 =	spop (v2sf)  }
.LBB2_2:
0x1a: {  	s26 =	smul.u32 $0xC8, s25;
	_ =	sdelay $0x1  }
0x1b: {  	s26 =	sadd.s32 s6, s26  }
0x1c: {  	s29 =	sshll.u32 s26, $0x4  }
0x1d: {  	s30 =	simm.s32 $0x0;
	s29 =	sadd.s32 s1, s29  }
0x1e: {  	[tilespmem:s30], [sflag:$0x2] =	stream.linear.gather [hbm4b:s29+s30], $0x6400, $0x38;
	[tilespmem:$0xA800] =	vst v63  }
0x1f: {  	_ =	swait.ge [sflag:s12], $0x6400  }
0x20: {  	s26 =	sshrl.u32 s26, $0x3;
	[sflag:s12] =	ssyncset.done $0x0  }
0x21: {  	s26 =	sadd.s32 s2, s26;
	[sflag:s12] =	ssyncadd.s32 $0xFFFF9C00  }
0x22: {  	[tilespmem:s13], [sflag:$0x2] =	stream.linear.gather [hbm4b:s26+s30], $0xC8, $0x38;
	[tilespmem:$0xA800] =	vst v63  }
0x23: {  	_ =	swait.ge [sflag:s12], $0xC8  }
0x24: {  	[sflag:s12] =	ssyncset.done $0x0  }
0x25: {  	s30 =	simm.s32 $0x0;
	[sflag:s12] =	ssyncadd.s32 $0xFFFFFF38  }
0x26: {  	v24 =	vld [tilespmem:s30+$0x6400];
	_ =	sdelay $0x4  }
0x27: {  	(v2sf) =	vpush v24, $0x0;
	_ =	sdelay $0x8  }
0x28: {  	s26 =	simm.s32 $0x40  }
0x29: {  	v29 =	vld [tilespmem:s26+$0x20]  }
0x2a: {  	v30 =	vld [tilespmem:s26+$0xFFFFFFF0]  }
0x2b: {  	v31 =	vld [tilespmem:s26+$0xFFFFFFD0]  }
0x2c: {  	v32 =	vld [tilespmem:s26+$0xFFFFFFC0]  }
0x2d: {  	v33 =	vld [tilespmem:s26+$0x30]  }
0x2e: {  	s24 =	sadd.f32 $1.000000000e+00, s24;
	v36 =	vld [tilespmem:s26+$0x10];
	s30 =	spop (v2sf)  }
0x2f: {  	v35 =	vld [tilespmem:s26+$0x0];
	p2 =	seq.s32 s30, s28  }
0x30: {  	v34 =	vld [tilespmem:s26+$0xFFFFFFE0];
	p3 =	sne.s32 s30, s28;
	s24 =	simm.s32 @!p2 $0x3F800000  }
0x31: {  	p4 =	seq.s32 s30, s22;
	p5 =	por !p0, !p3;
	s28 =	smax.f32 s24, $1.000000000e+00  }
0x32: {  	s29 =	simm.s32 $0x1;
	v26 =	vadd.f32 v31, v26;
	v25 =	vadd.f32 v30, v25;
	p1 =	por !p1, !p4;
	p4 =	por !p5, !p5;
	v27 =	vmov s28  }
0x33: {  	v22 =	vadd.f32 v33, v22;
	v19 =	vadd.f32 v36, v19;
	s29 =	simm.s32 @!p4 $0x0;
	(erf) = vrcp.f32 v27  }
0x34: {  	v18 =	vadd.f32 v29, v18;
	v21 =	vadd.f32 v32, v21;
	s21 =	sadd.s32 s29, s21  }
0x35: {  	v20 =	vadd.f32 v34, v20;
	v23 =	vadd.f32 v35, v23;
	p4 =	sne.s32 s21, $0x80  }
0x36: {  	v19 =	vpsel p2, v19, v36;
	v18 =	vpsel p2, v18, v29;
	v21 =	vpsel p2, v21, v32;
	p1 =	por !p1, !p1;
	s28 =	simm.s32 @!p4 $0x80  }
0x37: {  	v20 =	vpsel p2, v20, v34;
	v22 =	vpsel p2, v22, v33;
	v25 =	vpsel p2, v25, v30;
	s29 =	simm.s32 @!p4 $0xA500;
	s31 =	simm.s32 @!p4 $0x6500;
	s21 =	simm.s32 @!p4 $0x0  }
0x38: {  	v26 =	vpsel p2, v26, v31;
	v23 =	vpsel p2, v23, v35;
	v28 =	vpsel !p1, $0x0, v32;
	[hbm4b:s4+s28] =	stream.indirect.scatter @!p4 [tilespmem:s31], [sflag:$0x1], $0x80, s29, s28, $0xb8;
	[tilespmem:$0xA800] =	vst v63  }
0x39: {  	v37 =	vpsel !p1, $0x0, v35;
	v38 =	vpsel !p1, $0x0, v29;
	v61 =	vpsel !p1, $0x0, v33;
	s28 =	sand.u32 $0xF, s21  }
0x3a: {  	v39 =	vpsel !p1, $0x0, v34;
	v17 =	vadd.f32 v28, v17;
	v28 =	vmov s28;
	s28 =	simm.s32 @!p4 $0x1  }
0x3b: {  	v62 =	vpsel !p1, $0x0, v30;
	v12 =	vadd.f32 v37, v12;
	v10 =	vadd.f32 v38, v10;
	_ =	swait.ge @!p4 [sflag:s28], $0x4000  }
0x3c: {  	s3 =	simm.f32 $1.000000000e+00;
	v27 =	vpsel !p1, $0x0, v31;
	v9 =	vadd.f32 v61, v9;
	v15 =	vadd.f32 v39, v15;
	v29 =	vpop (erf)  }
0x3d: {  	p0 =	por p0, p3;
	v13 =	vadd.f32 v62, v13;
	s29 =	sshll.u32 s21, $0x9;
	[sflag:s28] =	ssyncset.done @!p4 $0x0;
	v33 =	vmul.f32 v29, v21;
	v63 =	vmul.f32 v22, v29  }
0x3e: {  	s3 =	simm.s32 @!p1 $0x0;
	v16 =	vadd.f32 v27, v16;
	s31 =	sshra.s32 s29, $0x2;
	[sflag:s28] =	ssyncadd.s32 @!p4 $0xFFFFC000;
	v31 =	vmul.f32 v29, v20;
	v34 =	vmul.f32 v29, v25  }
0x3f: {  	s23 =	sadd.f32 s3, s23;
	v27 =	vpsel !p1, $0x0, v36;
	s29 =	simm.s32 $0x4;
	s28 =	smov.u32 s30;
	v30 =	vmul.f32 v29, v26;
	v32 =	vmul.f32 v19, v29;
	[tilespmem:s31+$0x6570] =	vst v63  }
.LBB2_3:
0x40: {  	[tilespmem:s31+$0x6500] =	vst v33;
	v33 =	vmul.f32 v29, v23;
	v29 =	vmul.f32 v18, v29;
	v11 =	vadd.f32 v27, v11;
	s26 =	sadd.s32 $0x80, s26;
	s3 =	smov.u32 s29;
	s29 =	sadd.s32 $0x4, s29  }
0x41: {  	s30 =	smov.u32 s28;
	p2 =	sne.s32 s29, $0x320;
	[tilespmem:s31+$0x6530] =	vst v34  }
0x42: {  	[tilespmem:s31+$0x6520] =	vst v31  }
0x43: {  	v24 =	vbroadcast v24, $0x0;
	[tilespmem:s31+$0x6540] =	vst v33  }
0x44: {  	vm3 =	veq.s32 v28, v0;
	[tilespmem:s31+$0x6550] =	vst v32  }
0x45: {  	s28 =	sand.u32 $0xFFFFFFF0, s21;
	v14 =	vsel vm3, v24, v14;
	[tilespmem:s31+$0x6560] =	vst v29  }
0x46: {  	[tilespmem:s31+$0x6510] =	vst v30  }
0x47: {  	s3 =	sshra.s32 s3, $0x2;
	[tilespmem:s28+$0xA500] =	vst v14  }
0x48: {  	v24 =	vld [tilespmem:s3+$0x6400];
	_ =	sdelay $0x4  }
0x49: {  	(v2sf) =	vpush v24, $0x0;
	_ =	sdelay $0x9  }
0x4a: {  	v29 =	vld [tilespmem:s26+$0x20]  }
0x4b: {  	v30 =	vld [tilespmem:s26+$0x10]  }
0x4c: {  	v31 =	vld [tilespmem:s26+$0xFFFFFFF0]  }
0x4d: {  	v32 =	vld [tilespmem:s26+$0xFFFFFFD0]  }
0x4e: {  	v33 =	vld [tilespmem:s26+$0xFFFFFFC0]  }
0x4f: {  	s24 =	sadd.f32 $1.000000000e+00, s24;
	s28 =	spop (v2sf)  }
0x50: {  	v34 =	vld [tilespmem:s26+$0xFFFFFFE0];
	p4 =	sne.s32 s28, s30;
	p3 =	seq.s32 s28, s30  }
0x51: {  	v35 =	vld [tilespmem:s26+$0x0];
	p5 =	seq.s32 s28, s22;
	s30 =	simm.s32 $0x1;
	s24 =	simm.s32 @!p3 $0x3F800000  }
0x52: {  	v36 =	vld [tilespmem:s26+$0x30];
	p6 =	por !p0, !p4;
	p1 =	por !p1, !p5;
	s3 =	smax.f32 s24, $1.000000000e+00  }
0x53: {  	v25 =	vadd.f32 v31, v25;
	p5 =	por !p6, !p6;
	v26 =	vadd.f32 v32, v26;
	p1 =	por !p1, !p1;
	v27 =	vmov s3;
	s3 =	simm.f32 $1.000000000e+00  }
0x54: {  	p0 =	por p0, p4;
	s30 =	simm.s32 @!p5 $0x0;
	v28 =	vpsel !p1, $0x0, v33;
	v37 =	vpsel !p1, $0x0, v32;
	s3 =	simm.s32 @!p1 $0x0  }
0x55: {  	v39 =	vpsel !p1, $0x0, v31;
	s21 =	sadd.s32 s30, s21;
	v38 =	vpsel !p1, $0x0, v34;
	s23 =	sadd.f32 s3, s23;
	(erf) = vrcp.f32 v27  }
0x56: {  	v41 =	vpsel !p1, $0x0, v29;
	p4 =	sne.s32 s21, $0x80;
	v40 =	vpsel !p1, $0x0, v35;
	v27 =	vpsel !p1, $0x0, v30  }
0x57: {  	s3 =	simm.s32 @!p4 $0x80;
	s30 =	simm.s32 @!p4 $0xA500;
	s31 =	simm.s32 @!p4 $0x6500;
	v22 =	vadd.f32 v36, v22;
	v12 =	vadd.f32 v40, v12;
	v40 =	vpsel !p1, $0x0, v36  }
0x58: {  	v10 =	vadd.f32 v41, v10;
	v9 =	vadd.f32 v40, v9;
	[hbm4b:s4+s3] =	stream.indirect.scatter @!p4 [tilespmem:s31], [sflag:$0x1], $0x80, s30, s3, $0xb8;
	[tilespmem:$0xA800] =	vst v63  }
0x59: {  	v17 =	vadd.f32 v28, v17;
	v15 =	vadd.f32 v38, v15;
	s21 =	simm.s32 @!p4 $0x0  }
0x5a: {  	v16 =	vadd.f32 v37, v16;
	v13 =	vadd.f32 v39, v13;
	s3 =	sand.u32 $0xF, s21;
	s30 =	sshll.u32 s21, $0x9  }
0x5b: {  	v18 =	vadd.f32 v29, v18;
	v19 =	vadd.f32 v30, v19;
	v28 =	vmov s3  }
0x5c: {  	v21 =	vadd.f32 v33, v21;
	v20 =	vadd.f32 v34, v20  }
0x5d: {  	v18 =	vpsel p3, v18, v29;
	v19 =	vpsel p3, v19, v30;
	v23 =	vadd.f32 v35, v23;
	s3 =	simm.s32 @!p4 $0x1  }
.Ltmp0:
0x5e: {  	_ =	swait.ge @!p4 [sflag:s3], $0x4000;
	(pc) =	sbr.rel @p2 .LBB2_3-.Ltmp0, $4  }
0x5f: {  	v21 =	vpsel p3, v21, v33;
	v20 =	vpsel p3, v20, v34;
	v22 =	vpsel p3, v22, v36;
	v29 =	vpop (erf)  }
0x60: {  	v25 =	vpsel p3, v25, v31;
	[sflag:s3] =	ssyncset.done @!p4 $0x0;
	v33 =	vmul.f32 v29, v21;
	v36 =	vmul.f32 v22, v29  }
0x61: {  	v26 =	vpsel p3, v26, v32;
	s31 =	sshra.s32 s30, $0x2;
	v31 =	vmul.f32 v29, v20;
	v34 =	vmul.f32 v29, v25;
	[sflag:s3] =	ssyncadd.s32 @!p4 $0xFFFFC000  }
0x62: {  	v23 =	vpsel p3, v23, v35;
	v30 =	vmul.f32 v29, v26;
	v32 =	vmul.f32 v19, v29;
	[tilespmem:s31+$0x6570] =	vst v36  }
0x63: {  	[tilespmem:s31+$0x6500] =	vst v33  }
0x64: {  	[tilespmem:s31+$0x6530] =	vst v34;
	s25 =	sadd.s32 $0x1, s25  }
0x65: {  	[tilespmem:s31+$0x6520] =	vst v31;
	p2 =	sne.s32 s25, $0x19  }
.Ltmp1:
0x66: {  	v62 =	vmul.f32 v29, v23;
	[tilespmem:s31+$0x6550] =	vst v32;
	(pc) =	sbr.rel @p2 .LBB2_2-.Ltmp1, $4  }
0x67: {  	v63 =	vmul.f32 v18, v29;
	v24 =	vbroadcast v24, $0x0;
	[tilespmem:s31+$0x6510] =	vst v30  }
0x68: {  	vm3 =	veq.s32 v28, v0;
	[tilespmem:s31+$0x6540] =	vst v62  }
0x69: {  	s3 =	sand.u32 $0xFFFFFFF0, s21;
	v11 =	vadd.f32 v27, v11;
	[tilespmem:s31+$0x6560] =	vst v63;
	v14 =	vsel vm3, v24, v14  }
0x6a: {  	[tilespmem:s3+$0xA500] =	vst v14  }
0x6b: {  	[tilespmem:$0xA600] =	vst v17  }
0x6c: {  	[tilespmem:$0xA680] =	vst v21  }
0x6d: {  	[tilespmem:$0xA610] =	vst v16  }
0x6e: {  	[tilespmem:$0xA690] =	vst v26  }
0x6f: {  	[tilespmem:$0xA620] =	vst v15  }
0x70: {  	[tilespmem:$0xA6A0] =	vst v20  }
0x71: {  	[tilespmem:$0xA630] =	vst v13  }
0x72: {  	[tilespmem:$0xA6B0] =	vst v25  }
0x73: {  	[tilespmem:$0xA640] =	vst v12  }
0x74: {  	[tilespmem:$0xA6C0] =	vst v23  }
0x75: {  	[tilespmem:$0xA650] =	vst v11  }
0x76: {  	[tilespmem:$0xA6D0] =	vst v19  }
0x77: {  	[tilespmem:$0xA660] =	vst v10;
	s3 =	scvt.s32.f32 s22;
	v10 =	vmov s23  }
0x78: {  	[tilespmem:$0xA6E0] =	vst v18;
	s31 =	scvt.s32.f32 s28;
	v11 =	vmov s24;
	v10 =	vnsel vm0, $0x0, v10  }
0x79: {  	[tilespmem:$0xA670] =	vst v9;
	s23 =	simm.f32 $1.000000000e+00;
	v9 =	vsel vm1, s3, v10;
	v10 =	vnsel vm0, $0x0, v11  }
0x7a: {  	[tilespmem:$0xA6F0] =	vst v22;
	s23 =	simm.s32 @!p0 $0x0;
	v9 =	vsel vm2, $0x3F800000, v9;
	v10 =	vsel vm1, s31, v10  }
0x7b: {  	v10 =	vsel vm2, s23, v10;
	[tilespmem:$0xA700] =	vst v9  }
0x7c: {  	[tilespmem:$0xA780] =	vst v10  }
0x7d: {  	[hbm4b:s8+s5] =	stream.linear.scatter [tilespmem:s15], [sflag:$0x2], $0x100, $0x38;
	[tilespmem:$0xA800] =	vst v63  }
0x7e: {  	_ =	swait.ge [sflag:s12], $0x100  }
0x7f: {  	[sflag:s12] =	ssyncset.done $0x0  }
0x80: {  	[sflag:s12] =	ssyncadd.s32 $0xFFFFFF00  }
0x81: {  	[hbm4b:s9+s5] =	stream.linear.scatter [tilespmem:s16], [sflag:$0x2], $0x100, $0x38;
	[tilespmem:$0xA800] =	vst v63  }
0x82: {  	_ =	swait.ge [sflag:s12], $0x100  }
0x83: {  	[sflag:s12] =	ssyncset.done $0x0  }
0x84: {  	[sflag:s12] =	ssyncadd.s32 $0xFFFFFF00  }
0x85: {  	v9 =	vld [tilespmem:$0xA500]  }
0x86: {  	v10 =	vld [tilespmem:$0xA510]  }
0x87: {  	v11 =	vld [tilespmem:$0xA520]  }
0x88: {  	v61 =	vmov s21;
	v62 =	vld [tilespmem:$0xA530]  }
0x89: {  	vm3 =	vlt.s32 v61, v1;
	v14 =	vld [tilespmem:$0xA540]  }
0x8a: {  	v63 =	vld [tilespmem:$0xA550];
	v9 =	vsel vm3, $0x13880, v9;
	vm3 =	vlt.s32 v61, v2  }
0x8b: {  	[tilespmem:$0xA500] =	vst v9;
	v9 =	vsel vm3, $0x13880, v10;
	vm3 =	vlt.s32 v61, v3;
	v10 =	vld [tilespmem:$0xA560]  }
0x8c: {  	[tilespmem:$0xA510] =	vst v9;
	v9 =	vsel vm3, $0x13880, v11;
	vm3 =	vlt.s32 v61, v4;
	v11 =	vld [tilespmem:$0xA570]  }
0x8d: {  	[tilespmem:$0xA520] =	vst v9;
	v9 =	vsel vm3, $0x13880, v62;
	vm3 =	vlt.s32 v61, v5  }
0x8e: {  	[tilespmem:$0xA530] =	vst v9;
	v9 =	vsel vm3, $0x13880, v14;
	vm3 =	vlt.s32 v61, v6  }
0x8f: {  	[tilespmem:$0xA540] =	vst v9;
	v9 =	vsel vm3, $0x13880, v63;
	vm3 =	vlt.s32 v61, v7  }
0x90: {  	s20 =	sadd.s32 $0x1, s20;
	[tilespmem:$0xA550] =	vst v9;
	v9 =	vsel vm3, $0x13880, v10;
	vm3 =	vlt.s32 v61, v8  }
0x91: {  	p0 =	sne.s32 s20, s10;
	[tilespmem:$0xA560] =	vst v9;
	v9 =	vsel vm3, $0x13880, v11  }
.Ltmp2:
0x92: {  	[tilespmem:$0xA570] =	vst v9;
	(pc) =	sbr.rel @p0 .LBB2_1-.Ltmp2, $4  }
0x93: {  	[hbm4b:s4+s17] =	stream.indirect.scatter [tilespmem:s19], [sflag:$0x1], $0x80, s18, s17, $0xb8;
	[tilespmem:$0xA800] =	vst v63  }
0x94: {  	_ =	swait.ge [sflag:s14], $0x4000  }
0x95: {  	[sflag:s14] =	ssyncset.done $0x0  }
0x96: {  	[sflag:s14] =	ssyncadd.s32 $0xFFFFC000  }
0x97: {  	_ =	sfence.sel $0x180000  }
0x98: {  	[bflag:$0x0] =	sbarrier.arrive $0xFFFF  }
0x99: {  	_ =	strace $0x90000047  }
0x9a: {  	[bflag:$0x2] =	sbarrier.arrive $0xFFFF  }
0x9b: {  	p0 =	sne.s32 s0, $0x0;
	s0 =	rddreg [dreg:$0x4]  }
0x9c: {  	s0 =	sadd.s32 @!p0 $0x100000, s0  }
0x9d: {  	[sflag:s0] =	ssyncadd.tile.s32 @!p0 $0x1;
	_ =	shalt  }
.Lfunc_end2:
_tile_overlayer_lowered:
.L_overlay_start_2:
0x9e: {  	(tag) =	ssettag $0x2  }
0x9f: {  	s0 =	rddreg [dreg:$0x0];
	s2 =	stileid.u32  }
0xa0: {  	s1 =	rddreg [dreg:$0x1];
	p0 =	sne.s32 s2, $0x0  }
0xa1: {  	s3 =	rddreg [dreg:$0x2];
	[bflag:$0x3] =	sbarrier.arrive $0xFFFF;
	s2 =	simm.s32 @!p0 $0x1C02  }
0xa2: {  	[timem:s3], [sflag:s2] =	dma.local @!p0 [hbm:s0], s1  }
0xa3: {  	s0 =	simm.s32 @!p0 $0x2  }
0xa4: {  	_ =	swait.ge @!p0 [sflag:s0], s1  }
0xa5: {  	s1 =	ssub.s32 @!p0 $0x0, s1;
	[sflag:s0] =	ssyncset.done @!p0 $0x0  }
0xa6: {  	[sflag:s0] =	ssyncadd.s32 @!p0 s1  }
0xa7: {  	[bflag:$0x3] =	sbarrier.arrive $0xFFFF  }
0xa8: {  	_ =	shalt  }

</sc_bundles>
